<compile_context>
chip_gen: v7x
topology: tpu7x:2x2x1
jax: 0.10.2.dev20260603
libtpu: 0.0.44.dev20260713+nightly
codegen_flags: <defaults>
</compile_context>

<pallas_src>
import jax
import jax.numpy as jnp
from jax import lax
from jax.experimental import pallas as pl
from jax.experimental.pallas import tpu as pltpu, tpu_sc as plsc

NUM_DOMAINS = 5
EMBED_DIM = 16
BATCH = 16384
L = 16

NC = 2
NS = 16
NW = NC * NS
B_PER_W = BATCH // NW
N_BLOCKS = B_PER_W // L
BLK_ELEMS = L * EMBED_DIM

N_CHUNKS = 4
BLK_PER_CHUNK = N_BLOCKS // N_CHUNKS
ELEM_PER_CHUNK = BLK_PER_CHUNK * BLK_ELEMS

_mesh = plsc.VectorSubcoreMesh(core_axis_name="c", subcore_axis_name="s")


def _body(ids_hbm, table_hbm, out_hbm, idx_v, tab_v, rows_v, sem):
    wid = lax.axis_index("s") * NC + lax.axis_index("c")
    base = wid * B_PER_W
    c_tab = pltpu.async_copy(table_hbm, tab_v, sem)
    c_ids = pltpu.async_copy(ids_hbm.at[pl.ds(base, B_PER_W)], idx_v, sem)
    c_tab.wait()
    c_ids.wait()
    iota = lax.iota(jnp.int32, L)
    iota16 = iota * EMBED_DIM
    rots = [(iota + d) & (L - 1) for d in range(EMBED_DIM)]
    soffs = [iota16 + r for r in rots]

    def block(b):
        v_ids16 = idx_v[pl.ds(b * L, L)] * EMBED_DIM
        blk = rows_v.at[pl.ds(b * BLK_ELEMS, BLK_ELEMS)]
        for d in range(EMBED_DIM):
            vals = plsc.load_gather(tab_v, [v_ids16 + rots[d]])
            plsc.store_scatter(blk, [soffs[d]], vals)

    def step(s, _):
        block(4 * s)
        block(4 * s + 1)
        block(4 * s + 2)
        block(4 * s + 3)
        return 0

    pend = []
    for c in range(N_CHUNKS):
        lax.fori_loop(
            c * BLK_PER_CHUNK // 4, (c + 1) * BLK_PER_CHUNK // 4, step, 0
        )
        e0 = c * ELEM_PER_CHUNK
        pend.append(
            pltpu.async_copy(
                rows_v.at[pl.ds(e0, ELEM_PER_CHUNK)],
                out_hbm.at[pl.ds(base * EMBED_DIM + e0, ELEM_PER_CHUNK)],
                sem,
            )
        )
    for p in pend:
        p.wait()


_sc_lookup = pl.kernel(
    _body,
    out_type=jax.ShapeDtypeStruct((BATCH * EMBED_DIM,), jnp.float32),
    mesh=_mesh,
    scratch_types=[
        pltpu.VMEM((B_PER_W,), jnp.int32),
        pltpu.VMEM((NUM_DOMAINS * EMBED_DIM,), jnp.float32),
        pltpu.VMEM((B_PER_W * EMBED_DIM,), jnp.float32),
        pltpu.SemaphoreType.DMA,
    ],
    compiler_params=pltpu.CompilerParams(
        use_tc_tiling_on_sc=True, needs_layout_passes=False
    ),
)


@jax.jit
def kernel(domain_ids, table):
    flat = _sc_lookup(domain_ids.astype(jnp.int32), table.reshape(-1))
    return flat.reshape(BATCH, EMBED_DIM)

# --- scband reference (transcript-rebuilt; emitter-appended) ---
"""Pipeline reference for scband-domain-embedding-27041114095746 (READ-ONLY COPY).

The authoritative reference and input builder live on the scoring server;
editing this copy changes nothing except your own understanding.
"""

import jax, jax.numpy as jnp
import numpy as np

NUM_DOMAINS = 5
EMBED_DIM = 16
BATCH = 16384

def setup_inputs(seed: int = 0) -> dict:
    key = jax.random.key(seed)
    k1, k2 = jax.random.split(key)
    domain_ids = jax.random.randint(k1, (BATCH,), 0, NUM_DOMAINS, dtype=jnp.int64 if jax.config.jax_enable_x64 else jnp.int32)
    table = jax.random.normal(k2, (NUM_DOMAINS, EMBED_DIM), dtype=jnp.float32)
    return {"domain_ids": domain_ids, "table": table}

def reference(domain_ids, table):
    # nn.Embedding lookup: table[domain_ids]
    return jnp.take(table, domain_ids, axis=0)

if __name__ == "__main__":
    import jax
    _d = setup_inputs()
    print(jax.jit(kernel)(*tuple(_d.values())))

</pallas_src>

<mosaic_0001>
#map = affine_map<(d0, d1) -> (0)>
module attributes {stable_mosaic.version = 14 : i64} {
  func.func @_body(%arg0: i32, %arg1: i32, %arg2: memref<16384xi32, #tpu.memory_space<hbm>>, %arg3: memref<80xf32, #tpu.memory_space<hbm>>, %arg4: memref<262144xf32, #tpu.memory_space<hbm>>, %arg5: memref<512xi32, #tpu.memory_space<vmem>>, %arg6: memref<80xf32, #tpu.memory_space<vmem>>, %arg7: memref<8192xf32, #tpu.memory_space<vmem>>, %arg8: memref<!tpu.dma_semaphore, #tpu.memory_space<semaphore_mem>>) attributes {dimension_semantics = [#tpu.dimension_semantics<core_parallel>, #tpu.dimension_semantics<subcore_parallel>], iteration_bounds = array<i64: 2, 16>, scalar_prefetch = 0 : i64, scratch_operands = 4 : i64, tpu.core_type = #tpu.core_type<sc_vector_subcore>, window_params = [{transform_indices = #map}, {transform_indices = #map}, {transform_indices = #map}]} {
    %mul3A = arith.constant 2 : i32
    %mul3A_0 = arith.muli %arg1, %mul3A : i32
    %add3A = arith.addi %mul3A_0, %arg0 : i32
    %mul3A_1 = arith.constant 512 : i32
    %mul3A_2 = arith.muli %add3A, %mul3A_1 : i32
    tpu.enqueue_dma source(%arg3 : memref<80xf32, #tpu.memory_space<hbm>>) target(%arg6 : memref<80xf32, #tpu.memory_space<vmem>>) target_semaphore(%arg8 : memref<!tpu.dma_semaphore, #tpu.memory_space<semaphore_mem>>)
    %dma_start3A = tpu.memref_slice %arg2[%mul3A_2] : memref<16384xi32, #tpu.memory_space<hbm>> -> memref<512xi32, #tpu.memory_space<hbm>>
    %dma_start3A_3 = tpu.memref_slice %arg2[%mul3A_2] : memref<16384xi32, #tpu.memory_space<hbm>> -> memref<512xi32, #tpu.memory_space<hbm>>
    tpu.enqueue_dma source(%dma_start3A_3 : memref<512xi32, #tpu.memory_space<hbm>>) target(%arg5 : memref<512xi32, #tpu.memory_space<vmem>>) target_semaphore(%arg8 : memref<!tpu.dma_semaphore, #tpu.memory_space<semaphore_mem>>)
    tpu.wait_dma2 semaphore(%arg8 : memref<!tpu.dma_semaphore, #tpu.memory_space<semaphore_mem>>) src(%arg3 : memref<80xf32, #tpu.memory_space<hbm>>) dst(%arg6 : memref<80xf32, #tpu.memory_space<vmem>>)
    %dma_wait3A = tpu.memref_slice %arg2[%mul3A_2] : memref<16384xi32, #tpu.memory_space<hbm>> -> memref<512xi32, #tpu.memory_space<hbm>>
    %dma_wait3A_4 = tpu.memref_slice %arg2[%mul3A_2] : memref<16384xi32, #tpu.memory_space<hbm>> -> memref<512xi32, #tpu.memory_space<hbm>>
    tpu.wait_dma2 semaphore(%arg8 : memref<!tpu.dma_semaphore, #tpu.memory_space<semaphore_mem>>) src(%dma_wait3A_4 : memref<512xi32, #tpu.memory_space<hbm>>) dst(%arg5 : memref<512xi32, #tpu.memory_space<vmem>>)
    %iota3A = tpu.iota {dimensions = array<i32: 0>} : vector<16xi32>
    %mul3A_5 = arith.constant 16 : i32
    %mul3A_6 = vector.broadcast %mul3A_5 : i32 to vector<16xi32>
    %mul3A_7 = arith.muli %iota3A, %mul3A_6 : vector<16xi32>
    %add3A_8 = arith.constant 0 : i32
    %add3A_9 = vector.broadcast %add3A_8 : i32 to vector<16xi32>
    %add3A_10 = arith.addi %iota3A, %add3A_9 : vector<16xi32>
    %and3A = arith.constant 15 : i32
    %and3A_11 = vector.broadcast %and3A : i32 to vector<16xi32>
    %and3A_12 = arith.andi %add3A_10, %and3A_11 : vector<16xi32>
    %add3A_13 = arith.constant 1 : i32
    %add3A_14 = vector.broadcast %add3A_13 : i32 to vector<16xi32>
    %add3A_15 = arith.addi %iota3A, %add3A_14 : vector<16xi32>
    %and3A_16 = arith.constant 15 : i32
    %and3A_17 = vector.broadcast %and3A_16 : i32 to vector<16xi32>
    %and3A_18 = arith.andi %add3A_15, %and3A_17 : vector<16xi32>
    %add3A_19 = arith.constant 2 : i32
    %add3A_20 = vector.broadcast %add3A_19 : i32 to vector<16xi32>
    %add3A_21 = arith.addi %iota3A, %add3A_20 : vector<16xi32>
    %and3A_22 = arith.constant 15 : i32
    %and3A_23 = vector.broadcast %and3A_22 : i32 to vector<16xi32>
    %and3A_24 = arith.andi %add3A_21, %and3A_23 : vector<16xi32>
    %add3A_25 = arith.constant 3 : i32
    %add3A_26 = vector.broadcast %add3A_25 : i32 to vector<16xi32>
    %add3A_27 = arith.addi %iota3A, %add3A_26 : vector<16xi32>
    %and3A_28 = arith.constant 15 : i32
    %and3A_29 = vector.broadcast %and3A_28 : i32 to vector<16xi32>
    %and3A_30 = arith.andi %add3A_27, %and3A_29 : vector<16xi32>
    %add3A_31 = arith.constant 4 : i32
    %add3A_32 = vector.broadcast %add3A_31 : i32 to vector<16xi32>
    %add3A_33 = arith.addi %iota3A, %add3A_32 : vector<16xi32>
    %and3A_34 = arith.constant 15 : i32
    %and3A_35 = vector.broadcast %and3A_34 : i32 to vector<16xi32>
    %and3A_36 = arith.andi %add3A_33, %and3A_35 : vector<16xi32>
    %add3A_37 = arith.constant 5 : i32
    %add3A_38 = vector.broadcast %add3A_37 : i32 to vector<16xi32>
    %add3A_39 = arith.addi %iota3A, %add3A_38 : vector<16xi32>
    %and3A_40 = arith.constant 15 : i32
    %and3A_41 = vector.broadcast %and3A_40 : i32 to vector<16xi32>
    %and3A_42 = arith.andi %add3A_39, %and3A_41 : vector<16xi32>
    %add3A_43 = arith.constant 6 : i32
    %add3A_44 = vector.broadcast %add3A_43 : i32 to vector<16xi32>
    %add3A_45 = arith.addi %iota3A, %add3A_44 : vector<16xi32>
    %and3A_46 = arith.constant 15 : i32
    %and3A_47 = vector.broadcast %and3A_46 : i32 to vector<16xi32>
    %and3A_48 = arith.andi %add3A_45, %and3A_47 : vector<16xi32>
    %add3A_49 = arith.constant 7 : i32
    %add3A_50 = vector.broadcast %add3A_49 : i32 to vector<16xi32>
    %add3A_51 = arith.addi %iota3A, %add3A_50 : vector<16xi32>
    %and3A_52 = arith.constant 15 : i32
    %and3A_53 = vector.broadcast %and3A_52 : i32 to vector<16xi32>
    %and3A_54 = arith.andi %add3A_51, %and3A_53 : vector<16xi32>
    %add3A_55 = arith.constant 8 : i32
    %add3A_56 = vector.broadcast %add3A_55 : i32 to vector<16xi32>
    %add3A_57 = arith.addi %iota3A, %add3A_56 : vector<16xi32>
    %and3A_58 = arith.constant 15 : i32
    %and3A_59 = vector.broadcast %and3A_58 : i32 to vector<16xi32>
    %and3A_60 = arith.andi %add3A_57, %and3A_59 : vector<16xi32>
    %add3A_61 = arith.constant 9 : i32
    %add3A_62 = vector.broadcast %add3A_61 : i32 to vector<16xi32>
    %add3A_63 = arith.addi %iota3A, %add3A_62 : vector<16xi32>
    %and3A_64 = arith.constant 15 : i32
    %and3A_65 = vector.broadcast %and3A_64 : i32 to vector<16xi32>
    %and3A_66 = arith.andi %add3A_63, %and3A_65 : vector<16xi32>
    %add3A_67 = arith.constant 10 : i32
    %add3A_68 = vector.broadcast %add3A_67 : i32 to vector<16xi32>
    %add3A_69 = arith.addi %iota3A, %add3A_68 : vector<16xi32>
    %and3A_70 = arith.constant 15 : i32
    %and3A_71 = vector.broadcast %and3A_70 : i32 to vector<16xi32>
    %and3A_72 = arith.andi %add3A_69, %and3A_71 : vector<16xi32>
    %add3A_73 = arith.constant 11 : i32
    %add3A_74 = vector.broadcast %add3A_73 : i32 to vector<16xi32>
    %add3A_75 = arith.addi %iota3A, %add3A_74 : vector<16xi32>
    %and3A_76 = arith.constant 15 : i32
    %and3A_77 = vector.broadcast %and3A_76 : i32 to vector<16xi32>
    %and3A_78 = arith.andi %add3A_75, %and3A_77 : vector<16xi32>
    %add3A_79 = arith.constant 12 : i32
    %add3A_80 = vector.broadcast %add3A_79 : i32 to vector<16xi32>
    %add3A_81 = arith.addi %iota3A, %add3A_80 : vector<16xi32>
    %and3A_82 = arith.constant 15 : i32
    %and3A_83 = vector.broadcast %and3A_82 : i32 to vector<16xi32>
    %and3A_84 = arith.andi %add3A_81, %and3A_83 : vector<16xi32>
    %add3A_85 = arith.constant 13 : i32
    %add3A_86 = vector.broadcast %add3A_85 : i32 to vector<16xi32>
    %add3A_87 = arith.addi %iota3A, %add3A_86 : vector<16xi32>
    %and3A_88 = arith.constant 15 : i32
    %and3A_89 = vector.broadcast %and3A_88 : i32 to vector<16xi32>
    %and3A_90 = arith.andi %add3A_87, %and3A_89 : vector<16xi32>
    %add3A_91 = arith.constant 14 : i32
    %add3A_92 = vector.broadcast %add3A_91 : i32 to vector<16xi32>
    %add3A_93 = arith.addi %iota3A, %add3A_92 : vector<16xi32>
    %and3A_94 = arith.constant 15 : i32
    %and3A_95 = vector.broadcast %and3A_94 : i32 to vector<16xi32>
    %and3A_96 = arith.andi %add3A_93, %and3A_95 : vector<16xi32>
    %add3A_97 = arith.constant 15 : i32
    %add3A_98 = vector.broadcast %add3A_97 : i32 to vector<16xi32>
    %add3A_99 = arith.addi %iota3A, %add3A_98 : vector<16xi32>
    %and3A_100 = arith.constant 15 : i32
    %and3A_101 = vector.broadcast %and3A_100 : i32 to vector<16xi32>
    %and3A_102 = arith.andi %add3A_99, %and3A_101 : vector<16xi32>
    %add3A_103 = arith.addi %mul3A_7, %and3A_12 : vector<16xi32>
    %add3A_104 = arith.addi %mul3A_7, %and3A_18 : vector<16xi32>
    %add3A_105 = arith.addi %mul3A_7, %and3A_24 : vector<16xi32>
    %add3A_106 = arith.addi %mul3A_7, %and3A_30 : vector<16xi32>
    %add3A_107 = arith.addi %mul3A_7, %and3A_36 : vector<16xi32>
    %add3A_108 = arith.addi %mul3A_7, %and3A_42 : vector<16xi32>
    %add3A_109 = arith.addi %mul3A_7, %and3A_48 : vector<16xi32>
    %add3A_110 = arith.addi %mul3A_7, %and3A_54 : vector<16xi32>
    %add3A_111 = arith.addi %mul3A_7, %and3A_60 : vector<16xi32>
    %add3A_112 = arith.addi %mul3A_7, %and3A_66 : vector<16xi32>
    %add3A_113 = arith.addi %mul3A_7, %and3A_72 : vector<16xi32>
    %add3A_114 = arith.addi %mul3A_7, %and3A_78 : vector<16xi32>
    %add3A_115 = arith.addi %mul3A_7, %and3A_84 : vector<16xi32>
    %add3A_116 = arith.addi %mul3A_7, %and3A_90 : vector<16xi32>
    %add3A_117 = arith.addi %mul3A_7, %and3A_96 : vector<16xi32>
    %add3A_118 = arith.addi %mul3A_7, %and3A_102 : vector<16xi32>
    %scan3A = arith.constant 0 : i32
    %scan3A_119 = arith.constant 0 : i32
    %scan3A_120 = arith.constant 2 : i32
    %scan3A_121 = arith.addi %scan3A_119, %scan3A_120 : i32
    %scan3A_122 = arith.constant 1 : i32
    %scan3A_123 = scf.for %scan3A_210 = %scan3A_119 to %scan3A_121 step %scan3A_122 iter_args(%scan3A_211 = %scan3A) -> (i32)  : i32 {
      %mul3A_212 = arith.constant 4 : i32
      %mul3A_213 = arith.muli %mul3A_212, %scan3A_210 : i32
      %mul3A_214 = arith.constant 16 : i32
      %mul3A_215 = arith.muli %mul3A_213, %mul3A_214 : i32
      %get3A = arith.index_cast %mul3A_215 : i32 to index
      %get3A_216 = tpu.vector_load %arg5[%get3A] {strides = array<i32>} : memref<512xi32, #tpu.memory_space<vmem>>, vector<16xi32>,
      %mul3A_217 = arith.constant 16 : i32
      %mul3A_218 = vector.broadcast %mul3A_217 : i32 to vector<16xi32>
      %mul3A_219 = arith.muli %get3A_216, %mul3A_218 : vector<16xi32>
      %mul3A_220 = arith.constant 256 : i32
      %mul3A_221 = arith.muli %mul3A_213, %mul3A_220 : i32
      %add3A_222 = arith.addi %mul3A_219, %and3A_12 : vector<16xi32>
      %gather3A = tpu.vector_load_idx %arg6[%add3A_222] : memref<80xf32, #tpu.memory_space<vmem>>[vector<16xi32>], vector<16xf32>,
      %scatter3A = tpu.memref_slice %arg7[%mul3A_221] : memref<8192xf32, #tpu.memory_space<vmem>> -> memref<256xf32, #tpu.memory_space<vmem>>
      tpu.vector_store_idx %scatter3A[%add3A_103], %gather3A : memref<256xf32, #tpu.memory_space<vmem>>[vector<16xi32>], vector<16xf32>,
      %add3A_223 = arith.addi %mul3A_219, %and3A_18 : vector<16xi32>
      %gather3A_224 = tpu.vector_load_idx %arg6[%add3A_223] : memref<80xf32, #tpu.memory_space<vmem>>[vector<16xi32>], vector<16xf32>,
      %scatter3A_225 = tpu.memref_slice %arg7[%mul3A_221] : memref<8192xf32, #tpu.memory_space<vmem>> -> memref<256xf32, #tpu.memory_space<vmem>>
      tpu.vector_store_idx %scatter3A_225[%add3A_104], %gather3A_224 : memref<256xf32, #tpu.memory_space<vmem>>[vector<16xi32>], vector<16xf32>,
      %add3A_226 = arith.addi %mul3A_219, %and3A_24 : vector<16xi32>
      %gather3A_227 = tpu.vector_load_idx %arg6[%add3A_226] : memref<80xf32, #tpu.memory_space<vmem>>[vector<16xi32>], vector<16xf32>,
      %scatter3A_228 = tpu.memref_slice %arg7[%mul3A_221] : memref<8192xf32, #tpu.memory_space<vmem>> -> memref<256xf32, #tpu.memory_space<vmem>>
      tpu.vector_store_idx %scatter3A_228[%add3A_105], %gather3A_227 : memref<256xf32, #tpu.memory_space<vmem>>[vector<16xi32>], vector<16xf32>,
      %add3A_229 = arith.addi %mul3A_219, %and3A_30 : vector<16xi32>
      %gather3A_230 = tpu.vector_load_idx %arg6[%add3A_229] : memref<80xf32, #tpu.memory_space<vmem>>[vector<16xi32>], vector<16xf32>,
      %scatter3A_231 = tpu.memref_slice %arg7[%mul3A_221] : memref<8192xf32, #tpu.memory_space<vmem>> -> memref<256xf32, #tpu.memory_space<vmem>>
      tpu.vector_store_idx %scatter3A_231[%add3A_106], %gather3A_230 : memref<256xf32, #tpu.memory_space<vmem>>[vector<16xi32>], vector<16xf32>,
      %add3A_232 = arith.addi %mul3A_219, %and3A_36 : vector<16xi32>
      %gather3A_233 = tpu.vector_load_idx %arg6[%add3A_232] : memref<80xf32, #tpu.memory_space<vmem>>[vector<16xi32>], vector<16xf32>,
      %scatter3A_234 = tpu.memref_slice %arg7[%mul3A_221] : memref<8192xf32, #tpu.memory_space<vmem>> -> memref<256xf32, #tpu.memory_space<vmem>>
      tpu.vector_store_idx %scatter3A_234[%add3A_107], %gather3A_233 : memref<256xf32, #tpu.memory_space<vmem>>[vector<16xi32>], vector<16xf32>,
      %add3A_235 = arith.addi %mul3A_219, %and3A_42 : vector<16xi32>
      %gather3A_236 = tpu.vector_load_idx %arg6[%add3A_235] : memref<80xf32, #tpu.memory_space<vmem>>[vector<16xi32>], vector<16xf32>,
      %scatter3A_237 = tpu.memref_slice %arg7[%mul3A_221] : memref<8192xf32, #tpu.memory_space<vmem>> -> memref<256xf32, #tpu.memory_space<vmem>>
      tpu.vector_store_idx %scatter3A_237[%add3A_108], %gather3A_236 : memref<256xf32, #tpu.memory_space<vmem>>[vector<16xi32>], vector<16xf32>,
      %add3A_238 = arith.addi %mul3A_219, %and3A_48 : vector<16xi32>
      %gather3A_239 = tpu.vector_load_idx %arg6[%add3A_238] : memref<80xf32, #tpu.memory_space<vmem>>[vector<16xi32>], vector<16xf32>,
      %scatter3A_240 = tpu.memref_slice %arg7[%mul3A_221] : memref<8192xf32, #tpu.memory_space<vmem>> -> memref<256xf32, #tpu.memory_space<vmem>>
      tpu.vector_store_idx %scatter3A_240[%add3A_109], %gather3A_239 : memref<256xf32, #tpu.memory_space<vmem>>[vector<16xi32>], vector<16xf32>,
      %add3A_241 = arith.addi %mul3A_219, %and3A_54 : vector<16xi32>
      %gather3A_242 = tpu.vector_load_idx %arg6[%add3A_241] : memref<80xf32, #tpu.memory_space<vmem>>[vector<16xi32>], vector<16xf32>,
      %scatter3A_243 = tpu.memref_slice %arg7[%mul3A_221] : memref<8192xf32, #tpu.memory_space<vmem>> -> memref<256xf32, #tpu.memory_space<vmem>>
      tpu.vector_store_idx %scatter3A_243[%add3A_110], %gather3A_242 : memref<256xf32, #tpu.memory_space<vmem>>[vector<16xi32>], vector<16xf32>,
      %add3A_244 = arith.addi %mul3A_219, %and3A_60 : vector<16xi32>
      %gather3A_245 = tpu.vector_load_idx %arg6[%add3A_244] : memref<80xf32, #tpu.memory_space<vmem>>[vector<16xi32>], vector<16xf32>,
      %scatter3A_246 = tpu.memref_slice %arg7[%mul3A_221] : memref<8192xf32, #tpu.memory_space<vmem>> -> memref<256xf32, #tpu.memory_space<vmem>>
      tpu.vector_store_idx %scatter3A_246[%add3A_111], %gather3A_245 : memref<256xf32, #tpu.memory_space<vmem>>[vector<16xi32>], vector<16xf32>,
      %add3A_247 = arith.addi %mul3A_219, %and3A_66 : vector<16xi32>
      %gather3A_248 = tpu.vector_load_idx %arg6[%add3A_247] : memref<80xf32, #tpu.memory_space<vmem>>[vector<16xi32>], vector<16xf32>,
      %scatter3A_249 = tpu.memref_slice %arg7[%mul3A_221] : memref<8192xf32, #tpu.memory_space<vmem>> -> memref<256xf32, #tpu.memory_space<vmem>>
      tpu.vector_store_idx %scatter3A_249[%add3A_112], %gather3A_248 : memref<256xf32, #tpu.memory_space<vmem>>[vector<16xi32>], vector<16xf32>,
      %add3A_250 = arith.addi %mul3A_219, %and3A_72 : vector<16xi32>
      %gather3A_251 = tpu.vector_load_idx %arg6[%add3A_250] : memref<80xf32, #tpu.memory_space<vmem>>[vector<16xi32>], vector<16xf32>,
      %scatter3A_252 = tpu.memref_slice %arg7[%mul3A_221] : memref<8192xf32, #tpu.memory_space<vmem>> -> memref<256xf32, #tpu.memory_space<vmem>>
      tpu.vector_store_idx %scatter3A_252[%add3A_113], %gather3A_251 : memref<256xf32, #tpu.memory_space<vmem>>[vector<16xi32>], vector<16xf32>,
      %add3A_253 = arith.addi %mul3A_219, %and3A_78 : vector<16xi32>
      %gather3A_254 = tpu.vector_load_idx %arg6[%add3A_253] : memref<80xf32, #tpu.memory_space<vmem>>[vector<16xi32>], vector<16xf32>,
      %scatter3A_255 = tpu.memref_slice %arg7[%mul3A_221] : memref<8192xf32, #tpu.memory_space<vmem>> -> memref<256xf32, #tpu.memory_space<vmem>>
      tpu.vector_store_idx %scatter3A_255[%add3A_114], %gather3A_254 : memref<256xf32, #tpu.memory_space<vmem>>[vector<16xi32>], vector<16xf32>,
      %add3A_256 = arith.addi %mul3A_219, %and3A_84 : vector<16xi32>
      %gather3A_257 = tpu.vector_load_idx %arg6[%add3A_256] : memref<80xf32, #tpu.memory_space<vmem>>[vector<16xi32>], vector<16xf32>,
      %scatter3A_258 = tpu.memref_slice %arg7[%mul3A_221] : memref<8192xf32, #tpu.memory_space<vmem>> -> memref<256xf32, #tpu.memory_space<vmem>>
      tpu.vector_store_idx %scatter3A_258[%add3A_115], %gather3A_257 : memref<256xf32, #tpu.memory_space<vmem>>[vector<16xi32>], vector<16xf32>,
      %add3A_259 = arith.addi %mul3A_219, %and3A_90 : vector<16xi32>
      %gather3A_260 = tpu.vector_load_idx %arg6[%add3A_259] : memref<80xf32, #tpu.memory_space<vmem>>[vector<16xi32>], vector<16xf32>,
      %scatter3A_261 = tpu.memref_slice %arg7[%mul3A_221] : memref<8192xf32, #tpu.memory_space<vmem>> -> memref<256xf32, #tpu.memory_space<vmem>>
      tpu.vector_store_idx %scatter3A_261[%add3A_116], %gather3A_260 : memref<256xf32, #tpu.memory_space<vmem>>[vector<16xi32>], vector<16xf32>,
      %add3A_262 = arith.addi %mul3A_219, %and3A_96 : vector<16xi32>
      %gather3A_263 = tpu.vector_load_idx %arg6[%add3A_262] : memref<80xf32, #tpu.memory_space<vmem>>[vector<16xi32>], vector<16xf32>,
      %scatter3A_264 = tpu.memref_slice %arg7[%mul3A_221] : memref<8192xf32, #tpu.memory_space<vmem>> -> memref<256xf32, #tpu.memory_space<vmem>>
      tpu.vector_store_idx %scatter3A_264[%add3A_117], %gather3A_263 : memref<256xf32, #tpu.memory_space<vmem>>[vector<16xi32>], vector<16xf32>,
      %add3A_265 = arith.addi %mul3A_219, %and3A_102 : vector<16xi32>
      %gather3A_266 = tpu.vector_load_idx %arg6[%add3A_265] : memref<80xf32, #tpu.memory_space<vmem>>[vector<16xi32>], vector<16xf32>,
      %scatter3A_267 = tpu.memref_slice %arg7[%mul3A_221] : memref<8192xf32, #tpu.memory_space<vmem>> -> memref<256xf32, #tpu.memory_space<vmem>>
      tpu.vector_store_idx %scatter3A_267[%add3A_118], %gather3A_266 : memref<256xf32, #tpu.memory_space<vmem>>[vector<16xi32>], vector<16xf32>,
      %mul3A_268 = arith.constant 4 : i32
      %mul3A_269 = arith.muli %mul3A_268, %scan3A_210 : i32
      %add3A_270 = arith.constant 1 : i32
      %add3A_271 = arith.addi %mul3A_269, %add3A_270 : i32
      %mul3A_272 = arith.constant 16 : i32
      %mul3A_273 = arith.muli %add3A_271, %mul3A_272 : i32
      %get3A_274 = arith.index_cast %mul3A_273 : i32 to index
      %get3A_275 = tpu.vector_load %arg5[%get3A_274] {strides = array<i32>} : memref<512xi32, #tpu.memory_space<vmem>>, vector<16xi32>,
      %mul3A_276 = arith.constant 16 : i32
      %mul3A_277 = vector.broadcast %mul3A_276 : i32 to vector<16xi32>
      %mul3A_278 = arith.muli %get3A_275, %mul3A_277 : vector<16xi32>
      %mul3A_279 = arith.constant 256 : i32
      %mul3A_280 = arith.muli %add3A_271, %mul3A_279 : i32
      %add3A_281 = arith.addi %mul3A_278, %and3A_12 : vector<16xi32>
      %gather3A_282 = tpu.vector_load_idx %arg6[%add3A_281] : memref<80xf32, #tpu.memory_space<vmem>>[vector<16xi32>], vector<16xf32>,
      %scatter3A_283 = tpu.memref_slice %arg7[%mul3A_280] : memref<8192xf32, #tpu.memory_space<vmem>> -> memref<256xf32, #tpu.memory_space<vmem>>
      tpu.vector_store_idx %scatter3A_283[%add3A_103], %gather3A_282 : memref<256xf32, #tpu.memory_space<vmem>>[vector<16xi32>], vector<16xf32>,
      %add3A_284 = arith.addi %mul3A_278, %and3A_18 : vector<16xi32>
      %gather3A_285 = tpu.vector_load_idx %arg6[%add3A_284] : memref<80xf32, #tpu.memory_space<vmem>>[vector<16xi32>], vector<16xf32>,
      %scatter3A_286 = tpu.memref_slice %arg7[%mul3A_280] : memref<8192xf32, #tpu.memory_space<vmem>> -> memref<256xf32, #tpu.memory_space<vmem>>
      tpu.vector_store_idx %scatter3A_286[%add3A_104], %gather3A_285 : memref<256xf32, #tpu.memory_space<vmem>>[vector<16xi32>], vector<16xf32>,
      %add3A_287 = arith.addi %mul3A_278, %and3A_24 : vector<16xi32>
      %gather3A_288 = tpu.vector_load_idx %arg6[%add3A_287] : memref<80xf32, #tpu.memory_space<vmem>>[vector<16xi32>], vector<16xf32>,
      %scatter3A_289 = tpu.memref_slice %arg7[%mul3A_280] : memref<8192xf32, #tpu.memory_space<vmem>> -> memref<256xf32, #tpu.memory_space<vmem>>
      tpu.vector_store_idx %scatter3A_289[%add3A_105], %gather3A_288 : memref<256xf32, #tpu.memory_space<vmem>>[vector<16xi32>], vector<16xf32>,
      %add3A_290 = arith.addi %mul3A_278, %and3A_30 : vector<16xi32>
      %gather3A_291 = tpu.vector_load_idx %arg6[%add3A_290] : memref<80xf32, #tpu.memory_space<vmem>>[vector<16xi32>], vector<16xf32>,
      %scatter3A_292 = tpu.memref_slice %arg7[%mul3A_280] : memref<8192xf32, #tpu.memory_space<vmem>> -> memref<256xf32, #tpu.memory_space<vmem>>
      tpu.vector_store_idx %scatter3A_292[%add3A_106], %gather3A_291 : memref<256xf32, #tpu.memory_space<vmem>>[vector<16xi32>], vector<16xf32>,
      %add3A_293 = arith.addi %mul3A_278, %and3A_36 : vector<16xi32>
      %gather3A_294 = tpu.vector_load_idx %arg6[%add3A_293] : memref<80xf32, #tpu.memory_space<vmem>>[vector<16xi32>], vector<16xf32>,
      %scatter3A_295 = tpu.memref_slice %arg7[%mul3A_280] : memref<8192xf32, #tpu.memory_space<vmem>> -> memref<256xf32, #tpu.memory_space<vmem>>
      tpu.vector_store_idx %scatter3A_295[%add3A_107], %gather3A_294 : memref<256xf32, #tpu.memory_space<vmem>>[vector<16xi32>], vector<16xf32>,
      %add3A_296 = arith.addi %mul3A_278, %and3A_42 : vector<16xi32>
      %gather3A_297 = tpu.vector_load_idx %arg6[%add3A_296] : memref<80xf32, #tpu.memory_space<vmem>>[vector<16xi32>], vector<16xf32>,
      %scatter3A_298 = tpu.memref_slice %arg7[%mul3A_280] : memref<8192xf32, #tpu.memory_space<vmem>> -> memref<256xf32, #tpu.memory_space<vmem>>
      tpu.vector_store_idx %scatter3A_298[%add3A_108], %gather3A_297 : memref<256xf32, #tpu.memory_space<vmem>>[vector<16xi32>], vector<16xf32>,
      %add3A_299 = arith.addi %mul3A_278, %and3A_48 : vector<16xi32>
      %gather3A_300 = tpu.vector_load_idx %arg6[%add3A_299] : memref<80xf32, #tpu.memory_space<vmem>>[vector<16xi32>], vector<16xf32>,
      %scatter3A_301 = tpu.memref_slice %arg7[%mul3A_280] : memref<8192xf32, #tpu.memory_space<vmem>> -> memref<256xf32, #tpu.memory_space<vmem>>
      tpu.vector_store_idx %scatter3A_301[%add3A_109], %gather3A_300 : memref<256xf32, #tpu.memory_space<vmem>>[vector<16xi32>], vector<16xf32>,
      %add3A_302 = arith.addi %mul3A_278, %and3A_54 : vector<16xi32>
      %gather3A_303 = tpu.vector_load_idx %arg6[%add3A_302] : memref<80xf32, #tpu.memory_space<vmem>>[vector<16xi32>], vector<16xf32>,
      %scatter3A_304 = tpu.memref_slice %arg7[%mul3A_280] : memref<8192xf32, #tpu.memory_space<vmem>> -> memref<256xf32, #tpu.memory_space<vmem>>
      tpu.vector_store_idx %scatter3A_304[%add3A_110], %gather3A_303 : memref<256xf32, #tpu.memory_space<vmem>>[vector<16xi32>], vector<16xf32>,
      %add3A_305 = arith.addi %mul3A_278, %and3A_60 : vector<16xi32>
      %gather3A_306 = tpu.vector_load_idx %arg6[%add3A_305] : memref<80xf32, #tpu.memory_space<vmem>>[vector<16xi32>], vector<16xf32>,
      %scatter3A_307 = tpu.memref_slice %arg7[%mul3A_280] : memref<8192xf32, #tpu.memory_space<vmem>> -> memref<256xf32, #tpu.memory_space<vmem>>
      tpu.vector_store_idx %scatter3A_307[%add3A_111], %gather3A_306 : memref<256xf32, #tpu.memory_space<vmem>>[vector<16xi32>], vector<16xf32>,
      %add3A_308 = arith.addi %mul3A_278, %and3A_66 : vector<16xi32>
      %gather3A_309 = tpu.vector_load_idx %arg6[%add3A_308] : memref<80xf32, #tpu.memory_space<vmem>>[vector<16xi32>], vector<16xf32>,
      %scatter3A_310 = tpu.memref_slice %arg7[%mul3A_280] : memref<8192xf32, #tpu.memory_space<vmem>> -> memref<256xf32, #tpu.memory_space<vmem>>
      tpu.vector_store_idx %scatter3A_310[%add3A_112], %gather3A_309 : memref<256xf32, #tpu.memory_space<vmem>>[vector<16xi32>], vector<16xf32>,
      %add3A_311 = arith.addi %mul3A_278, %and3A_72 : vector<16xi32>
      %gather3A_312 = tpu.vector_load_idx %arg6[%add3A_311] : memref<80xf32, #tpu.memory_space<vmem>>[vector<16xi32>], vector<16xf32>,
      %scatter3A_313 = tpu.memref_slice %arg7[%mul3A_280] : memref<8192xf32, #tpu.memory_space<vmem>> -> memref<256xf32, #tpu.memory_space<vmem>>
      tpu.vector_store_idx %scatter3A_313[%add3A_113], %gather3A_312 : memref<256xf32, #tpu.memory_space<vmem>>[vector<16xi32>], vector<16xf32>,
      %add3A_314 = arith.addi %mul3A_278, %and3A_78 : vector<16xi32>
      %gather3A_315 = tpu.vector_load_idx %arg6[%add3A_314] : memref<80xf32, #tpu.memory_space<vmem>>[vector<16xi32>], vector<16xf32>,
      %scatter3A_316 = tpu.memref_slice %arg7[%mul3A_280] : memref<8192xf32, #tpu.memory_space<vmem>> -> memref<256xf32, #tpu.memory_space<vmem>>
      tpu.vector_store_idx %scatter3A_316[%add3A_114], %gather3A_315 : memref<256xf32, #tpu.memory_space<vmem>>[vector<16xi32>], vector<16xf32>,
      %add3A_317 = arith.addi %mul3A_278, %and3A_84 : vector<16xi32>
      %gather3A_318 = tpu.vector_load_idx %arg6[%add3A_317] : memref<80xf32, #tpu.memory_space<vmem>>[vector<16xi32>], vector<16xf32>,
      %scatter3A_319 = tpu.memref_slice %arg7[%mul3A_280] : memref<8192xf32, #tpu.memory_space<vmem>> -> memref<256xf32, #tpu.memory_space<vmem>>
      tpu.vector_store_idx %scatter3A_319[%add3A_115], %gather3A_318 : memref<256xf32, #tpu.memory_space<vmem>>[vector<16xi32>], vector<16xf32>,
      %add3A_320 = arith.addi %mul3A_278, %and3A_90 : vector<16xi32>
      %gather3A_321 = tpu.vector_load_idx %arg6[%add3A_320] : memref<80xf32, #tpu.memory_space<vmem>>[vector<16xi32>], vector<16xf32>,
      %scatter3A_322 = tpu.memref_slice %arg7[%mul3A_280] : memref<8192xf32, #tpu.memory_space<vmem>> -> memref<256xf32, #tpu.memory_space<vmem>>
      tpu.vector_store_idx %scatter3A_322[%add3A_116], %gather3A_321 : memref<256xf32, #tpu.memory_space<vmem>>[vector<16xi32>], vector<16xf32>,
      %add3A_323 = arith.addi %mul3A_278, %and3A_96 : vector<16xi32>
      %gather3A_324 = tpu.vector_load_idx %arg6[%add3A_323] : memref<80xf32, #tpu.memory_space<vmem>>[vector<16xi32>], vector<16xf32>,
      %scatter3A_325 = tpu.memref_slice %arg7[%mul3A_280] : memref<8192xf32, #tpu.memory_space<vmem>> -> memref<256xf32, #tpu.memory_space<vmem>>
      tpu.vector_store_idx %scatter3A_325[%add3A_117], %gather3A_324 : memref<256xf32, #tpu.memory_space<vmem>>[vector<16xi32>], vector<16xf32>,
      %add3A_326 = arith.addi %mul3A_278, %and3A_102 : vector<16xi32>
      %gather3A_327 = tpu.vector_load_idx %arg6[%add3A_326] : memref<80xf32, #tpu.memory_space<vmem>>[vector<16xi32>], vector<16xf32>,
      %scatter3A_328 = tpu.memref_slice %arg7[%mul3A_280] : memref<8192xf32, #tpu.memory_space<vmem>> -> memref<256xf32, #tpu.memory_space<vmem>>
      tpu.vector_store_idx %scatter3A_328[%add3A_118], %gather3A_327 : memref<256xf32, #tpu.memory_space<vmem>>[vector<16xi32>], vector<16xf32>,
      %mul3A_329 = arith.constant 4 : i32
      %mul3A_330 = arith.muli %mul3A_329, %scan3A_210 : i32
      %add3A_331 = arith.constant 2 : i32
      %add3A_332 = arith.addi %mul3A_330, %add3A_331 : i32
      %mul3A_333 = arith.constant 16 : i32
      %mul3A_334 = arith.muli %add3A_332, %mul3A_333 : i32
      %get3A_335 = arith.index_cast %mul3A_334 : i32 to index
      %get3A_336 = tpu.vector_load %arg5[%get3A_335] {strides = array<i32>} : memref<512xi32, #tpu.memory_space<vmem>>, vector<16xi32>,
      %mul3A_337 = arith.constant 16 : i32
      %mul3A_338 = vector.broadcast %mul3A_337 : i32 to vector<16xi32>
      %mul3A_339 = arith.muli %get3A_336, %mul3A_338 : vector<16xi32>
      %mul3A_340 = arith.constant 256 : i32
      %mul3A_341 = arith.muli %add3A_332, %mul3A_340 : i32
      %add3A_342 = arith.addi %mul3A_339, %and3A_12 : vector<16xi32>
      %gather3A_343 = tpu.vector_load_idx %arg6[%add3A_342] : memref<80xf32, #tpu.memory_space<vmem>>[vector<16xi32>], vector<16xf32>,
      %scatter3A_344 = tpu.memref_slice %arg7[%mul3A_341] : memref<8192xf32, #tpu.memory_space<vmem>> -> memref<256xf32, #tpu.memory_space<vmem>>
      tpu.vector_store_idx %scatter3A_344[%add3A_103], %gather3A_343 : memref<256xf32, #tpu.memory_space<vmem>>[vector<16xi32>], vector<16xf32>,
      %add3A_345 = arith.addi %mul3A_339, %and3A_18 : vector<16xi32>
      %gather3A_346 = tpu.vector_load_idx %arg6[%add3A_345] : memref<80xf32, #tpu.memory_space<vmem>>[vector<16xi32>], vector<16xf32>,
      %scatter3A_347 = tpu.memref_slice %arg7[%mul3A_341] : memref<8192xf32, #tpu.memory_space<vmem>> -> memref<256xf32, #tpu.memory_space<vmem>>
      tpu.vector_store_idx %scatter3A_347[%add3A_104], %gather3A_346 : memref<256xf32, #tpu.memory_space<vmem>>[vector<16xi32>], vector<16xf32>,
      %add3A_348 = arith.addi %mul3A_339, %and3A_24 : vector<16xi32>
      %gather3A_349 = tpu.vector_load_idx %arg6[%add3A_348] : memref<80xf32, #tpu.memory_space<vmem>>[vector<16xi32>], vector<16xf32>,
      %scatter3A_350 = tpu.memref_slice %arg7[%mul3A_341] : memref<8192xf32, #tpu.memory_space<vmem>> -> memref<256xf32, #tpu.memory_space<vmem>>
      tpu.vector_store_idx %scatter3A_350[%add3A_105], %gather3A_349 : memref<256xf32, #tpu.memory_space<vmem>>[vector<16xi32>], vector<16xf32>,
      %add3A_351 = arith.addi %mul3A_339, %and3A_30 : vector<16xi32>
      %gather3A_352 = tpu.vector_load_idx %arg6[%add3A_351] : memref<80xf32, #tpu.memory_space<vmem>>[vector<16xi32>], vector<16xf32>,
      %scatter3A_353 = tpu.memref_slice %arg7[%mul3A_341] : memref<8192xf32, #tpu.memory_space<vmem>> -> memref<256xf32, #tpu.memory_space<vmem>>
      tpu.vector_store_idx %scatter3A_353[%add3A_106], %gather3A_352 : memref<256xf32, #tpu.memory_space<vmem>>[vector<16xi32>], vector<16xf32>,
      %add3A_354 = arith.addi %mul3A_339, %and3A_36 : vector<16xi32>
      %gather3A_355 = tpu.vector_load_idx %arg6[%add3A_354] : memref<80xf32, #tpu.memory_space<vmem>>[vector<16xi32>], vector<16xf32>,
      %scatter3A_356 = tpu.memref_slice %arg7[%mul3A_341] : memref<8192xf32, #tpu.memory_space<vmem>> -> memref<256xf32, #tpu.memory_space<vmem>>
      tpu.vector_store_idx %scatter3A_356[%add3A_107], %gather3A_355 : memref<256xf32, #tpu.memory_space<vmem>>[vector<16xi32>], vector<16xf32>,
      %add3A_357 = arith.addi %mul3A_339, %and3A_42 : vector<16xi32>
      %gather3A_358 = tpu.vector_load_idx %arg6[%add3A_357] : memref<80xf32, #tpu.memory_space<vmem>>[vector<16xi32>], vector<16xf32>,
      %scatter3A_359 = tpu.memref_slice %arg7[%mul3A_341] : memref<8192xf32, #tpu.memory_space<vmem>> -> memref<256xf32, #tpu.memory_space<vmem>>
      tpu.vector_store_idx %scatter3A_359[%add3A_108], %gather3A_358 : memref<256xf32, #tpu.memory_space<vmem>>[vector<16xi32>], vector<16xf32>,
      %add3A_360 = arith.addi %mul3A_339, %and3A_48 : vector<16xi32>
      %gather3A_361 = tpu.vector_load_idx %arg6[%add3A_360] : memref<80xf32, #tpu.memory_space<vmem>>[vector<16xi32>], vector<16xf32>,
      %scatter3A_362 = tpu.memref_slice %arg7[%mul3A_341] : memref<8192xf32, #tpu.memory_space<vmem>> -> memref<256xf32, #tpu.memory_space<vmem>>
      tpu.vector_store_idx %scatter3A_362[%add3A_109], %gather3A_361 : memref<256xf32, #tpu.memory_space<vmem>>[vector<16xi32>], vector<16xf32>,
      %add3A_363 = arith.addi %mul3A_339, %and3A_54 : vector<16xi32>
      %gather3A_364 = tpu.vector_load_idx %arg6[%add3A_363] : memref<80xf32, #tpu.memory_space<vmem>>[vector<16xi32>], vector<16xf32>,
      %scatter3A_365 = tpu.memref_slice %arg7[%mul3A_341] : memref<8192xf32, #tpu.memory_space<vmem>> -> memref<256xf32, #tpu.memory_space<vmem>>
      tpu.vector_store_idx %scatter3A_365[%add3A_110], %gather3A_364 : memref<256xf32, #tpu.memory_space<vmem>>[vector<16xi32>], vector<16xf32>,
      %add3A_366 = arith.addi %mul3A_339, %and3A_60 : vector<16xi32>
      %gather3A_367 = tpu.vector_load_idx %arg6[%add3A_366] : memref<80xf32, #tpu.memory_space<vmem>>[vector<16xi32>], vector<16xf32>,
      %scatter3A_368 = tpu.memref_slice %arg7[%mul3A_341] : memref<8192xf32, #tpu.memory_space<vmem>> -> memref<256xf32, #tpu.memory_space<vmem>>
      tpu.vector_store_idx %scatter3A_368[%add3A_111], %gather3A_367 : memref<256xf32, #tpu.memory_space<vmem>>[vector<16xi32>], vector<16xf32>,
      %add3A_369 = arith.addi %mul3A_339, %and3A_66 : vector<16xi32>
      %gather3A_370 = tpu.vector_load_idx %arg6[%add3A_369] : memref<80xf32, #tpu.memory_space<vmem>>[vector<16xi32>], vector<16xf32>,
      %scatter3A_371 = tpu.memref_slice %arg7[%mul3A_341] : memref<8192xf32, #tpu.memory_space<vmem>> -> memref<256xf32, #tpu.memory_space<vmem>>
      tpu.vector_store_idx %scatter3A_371[%add3A_112], %gather3A_370 : memref<256xf32, #tpu.memory_space<vmem>>[vector<16xi32>], vector<16xf32>,
      %add3A_372 = arith.addi %mul3A_339, %and3A_72 : vector<16xi32>
      %gather3A_373 = tpu.vector_load_idx %arg6[%add3A_372] : memref<80xf32, #tpu.memory_space<vmem>>[vector<16xi32>], vector<16xf32>,
      %scatter3A_374 = tpu.memref_slice %arg7[%mul3A_341] : memref<8192xf32, #tpu.memory_space<vmem>> -> memref<256xf32, #tpu.memory_space<vmem>>
      tpu.vector_store_idx %scatter3A_374[%add3A_113], %gather3A_373 : memref<256xf32, #tpu.memory_space<vmem>>[vector<16xi32>], vector<16xf32>,
      %add3A_375 = arith.addi %mul3A_339, %and3A_78 : vector<16xi32>
      %gather3A_376 = tpu.vector_load_idx %arg6[%add3A_375] : memref<80xf32, #tpu.memory_space<vmem>>[vector<16xi32>], vector<16xf32>,
      %scatter3A_377 = tpu.memref_slice %arg7[%mul3A_341] : memref<8192xf32, #tpu.memory_space<vmem>> -> memref<256xf32, #tpu.memory_space<vmem>>
      tpu.vector_store_idx %scatter3A_377[%add3A_114], %gather3A_376 : memref<256xf32, #tpu.memory_space<vmem>>[vector<16xi32>], vector<16xf32>,
      %add3A_378 = arith.addi %mul3A_339, %and3A_84 : vector<16xi32>
      %gather3A_379 = tpu.vector_load_idx %arg6[%add3A_378] : memref<80xf32, #tpu.memory_space<vmem>>[vector<16xi32>], vector<16xf32>,
      %scatter3A_380 = tpu.memref_slice %arg7[%mul3A_341] : memref<8192xf32, #tpu.memory_space<vmem>> -> memref<256xf32, #tpu.memory_space<vmem>>
      tpu.vector_store_idx %scatter3A_380[%add3A_115], %gather3A_379 : memref<256xf32, #tpu.memory_space<vmem>>[vector<16xi32>], vector<16xf32>,
      %add3A_381 = arith.addi %mul3A_339, %and3A_90 : vector<16xi32>
      %gather3A_382 = tpu.vector_load_idx %arg6[%add3A_381] : memref<80xf32, #tpu.memory_space<vmem>>[vector<16xi32>], vector<16xf32>,
      %scatter3A_383 = tpu.memref_slice %arg7[%mul3A_341] : memref<8192xf32, #tpu.memory_space<vmem>> -> memref<256xf32, #tpu.memory_space<vmem>>
      tpu.vector_store_idx %scatter3A_383[%add3A_116], %gather3A_382 : memref<256xf32, #tpu.memory_space<vmem>>[vector<16xi32>], vector<16xf32>,
      %add3A_384 = arith.addi %mul3A_339, %and3A_96 : vector<16xi32>
      %gather3A_385 = tpu.vector_load_idx %arg6[%add3A_384] : memref<80xf32, #tpu.memory_space<vmem>>[vector<16xi32>], vector<16xf32>,
      %scatter3A_386 = tpu.memref_slice %arg7[%mul3A_341] : memref<8192xf32, #tpu.memory_space<vmem>> -> memref<256xf32, #tpu.memory_space<vmem>>
      tpu.vector_store_idx %scatter3A_386[%add3A_117], %gather3A_385 : memref<256xf32, #tpu.memory_space<vmem>>[vector<16xi32>], vector<16xf32>,
      %add3A_387 = arith.addi %mul3A_339, %and3A_102 : vector<16xi32>
      %gather3A_388 = tpu.vector_load_idx %arg6[%add3A_387] : memref<80xf32, #tpu.memory_space<vmem>>[vector<16xi32>], vector<16xf32>,
      %scatter3A_389 = tpu.memref_slice %arg7[%mul3A_341] : memref<8192xf32, #tpu.memory_space<vmem>> -> memref<256xf32, #tpu.memory_space<vmem>>
      tpu.vector_store_idx %scatter3A_389[%add3A_118], %gather3A_388 : memref<256xf32, #tpu.memory_space<vmem>>[vector<16xi32>], vector<16xf32>,
      %mul3A_390 = arith.constant 4 : i32
      %mul3A_391 = arith.muli %mul3A_390, %scan3A_210 : i32
      %add3A_392 = arith.constant 3 : i32
      %add3A_393 = arith.addi %mul3A_391, %add3A_392 : i32
      %mul3A_394 = arith.constant 16 : i32
      %mul3A_395 = arith.muli %add3A_393, %mul3A_394 : i32
      %get3A_396 = arith.index_cast %mul3A_395 : i32 to index
      %get3A_397 = tpu.vector_load %arg5[%get3A_396] {strides = array<i32>} : memref<512xi32, #tpu.memory_space<vmem>>, vector<16xi32>,
      %mul3A_398 = arith.constant 16 : i32
      %mul3A_399 = vector.broadcast %mul3A_398 : i32 to vector<16xi32>
      %mul3A_400 = arith.muli %get3A_397, %mul3A_399 : vector<16xi32>
      %mul3A_401 = arith.constant 256 : i32
      %mul3A_402 = arith.muli %add3A_393, %mul3A_401 : i32
      %add3A_403 = arith.addi %mul3A_400, %and3A_12 : vector<16xi32>
      %gather3A_404 = tpu.vector_load_idx %arg6[%add3A_403] : memref<80xf32, #tpu.memory_space<vmem>>[vector<16xi32>], vector<16xf32>,
      %scatter3A_405 = tpu.memref_slice %arg7[%mul3A_402] : memref<8192xf32, #tpu.memory_space<vmem>> -> memref<256xf32, #tpu.memory_space<vmem>>
      tpu.vector_store_idx %scatter3A_405[%add3A_103], %gather3A_404 : memref<256xf32, #tpu.memory_space<vmem>>[vector<16xi32>], vector<16xf32>,
      %add3A_406 = arith.addi %mul3A_400, %and3A_18 : vector<16xi32>
      %gather3A_407 = tpu.vector_load_idx %arg6[%add3A_406] : memref<80xf32, #tpu.memory_space<vmem>>[vector<16xi32>], vector<16xf32>,
      %scatter3A_408 = tpu.memref_slice %arg7[%mul3A_402] : memref<8192xf32, #tpu.memory_space<vmem>> -> memref<256xf32, #tpu.memory_space<vmem>>
      tpu.vector_store_idx %scatter3A_408[%add3A_104], %gather3A_407 : memref<256xf32, #tpu.memory_space<vmem>>[vector<16xi32>], vector<16xf32>,
      %add3A_409 = arith.addi %mul3A_400, %and3A_24 : vector<16xi32>
      %gather3A_410 = tpu.vector_load_idx %arg6[%add3A_409] : memref<80xf32, #tpu.memory_space<vmem>>[vector<16xi32>], vector<16xf32>,
      %scatter3A_411 = tpu.memref_slice %arg7[%mul3A_402] : memref<8192xf32, #tpu.memory_space<vmem>> -> memref<256xf32, #tpu.memory_space<vmem>>
      tpu.vector_store_idx %scatter3A_411[%add3A_105], %gather3A_410 : memref<256xf32, #tpu.memory_space<vmem>>[vector<16xi32>], vector<16xf32>,
      %add3A_412 = arith.addi %mul3A_400, %and3A_30 : vector<16xi32>
      %gather3A_413 = tpu.vector_load_idx %arg6[%add3A_412] : memref<80xf32, #tpu.memory_space<vmem>>[vector<16xi32>], vector<16xf32>,
      %scatter3A_414 = tpu.memref_slice %arg7[%mul3A_402] : memref<8192xf32, #tpu.memory_space<vmem>> -> memref<256xf32, #tpu.memory_space<vmem>>
      tpu.vector_store_idx %scatter3A_414[%add3A_106], %gather3A_413 : memref<256xf32, #tpu.memory_space<vmem>>[vector<16xi32>], vector<16xf32>,
      %add3A_415 = arith.addi %mul3A_400, %and3A_36 : vector<16xi32>
      %gather3A_416 = tpu.vector_load_idx %arg6[%add3A_415] : memref<80xf32, #tpu.memory_space<vmem>>[vector<16xi32>], vector<16xf32>,
      %scatter3A_417 = tpu.memref_slice %arg7[%mul3A_402] : memref<8192xf32, #tpu.memory_space<vmem>> -> memref<256xf32, #tpu.memory_space<vmem>>
      tpu.vector_store_idx %scatter3A_417[%add3A_107], %gather3A_416 : memref<256xf32, #tpu.memory_space<vmem>>[vector<16xi32>], vector<16xf32>,
      %add3A_418 = arith.addi %mul3A_400, %and3A_42 : vector<16xi32>
      %gather3A_419 = tpu.vector_load_idx %arg6[%add3A_418] : memref<80xf32, #tpu.memory_space<vmem>>[vector<16xi32>], vector<16xf32>,
      %scatter3A_420 = tpu.memref_slice %arg7[%mul3A_402] : memref<8192xf32, #tpu.memory_space<vmem>> -> memref<256xf32, #tpu.memory_space<vmem>>
      tpu.vector_store_idx %scatter3A_420[%add3A_108], %gather3A_419 : memref<256xf32, #tpu.memory_space<vmem>>[vector<16xi32>], vector<16xf32>,
      %add3A_421 = arith.addi %mul3A_400, %and3A_48 : vector<16xi32>
      %gather3A_422 = tpu.vector_load_idx %arg6[%add3A_421] : memref<80xf32, #tpu.memory_space<vmem>>[vector<16xi32>], vector<16xf32>,
      %scatter3A_423 = tpu.memref_slice %arg7[%mul3A_402] : memref<8192xf32, #tpu.memory_space<vmem>> -> memref<256xf32, #tpu.memory_space<vmem>>
      tpu.vector_store_idx %scatter3A_423[%add3A_109], %gather3A_422 : memref<256xf32, #tpu.memory_space<vmem>>[vector<16xi32>], vector<16xf32>,
      %add3A_424 = arith.addi %mul3A_400, %and3A_54 : vector<16xi32>
      %gather3A_425 = tpu.vector_load_idx %arg6[%add3A_424] : memref<80xf32, #tpu.memory_space<vmem>>[vector<16xi32>], vector<16xf32>,
      %scatter3A_426 = tpu.memref_slice %arg7[%mul3A_402] : memref<8192xf32, #tpu.memory_space<vmem>> -> memref<256xf32, #tpu.memory_space<vmem>>
      tpu.vector_store_idx %scatter3A_426[%add3A_110], %gather3A_425 : memref<256xf32, #tpu.memory_space<vmem>>[vector<16xi32>], vector<16xf32>,
      %add3A_427 = arith.addi %mul3A_400, %and3A_60 : vector<16xi32>
      %gather3A_428 = tpu.vector_load_idx %arg6[%add3A_427] : memref<80xf32, #tpu.memory_space<vmem>>[vector<16xi32>], vector<16xf32>,
      %scatter3A_429 = tpu.memref_slice %arg7[%mul3A_402] : memref<8192xf32, #tpu.memory_space<vmem>> -> memref<256xf32, #tpu.memory_space<vmem>>
      tpu.vector_store_idx %scatter3A_429[%add3A_111], %gather3A_428 : memref<256xf32, #tpu.memory_space<vmem>>[vector<16xi32>], vector<16xf32>,
      %add3A_430 = arith.addi %mul3A_400, %and3A_66 : vector<16xi32>
      %gather3A_431 = tpu.vector_load_idx %arg6[%add3A_430] : memref<80xf32, #tpu.memory_space<vmem>>[vector<16xi32>], vector<16xf32>,
      %scatter3A_432 = tpu.memref_slice %arg7[%mul3A_402] : memref<8192xf32, #tpu.memory_space<vmem>> -> memref<256xf32, #tpu.memory_space<vmem>>
      tpu.vector_store_idx %scatter3A_432[%add3A_112], %gather3A_431 : memref<256xf32, #tpu.memory_space<vmem>>[vector<16xi32>], vector<16xf32>,
      %add3A_433 = arith.addi %mul3A_400, %and3A_72 : vector<16xi32>
      %gather3A_434 = tpu.vector_load_idx %arg6[%add3A_433] : memref<80xf32, #tpu.memory_space<vmem>>[vector<16xi32>], vector<16xf32>,
      %scatter3A_435 = tpu.memref_slice %arg7[%mul3A_402] : memref<8192xf32, #tpu.memory_space<vmem>> -> memref<256xf32, #tpu.memory_space<vmem>>
      tpu.vector_store_idx %scatter3A_435[%add3A_113], %gather3A_434 : memref<256xf32, #tpu.memory_space<vmem>>[vector<16xi32>], vector<16xf32>,
      %add3A_436 = arith.addi %mul3A_400, %and3A_78 : vector<16xi32>
      %gather3A_437 = tpu.vector_load_idx %arg6[%add3A_436] : memref<80xf32, #tpu.memory_space<vmem>>[vector<16xi32>], vector<16xf32>,
      %scatter3A_438 = tpu.memref_slice %arg7[%mul3A_402] : memref<8192xf32, #tpu.memory_space<vmem>> -> memref<256xf32, #tpu.memory_space<vmem>>
      tpu.vector_store_idx %scatter3A_438[%add3A_114], %gather3A_437 : memref<256xf32, #tpu.memory_space<vmem>>[vector<16xi32>], vector<16xf32>,
      %add3A_439 = arith.addi %mul3A_400, %and3A_84 : vector<16xi32>
      %gather3A_440 = tpu.vector_load_idx %arg6[%add3A_439] : memref<80xf32, #tpu.memory_space<vmem>>[vector<16xi32>], vector<16xf32>,
      %scatter3A_441 = tpu.memref_slice %arg7[%mul3A_402] : memref<8192xf32, #tpu.memory_space<vmem>> -> memref<256xf32, #tpu.memory_space<vmem>>
      tpu.vector_store_idx %scatter3A_441[%add3A_115], %gather3A_440 : memref<256xf32, #tpu.memory_space<vmem>>[vector<16xi32>], vector<16xf32>,
      %add3A_442 = arith.addi %mul3A_400, %and3A_90 : vector<16xi32>
      %gather3A_443 = tpu.vector_load_idx %arg6[%add3A_442] : memref<80xf32, #tpu.memory_space<vmem>>[vector<16xi32>], vector<16xf32>,
      %scatter3A_444 = tpu.memref_slice %arg7[%mul3A_402] : memref<8192xf32, #tpu.memory_space<vmem>> -> memref<256xf32, #tpu.memory_space<vmem>>
      tpu.vector_store_idx %scatter3A_444[%add3A_116], %gather3A_443 : memref<256xf32, #tpu.memory_space<vmem>>[vector<16xi32>], vector<16xf32>,
      %add3A_445 = arith.addi %mul3A_400, %and3A_96 : vector<16xi32>
      %gather3A_446 = tpu.vector_load_idx %arg6[%add3A_445] : memref<80xf32, #tpu.memory_space<vmem>>[vector<16xi32>], vector<16xf32>,
      %scatter3A_447 = tpu.memref_slice %arg7[%mul3A_402] : memref<8192xf32, #tpu.memory_space<vmem>> -> memref<256xf32, #tpu.memory_space<vmem>>
      tpu.vector_store_idx %scatter3A_447[%add3A_117], %gather3A_446 : memref<256xf32, #tpu.memory_space<vmem>>[vector<16xi32>], vector<16xf32>,
      %add3A_448 = arith.addi %mul3A_400, %and3A_102 : vector<16xi32>
      %gather3A_449 = tpu.vector_load_idx %arg6[%add3A_448] : memref<80xf32, #tpu.memory_space<vmem>>[vector<16xi32>], vector<16xf32>,
      %scatter3A_450 = tpu.memref_slice %arg7[%mul3A_402] : memref<8192xf32, #tpu.memory_space<vmem>> -> memref<256xf32, #tpu.memory_space<vmem>>
      tpu.vector_store_idx %scatter3A_450[%add3A_118], %gather3A_449 : memref<256xf32, #tpu.memory_space<vmem>>[vector<16xi32>], vector<16xf32>,
      %scan3A_451 = arith.constant 0 : i32
      scf.yield %scan3A_451 : i32
    }
    %scan3A_124 = arith.constant 2 : i32
    %mul3A_125 = arith.constant 16 : i32
    %mul3A_126 = arith.muli %mul3A_2, %mul3A_125 : i32
    %add3A_127 = arith.constant 0 : i32
    %add3A_128 = arith.addi %mul3A_126, %add3A_127 : i32
    %dma_start3A_129 = arith.constant 0 : i32
    %dma_start3A_130 = tpu.memref_slice %arg7[%dma_start3A_129] : memref<8192xf32, #tpu.memory_space<vmem>> -> memref<2048xf32, #tpu.memory_space<vmem>>
    %dma_start3A_131 = tpu.memref_slice %arg4[%add3A_128] : memref<262144xf32, #tpu.memory_space<hbm>> -> memref<2048xf32, #tpu.memory_space<hbm>>
    %dma_start3A_132 = tpu.memref_slice %arg4[%add3A_128] : memref<262144xf32, #tpu.memory_space<hbm>> -> memref<2048xf32, #tpu.memory_space<hbm>>
    %dma_start3A_133 = arith.constant 0 : i32
    %dma_start3A_134 = tpu.memref_slice %arg7[%dma_start3A_133] : memref<8192xf32, #tpu.memory_space<vmem>> -> memref<2048xf32, #tpu.memory_space<vmem>>
    tpu.enqueue_dma source(%dma_start3A_134 : memref<2048xf32, #tpu.memory_space<vmem>>) target(%dma_start3A_132 : memref<2048xf32, #tpu.memory_space<hbm>>) target_semaphore(%arg8 : memref<!tpu.dma_semaphore, #tpu.memory_space<semaphore_mem>>)
    %scan3A_135 = arith.constant 0 : i32
    %scan3A_136 = arith.constant 2 : i32
    %scan3A_137 = arith.constant 2 : i32
    %scan3A_138 = arith.addi %scan3A_136, %scan3A_137 : i32
    %scan3A_139 = arith.constant 1 : i32
    %scan3A_140 = scf.for %scan3A_210 = %scan3A_136 to %scan3A_138 step %scan3A_139 iter_args(%scan3A_211 = %scan3A_135) -> (i32)  : i32 {
      %mul3A_212 = arith.constant 4 : i32
      %mul3A_213 = arith.muli %mul3A_212, %scan3A_210 : i32
      %mul3A_214 = arith.constant 16 : i32
      %mul3A_215 = arith.muli %mul3A_213, %mul3A_214 : i32
      %get3A = arith.index_cast %mul3A_215 : i32 to index
      %get3A_216 = tpu.vector_load %arg5[%get3A] {strides = array<i32>} : memref<512xi32, #tpu.memory_space<vmem>>, vector<16xi32>,
      %mul3A_217 = arith.constant 16 : i32
      %mul3A_218 = vector.broadcast %mul3A_217 : i32 to vector<16xi32>
      %mul3A_219 = arith.muli %get3A_216, %mul3A_218 : vector<16xi32>
      %mul3A_220 = arith.constant 256 : i32
      %mul3A_221 = arith.muli %mul3A_213, %mul3A_220 : i32
      %add3A_222 = arith.addi %mul3A_219, %and3A_12 : vector<16xi32>
      %gather3A = tpu.vector_load_idx %arg6[%add3A_222] : memref<80xf32, #tpu.memory_space<vmem>>[vector<16xi32>], vector<16xf32>,
      %scatter3A = tpu.memref_slice %arg7[%mul3A_221] : memref<8192xf32, #tpu.memory_space<vmem>> -> memref<256xf32, #tpu.memory_space<vmem>>
      tpu.vector_store_idx %scatter3A[%add3A_103], %gather3A : memref<256xf32, #tpu.memory_space<vmem>>[vector<16xi32>], vector<16xf32>,
      %add3A_223 = arith.addi %mul3A_219, %and3A_18 : vector<16xi32>
      %gather3A_224 = tpu.vector_load_idx %arg6[%add3A_223] : memref<80xf32, #tpu.memory_space<vmem>>[vector<16xi32>], vector<16xf32>,
      %scatter3A_225 = tpu.memref_slice %arg7[%mul3A_221] : memref<8192xf32, #tpu.memory_space<vmem>> -> memref<256xf32, #tpu.memory_space<vmem>>
      tpu.vector_store_idx %scatter3A_225[%add3A_104], %gather3A_224 : memref<256xf32, #tpu.memory_space<vmem>>[vector<16xi32>], vector<16xf32>,
      %add3A_226 = arith.addi %mul3A_219, %and3A_24 : vector<16xi32>
      %gather3A_227 = tpu.vector_load_idx %arg6[%add3A_226] : memref<80xf32, #tpu.memory_space<vmem>>[vector<16xi32>], vector<16xf32>,
      %scatter3A_228 = tpu.memref_slice %arg7[%mul3A_221] : memref<8192xf32, #tpu.memory_space<vmem>> -> memref<256xf32, #tpu.memory_space<vmem>>
      tpu.vector_store_idx %scatter3A_228[%add3A_105], %gather3A_227 : memref<256xf32, #tpu.memory_space<vmem>>[vector<16xi32>], vector<16xf32>,
      %add3A_229 = arith.addi %mul3A_219, %and3A_30 : vector<16xi32>
      %gather3A_230 = tpu.vector_load_idx %arg6[%add3A_229] : memref<80xf32, #tpu.memory_space<vmem>>[vector<16xi32>], vector<16xf32>,
      %scatter3A_231 = tpu.memref_slice %arg7[%mul3A_221] : memref<8192xf32, #tpu.memory_space<vmem>> -> memref<256xf32, #tpu.memory_space<vmem>>
      tpu.vector_store_idx %scatter3A_231[%add3A_106], %gather3A_230 : memref<256xf32, #tpu.memory_space<vmem>>[vector<16xi32>], vector<16xf32>,
      %add3A_232 = arith.addi %mul3A_219, %and3A_36 : vector<16xi32>
      %gather3A_233 = tpu.vector_load_idx %arg6[%add3A_232] : memref<80xf32, #tpu.memory_space<vmem>>[vector<16xi32>], vector<16xf32>,
      %scatter3A_234 = tpu.memref_slice %arg7[%mul3A_221] : memref<8192xf32, #tpu.memory_space<vmem>> -> memref<256xf32, #tpu.memory_space<vmem>>
      tpu.vector_store_idx %scatter3A_234[%add3A_107], %gather3A_233 : memref<256xf32, #tpu.memory_space<vmem>>[vector<16xi32>], vector<16xf32>,
      %add3A_235 = arith.addi %mul3A_219, %and3A_42 : vector<16xi32>
      %gather3A_236 = tpu.vector_load_idx %arg6[%add3A_235] : memref<80xf32, #tpu.memory_space<vmem>>[vector<16xi32>], vector<16xf32>,
      %scatter3A_237 = tpu.memref_slice %arg7[%mul3A_221] : memref<8192xf32, #tpu.memory_space<vmem>> -> memref<256xf32, #tpu.memory_space<vmem>>
      tpu.vector_store_idx %scatter3A_237[%add3A_108], %gather3A_236 : memref<256xf32, #tpu.memory_space<vmem>>[vector<16xi32>], vector<16xf32>,
      %add3A_238 = arith.addi %mul3A_219, %and3A_48 : vector<16xi32>
      %gather3A_239 = tpu.vector_load_idx %arg6[%add3A_238] : memref<80xf32, #tpu.memory_space<vmem>>[vector<16xi32>], vector<16xf32>,
      %scatter3A_240 = tpu.memref_slice %arg7[%mul3A_221] : memref<8192xf32, #tpu.memory_space<vmem>> -> memref<256xf32, #tpu.memory_space<vmem>>
      tpu.vector_store_idx %scatter3A_240[%add3A_109], %gather3A_239 : memref<256xf32, #tpu.memory_space<vmem>>[vector<16xi32>], vector<16xf32>,
      %add3A_241 = arith.addi %mul3A_219, %and3A_54 : vector<16xi32>
      %gather3A_242 = tpu.vector_load_idx %arg6[%add3A_241] : memref<80xf32, #tpu.memory_space<vmem>>[vector<16xi32>], vector<16xf32>,
      %scatter3A_243 = tpu.memref_slice %arg7[%mul3A_221] : memref<8192xf32, #tpu.memory_space<vmem>> -> memref<256xf32, #tpu.memory_space<vmem>>
      tpu.vector_store_idx %scatter3A_243[%add3A_110], %gather3A_242 : memref<256xf32, #tpu.memory_space<vmem>>[vector<16xi32>], vector<16xf32>,
      %add3A_244 = arith.addi %mul3A_219, %and3A_60 : vector<16xi32>
      %gather3A_245 = tpu.vector_load_idx %arg6[%add3A_244] : memref<80xf32, #tpu.memory_space<vmem>>[vector<16xi32>], vector<16xf32>,
      %scatter3A_246 = tpu.memref_slice %arg7[%mul3A_221] : memref<8192xf32, #tpu.memory_space<vmem>> -> memref<256xf32, #tpu.memory_space<vmem>>
      tpu.vector_store_idx %scatter3A_246[%add3A_111], %gather3A_245 : memref<256xf32, #tpu.memory_space<vmem>>[vector<16xi32>], vector<16xf32>,
      %add3A_247 = arith.addi %mul3A_219, %and3A_66 : vector<16xi32>
      %gather3A_248 = tpu.vector_load_idx %arg6[%add3A_247] : memref<80xf32, #tpu.memory_space<vmem>>[vector<16xi32>], vector<16xf32>,
      %scatter3A_249 = tpu.memref_slice %arg7[%mul3A_221] : memref<8192xf32, #tpu.memory_space<vmem>> -> memref<256xf32, #tpu.memory_space<vmem>>
      tpu.vector_store_idx %scatter3A_249[%add3A_112], %gather3A_248 : memref<256xf32, #tpu.memory_space<vmem>>[vector<16xi32>], vector<16xf32>,
      %add3A_250 = arith.addi %mul3A_219, %and3A_72 : vector<16xi32>
      %gather3A_251 = tpu.vector_load_idx %arg6[%add3A_250] : memref<80xf32, #tpu.memory_space<vmem>>[vector<16xi32>], vector<16xf32>,
      %scatter3A_252 = tpu.memref_slice %arg7[%mul3A_221] : memref<8192xf32, #tpu.memory_space<vmem>> -> memref<256xf32, #tpu.memory_space<vmem>>
      tpu.vector_store_idx %scatter3A_252[%add3A_113], %gather3A_251 : memref<256xf32, #tpu.memory_space<vmem>>[vector<16xi32>], vector<16xf32>,
      %add3A_253 = arith.addi %mul3A_219, %and3A_78 : vector<16xi32>
      %gather3A_254 = tpu.vector_load_idx %arg6[%add3A_253] : memref<80xf32, #tpu.memory_space<vmem>>[vector<16xi32>], vector<16xf32>,
      %scatter3A_255 = tpu.memref_slice %arg7[%mul3A_221] : memref<8192xf32, #tpu.memory_space<vmem>> -> memref<256xf32, #tpu.memory_space<vmem>>
      tpu.vector_store_idx %scatter3A_255[%add3A_114], %gather3A_254 : memref<256xf32, #tpu.memory_space<vmem>>[vector<16xi32>], vector<16xf32>,
      %add3A_256 = arith.addi %mul3A_219, %and3A_84 : vector<16xi32>
      %gather3A_257 = tpu.vector_load_idx %arg6[%add3A_256] : memref<80xf32, #tpu.memory_space<vmem>>[vector<16xi32>], vector<16xf32>,
      %scatter3A_258 = tpu.memref_slice %arg7[%mul3A_221] : memref<8192xf32, #tpu.memory_space<vmem>> -> memref<256xf32, #tpu.memory_space<vmem>>
      tpu.vector_store_idx %scatter3A_258[%add3A_115], %gather3A_257 : memref<256xf32, #tpu.memory_space<vmem>>[vector<16xi32>], vector<16xf32>,
      %add3A_259 = arith.addi %mul3A_219, %and3A_90 : vector<16xi32>
      %gather3A_260 = tpu.vector_load_idx %arg6[%add3A_259] : memref<80xf32, #tpu.memory_space<vmem>>[vector<16xi32>], vector<16xf32>,
      %scatter3A_261 = tpu.memref_slice %arg7[%mul3A_221] : memref<8192xf32, #tpu.memory_space<vmem>> -> memref<256xf32, #tpu.memory_space<vmem>>
      tpu.vector_store_idx %scatter3A_261[%add3A_116], %gather3A_260 : memref<256xf32, #tpu.memory_space<vmem>>[vector<16xi32>], vector<16xf32>,
      %add3A_262 = arith.addi %mul3A_219, %and3A_96 : vector<16xi32>
      %gather3A_263 = tpu.vector_load_idx %arg6[%add3A_262] : memref<80xf32, #tpu.memory_space<vmem>>[vector<16xi32>], vector<16xf32>,
      %scatter3A_264 = tpu.memref_slice %arg7[%mul3A_221] : memref<8192xf32, #tpu.memory_space<vmem>> -> memref<256xf32, #tpu.memory_space<vmem>>
      tpu.vector_store_idx %scatter3A_264[%add3A_117], %gather3A_263 : memref<256xf32, #tpu.memory_space<vmem>>[vector<16xi32>], vector<16xf32>,
      %add3A_265 = arith.addi %mul3A_219, %and3A_102 : vector<16xi32>
      %gather3A_266 = tpu.vector_load_idx %arg6[%add3A_265] : memref<80xf32, #tpu.memory_space<vmem>>[vector<16xi32>], vector<16xf32>,
      %scatter3A_267 = tpu.memref_slice %arg7[%mul3A_221] : memref<8192xf32, #tpu.memory_space<vmem>> -> memref<256xf32, #tpu.memory_space<vmem>>
      tpu.vector_store_idx %scatter3A_267[%add3A_118], %gather3A_266 : memref<256xf32, #tpu.memory_space<vmem>>[vector<16xi32>], vector<16xf32>,
      %mul3A_268 = arith.constant 4 : i32
      %mul3A_269 = arith.muli %mul3A_268, %scan3A_210 : i32
      %add3A_270 = arith.constant 1 : i32
      %add3A_271 = arith.addi %mul3A_269, %add3A_270 : i32
      %mul3A_272 = arith.constant 16 : i32
      %mul3A_273 = arith.muli %add3A_271, %mul3A_272 : i32
      %get3A_274 = arith.index_cast %mul3A_273 : i32 to index
      %get3A_275 = tpu.vector_load %arg5[%get3A_274] {strides = array<i32>} : memref<512xi32, #tpu.memory_space<vmem>>, vector<16xi32>,
      %mul3A_276 = arith.constant 16 : i32
      %mul3A_277 = vector.broadcast %mul3A_276 : i32 to vector<16xi32>
      %mul3A_278 = arith.muli %get3A_275, %mul3A_277 : vector<16xi32>
      %mul3A_279 = arith.constant 256 : i32
      %mul3A_280 = arith.muli %add3A_271, %mul3A_279 : i32
      %add3A_281 = arith.addi %mul3A_278, %and3A_12 : vector<16xi32>
      %gather3A_282 = tpu.vector_load_idx %arg6[%add3A_281] : memref<80xf32, #tpu.memory_space<vmem>>[vector<16xi32>], vector<16xf32>,
      %scatter3A_283 = tpu.memref_slice %arg7[%mul3A_280] : memref<8192xf32, #tpu.memory_space<vmem>> -> memref<256xf32, #tpu.memory_space<vmem>>
      tpu.vector_store_idx %scatter3A_283[%add3A_103], %gather3A_282 : memref<256xf32, #tpu.memory_space<vmem>>[vector<16xi32>], vector<16xf32>,
      %add3A_284 = arith.addi %mul3A_278, %and3A_18 : vector<16xi32>
      %gather3A_285 = tpu.vector_load_idx %arg6[%add3A_284] : memref<80xf32, #tpu.memory_space<vmem>>[vector<16xi32>], vector<16xf32>,
      %scatter3A_286 = tpu.memref_slice %arg7[%mul3A_280] : memref<8192xf32, #tpu.memory_space<vmem>> -> memref<256xf32, #tpu.memory_space<vmem>>
      tpu.vector_store_idx %scatter3A_286[%add3A_104], %gather3A_285 : memref<256xf32, #tpu.memory_space<vmem>>[vector<16xi32>], vector<16xf32>,
      %add3A_287 = arith.addi %mul3A_278, %and3A_24 : vector<16xi32>
      %gather3A_288 = tpu.vector_load_idx %arg6[%add3A_287] : memref<80xf32, #tpu.memory_space<vmem>>[vector<16xi32>], vector<16xf32>,
      %scatter3A_289 = tpu.memref_slice %arg7[%mul3A_280] : memref<8192xf32, #tpu.memory_space<vmem>> -> memref<256xf32, #tpu.memory_space<vmem>>
      tpu.vector_store_idx %scatter3A_289[%add3A_105], %gather3A_288 : memref<256xf32, #tpu.memory_space<vmem>>[vector<16xi32>], vector<16xf32>,
      %add3A_290 = arith.addi %mul3A_278, %and3A_30 : vector<16xi32>
      %gather3A_291 = tpu.vector_load_idx %arg6[%add3A_290] : memref<80xf32, #tpu.memory_space<vmem>>[vector<16xi32>], vector<16xf32>,
      %scatter3A_292 = tpu.memref_slice %arg7[%mul3A_280] : memref<8192xf32, #tpu.memory_space<vmem>> -> memref<256xf32, #tpu.memory_space<vmem>>
      tpu.vector_store_idx %scatter3A_292[%add3A_106], %gather3A_291 : memref<256xf32, #tpu.memory_space<vmem>>[vector<16xi32>], vector<16xf32>,
      %add3A_293 = arith.addi %mul3A_278, %and3A_36 : vector<16xi32>
      %gather3A_294 = tpu.vector_load_idx %arg6[%add3A_293] : memref<80xf32, #tpu.memory_space<vmem>>[vector<16xi32>], vector<16xf32>,
      %scatter3A_295 = tpu.memref_slice %arg7[%mul3A_280] : memref<8192xf32, #tpu.memory_space<vmem>> -> memref<256xf32, #tpu.memory_space<vmem>>
      tpu.vector_store_idx %scatter3A_295[%add3A_107], %gather3A_294 : memref<256xf32, #tpu.memory_space<vmem>>[vector<16xi32>], vector<16xf32>,
      %add3A_296 = arith.addi %mul3A_278, %and3A_42 : vector<16xi32>
      %gather3A_297 = tpu.vector_load_idx %arg6[%add3A_296] : memref<80xf32, #tpu.memory_space<vmem>>[vector<16xi32>], vector<16xf32>,
      %scatter3A_298 = tpu.memref_slice %arg7[%mul3A_280] : memref<8192xf32, #tpu.memory_space<vmem>> -> memref<256xf32, #tpu.memory_space<vmem>>
      tpu.vector_store_idx %scatter3A_298[%add3A_108], %gather3A_297 : memref<256xf32, #tpu.memory_space<vmem>>[vector<16xi32>], vector<16xf32>,
      %add3A_299 = arith.addi %mul3A_278, %and3A_48 : vector<16xi32>
      %gather3A_300 = tpu.vector_load_idx %arg6[%add3A_299] : memref<80xf32, #tpu.memory_space<vmem>>[vector<16xi32>], vector<16xf32>,
      %scatter3A_301 = tpu.memref_slice %arg7[%mul3A_280] : memref<8192xf32, #tpu.memory_space<vmem>> -> memref<256xf32, #tpu.memory_space<vmem>>
      tpu.vector_store_idx %scatter3A_301[%add3A_109], %gather3A_300 : memref<256xf32, #tpu.memory_space<vmem>>[vector<16xi32>], vector<16xf32>,
      %add3A_302 = arith.addi %mul3A_278, %and3A_54 : vector<16xi32>
      %gather3A_303 = tpu.vector_load_idx %arg6[%add3A_302] : memref<80xf32, #tpu.memory_space<vmem>>[vector<16xi32>], vector<16xf32>,
      %scatter3A_304 = tpu.memref_slice %arg7[%mul3A_280] : memref<8192xf32, #tpu.memory_space<vmem>> -> memref<256xf32, #tpu.memory_space<vmem>>
      tpu.vector_store_idx %scatter3A_304[%add3A_110], %gather3A_303 : memref<256xf32, #tpu.memory_space<vmem>>[vector<16xi32>], vector<16xf32>,
      %add3A_305 = arith.addi %mul3A_278, %and3A_60 : vector<16xi32>
      %gather3A_306 = tpu.vector_load_idx %arg6[%add3A_305] : memref<80xf32, #tpu.memory_space<vmem>>[vector<16xi32>], vector<16xf32>,
      %scatter3A_307 = tpu.memref_slice %arg7[%mul3A_280] : memref<8192xf32, #tpu.memory_space<vmem>> -> memref<256xf32, #tpu.memory_space<vmem>>
      tpu.vector_store_idx %scatter3A_307[%add3A_111], %gather3A_306 : memref<256xf32, #tpu.memory_space<vmem>>[vector<16xi32>], vector<16xf32>,
      %add3A_308 = arith.addi %mul3A_278, %and3A_66 : vector<16xi32>
      %gather3A_309 = tpu.vector_load_idx %arg6[%add3A_308] : memref<80xf32, #tpu.memory_space<vmem>>[vector<16xi32>], vector<16xf32>,
      %scatter3A_310 = tpu.memref_slice %arg7[%mul3A_280] : memref<8192xf32, #tpu.memory_space<vmem>> -> memref<256xf32, #tpu.memory_space<vmem>>
      tpu.vector_store_idx %scatter3A_310[%add3A_112], %gather3A_309 : memref<256xf32, #tpu.memory_space<vmem>>[vector<16xi32>], vector<16xf32>,
      %add3A_311 = arith.addi %mul3A_278, %and3A_72 : vector<16xi32>
      %gather3A_312 = tpu.vector_load_idx %arg6[%add3A_311] : memref<80xf32, #tpu.memory_space<vmem>>[vector<16xi32>], vector<16xf32>,
      %scatter3A_313 = tpu.memref_slice %arg7[%mul3A_280] : memref<8192xf32, #tpu.memory_space<vmem>> -> memref<256xf32, #tpu.memory_space<vmem>>
      tpu.vector_store_idx %scatter3A_313[%add3A_113], %gather3A_312 : memref<256xf32, #tpu.memory_space<vmem>>[vector<16xi32>], vector<16xf32>,
      %add3A_314 = arith.addi %mul3A_278, %and3A_78 : vector<16xi32>
      %gather3A_315 = tpu.vector_load_idx %arg6[%add3A_314] : memref<80xf32, #tpu.memory_space<vmem>>[vector<16xi32>], vector<16xf32>,
      %scatter3A_316 = tpu.memref_slice %arg7[%mul3A_280] : memref<8192xf32, #tpu.memory_space<vmem>> -> memref<256xf32, #tpu.memory_space<vmem>>
      tpu.vector_store_idx %scatter3A_316[%add3A_114], %gather3A_315 : memref<256xf32, #tpu.memory_space<vmem>>[vector<16xi32>], vector<16xf32>,
      %add3A_317 = arith.addi %mul3A_278, %and3A_84 : vector<16xi32>
      %gather3A_318 = tpu.vector_load_idx %arg6[%add3A_317] : memref<80xf32, #tpu.memory_space<vmem>>[vector<16xi32>], vector<16xf32>,
      %scatter3A_319 = tpu.memref_slice %arg7[%mul3A_280] : memref<8192xf32, #tpu.memory_space<vmem>> -> memref<256xf32, #tpu.memory_space<vmem>>
      tpu.vector_store_idx %scatter3A_319[%add3A_115], %gather3A_318 : memref<256xf32, #tpu.memory_space<vmem>>[vector<16xi32>], vector<16xf32>,
      %add3A_320 = arith.addi %mul3A_278, %and3A_90 : vector<16xi32>
      %gather3A_321 = tpu.vector_load_idx %arg6[%add3A_320] : memref<80xf32, #tpu.memory_space<vmem>>[vector<16xi32>], vector<16xf32>,
      %scatter3A_322 = tpu.memref_slice %arg7[%mul3A_280] : memref<8192xf32, #tpu.memory_space<vmem>> -> memref<256xf32, #tpu.memory_space<vmem>>
      tpu.vector_store_idx %scatter3A_322[%add3A_116], %gather3A_321 : memref<256xf32, #tpu.memory_space<vmem>>[vector<16xi32>], vector<16xf32>,
      %add3A_323 = arith.addi %mul3A_278, %and3A_96 : vector<16xi32>
      %gather3A_324 = tpu.vector_load_idx %arg6[%add3A_323] : memref<80xf32, #tpu.memory_space<vmem>>[vector<16xi32>], vector<16xf32>,
      %scatter3A_325 = tpu.memref_slice %arg7[%mul3A_280] : memref<8192xf32, #tpu.memory_space<vmem>> -> memref<256xf32, #tpu.memory_space<vmem>>
      tpu.vector_store_idx %scatter3A_325[%add3A_117], %gather3A_324 : memref<256xf32, #tpu.memory_space<vmem>>[vector<16xi32>], vector<16xf32>,
      %add3A_326 = arith.addi %mul3A_278, %and3A_102 : vector<16xi32>
      %gather3A_327 = tpu.vector_load_idx %arg6[%add3A_326] : memref<80xf32, #tpu.memory_space<vmem>>[vector<16xi32>], vector<16xf32>,
      %scatter3A_328 = tpu.memref_slice %arg7[%mul3A_280] : memref<8192xf32, #tpu.memory_space<vmem>> -> memref<256xf32, #tpu.memory_space<vmem>>
      tpu.vector_store_idx %scatter3A_328[%add3A_118], %gather3A_327 : memref<256xf32, #tpu.memory_space<vmem>>[vector<16xi32>], vector<16xf32>,
      %mul3A_329 = arith.constant 4 : i32
      %mul3A_330 = arith.muli %mul3A_329, %scan3A_210 : i32
      %add3A_331 = arith.constant 2 : i32
      %add3A_332 = arith.addi %mul3A_330, %add3A_331 : i32
      %mul3A_333 = arith.constant 16 : i32
      %mul3A_334 = arith.muli %add3A_332, %mul3A_333 : i32
      %get3A_335 = arith.index_cast %mul3A_334 : i32 to index
      %get3A_336 = tpu.vector_load %arg5[%get3A_335] {strides = array<i32>} : memref<512xi32, #tpu.memory_space<vmem>>, vector<16xi32>,
      %mul3A_337 = arith.constant 16 : i32
      %mul3A_338 = vector.broadcast %mul3A_337 : i32 to vector<16xi32>
      %mul3A_339 = arith.muli %get3A_336, %mul3A_338 : vector<16xi32>
      %mul3A_340 = arith.constant 256 : i32
      %mul3A_341 = arith.muli %add3A_332, %mul3A_340 : i32
      %add3A_342 = arith.addi %mul3A_339, %and3A_12 : vector<16xi32>
      %gather3A_343 = tpu.vector_load_idx %arg6[%add3A_342] : memref<80xf32, #tpu.memory_space<vmem>>[vector<16xi32>], vector<16xf32>,
      %scatter3A_344 = tpu.memref_slice %arg7[%mul3A_341] : memref<8192xf32, #tpu.memory_space<vmem>> -> memref<256xf32, #tpu.memory_space<vmem>>
      tpu.vector_store_idx %scatter3A_344[%add3A_103], %gather3A_343 : memref<256xf32, #tpu.memory_space<vmem>>[vector<16xi32>], vector<16xf32>,
      %add3A_345 = arith.addi %mul3A_339, %and3A_18 : vector<16xi32>
      %gather3A_346 = tpu.vector_load_idx %arg6[%add3A_345] : memref<80xf32, #tpu.memory_space<vmem>>[vector<16xi32>], vector<16xf32>,
      %scatter3A_347 = tpu.memref_slice %arg7[%mul3A_341] : memref<8192xf32, #tpu.memory_space<vmem>> -> memref<256xf32, #tpu.memory_space<vmem>>
      tpu.vector_store_idx %scatter3A_347[%add3A_104], %gather3A_346 : memref<256xf32, #tpu.memory_space<vmem>>[vector<16xi32>], vector<16xf32>,
      %add3A_348 = arith.addi %mul3A_339, %and3A_24 : vector<16xi32>
      %gather3A_349 = tpu.vector_load_idx %arg6[%add3A_348] : memref<80xf32, #tpu.memory_space<vmem>>[vector<16xi32>], vector<16xf32>,
      %scatter3A_350 = tpu.memref_slice %arg7[%mul3A_341] : memref<8192xf32, #tpu.memory_space<vmem>> -> memref<256xf32, #tpu.memory_space<vmem>>
      tpu.vector_store_idx %scatter3A_350[%add3A_105], %gather3A_349 : memref<256xf32, #tpu.memory_space<vmem>>[vector<16xi32>], vector<16xf32>,
      %add3A_351 = arith.addi %mul3A_339, %and3A_30 : vector<16xi32>
      %gather3A_352 = tpu.vector_load_idx %arg6[%add3A_351] : memref<80xf32, #tpu.memory_space<vmem>>[vector<16xi32>], vector<16xf32>,
      %scatter3A_353 = tpu.memref_slice %arg7[%mul3A_341] : memref<8192xf32, #tpu.memory_space<vmem>> -> memref<256xf32, #tpu.memory_space<vmem>>
      tpu.vector_store_idx %scatter3A_353[%add3A_106], %gather3A_352 : memref<256xf32, #tpu.memory_space<vmem>>[vector<16xi32>], vector<16xf32>,
      %add3A_354 = arith.addi %mul3A_339, %and3A_36 : vector<16xi32>
      %gather3A_355 = tpu.vector_load_idx %arg6[%add3A_354] : memref<80xf32, #tpu.memory_space<vmem>>[vector<16xi32>], vector<16xf32>,
      %scatter3A_356 = tpu.memref_slice %arg7[%mul3A_341] : memref<8192xf32, #tpu.memory_space<vmem>> -> memref<256xf32, #tpu.memory_space<vmem>>
      tpu.vector_store_idx %scatter3A_356[%add3A_107], %gather3A_355 : memref<256xf32, #tpu.memory_space<vmem>>[vector<16xi32>], vector<16xf32>,
      %add3A_357 = arith.addi %mul3A_339, %and3A_42 : vector<16xi32>
      %gather3A_358 = tpu.vector_load_idx %arg6[%add3A_357] : memref<80xf32, #tpu.memory_space<vmem>>[vector<16xi32>], vector<16xf32>,
      %scatter3A_359 = tpu.memref_slice %arg7[%mul3A_341] : memref<8192xf32, #tpu.memory_space<vmem>> -> memref<256xf32, #tpu.memory_space<vmem>>
      tpu.vector_store_idx %scatter3A_359[%add3A_108], %gather3A_358 : memref<256xf32, #tpu.memory_space<vmem>>[vector<16xi32>], vector<16xf32>,
      %add3A_360 = arith.addi %mul3A_339, %and3A_48 : vector<16xi32>
      %gather3A_361 = tpu.vector_load_idx %arg6[%add3A_360] : memref<80xf32, #tpu.memory_space<vmem>>[vector<16xi32>], vector<16xf32>,
      %scatter3A_362 = tpu.memref_slice %arg7[%mul3A_341] : memref<8192xf32, #tpu.memory_space<vmem>> -> memref<256xf32, #tpu.memory_space<vmem>>
      tpu.vector_store_idx %scatter3A_362[%add3A_109], %gather3A_361 : memref<256xf32, #tpu.memory_space<vmem>>[vector<16xi32>], vector<16xf32>,
      %add3A_363 = arith.addi %mul3A_339, %and3A_54 : vector<16xi32>
      %gather3A_364 = tpu.vector_load_idx %arg6[%add3A_363] : memref<80xf32, #tpu.memory_space<vmem>>[vector<16xi32>], vector<16xf32>,
      %scatter3A_365 = tpu.memref_slice %arg7[%mul3A_341] : memref<8192xf32, #tpu.memory_space<vmem>> -> memref<256xf32, #tpu.memory_space<vmem>>
      tpu.vector_store_idx %scatter3A_365[%add3A_110], %gather3A_364 : memref<256xf32, #tpu.memory_space<vmem>>[vector<16xi32>], vector<16xf32>,
      %add3A_366 = arith.addi %mul3A_339, %and3A_60 : vector<16xi32>
      %gather3A_367 = tpu.vector_load_idx %arg6[%add3A_366] : memref<80xf32, #tpu.memory_space<vmem>>[vector<16xi32>], vector<16xf32>,
      %scatter3A_368 = tpu.memref_slice %arg7[%mul3A_341] : memref<8192xf32, #tpu.memory_space<vmem>> -> memref<256xf32, #tpu.memory_space<vmem>>
      tpu.vector_store_idx %scatter3A_368[%add3A_111], %gather3A_367 : memref<256xf32, #tpu.memory_space<vmem>>[vector<16xi32>], vector<16xf32>,
      %add3A_369 = arith.addi %mul3A_339, %and3A_66 : vector<16xi32>
      %gather3A_370 = tpu.vector_load_idx %arg6[%add3A_369] : memref<80xf32, #tpu.memory_space<vmem>>[vector<16xi32>], vector<16xf32>,
      %scatter3A_371 = tpu.memref_slice %arg7[%mul3A_341] : memref<8192xf32, #tpu.memory_space<vmem>> -> memref<256xf32, #tpu.memory_space<vmem>>
      tpu.vector_store_idx %scatter3A_371[%add3A_112], %gather3A_370 : memref<256xf32, #tpu.memory_space<vmem>>[vector<16xi32>], vector<16xf32>,
      %add3A_372 = arith.addi %mul3A_339, %and3A_72 : vector<16xi32>
      %gather3A_373 = tpu.vector_load_idx %arg6[%add3A_372] : memref<80xf32, #tpu.memory_space<vmem>>[vector<16xi32>], vector<16xf32>,
      %scatter3A_374 = tpu.memref_slice %arg7[%mul3A_341] : memref<8192xf32, #tpu.memory_space<vmem>> -> memref<256xf32, #tpu.memory_space<vmem>>
      tpu.vector_store_idx %scatter3A_374[%add3A_113], %gather3A_373 : memref<256xf32, #tpu.memory_space<vmem>>[vector<16xi32>], vector<16xf32>,
      %add3A_375 = arith.addi %mul3A_339, %and3A_78 : vector<16xi32>
      %gather3A_376 = tpu.vector_load_idx %arg6[%add3A_375] : memref<80xf32, #tpu.memory_space<vmem>>[vector<16xi32>], vector<16xf32>,
      %scatter3A_377 = tpu.memref_slice %arg7[%mul3A_341] : memref<8192xf32, #tpu.memory_space<vmem>> -> memref<256xf32, #tpu.memory_space<vmem>>
      tpu.vector_store_idx %scatter3A_377[%add3A_114], %gather3A_376 : memref<256xf32, #tpu.memory_space<vmem>>[vector<16xi32>], vector<16xf32>,
      %add3A_378 = arith.addi %mul3A_339, %and3A_84 : vector<16xi32>
      %gather3A_379 = tpu.vector_load_idx %arg6[%add3A_378] : memref<80xf32, #tpu.memory_space<vmem>>[vector<16xi32>], vector<16xf32>,
      %scatter3A_380 = tpu.memref_slice %arg7[%mul3A_341] : memref<8192xf32, #tpu.memory_space<vmem>> -> memref<256xf32, #tpu.memory_space<vmem>>
      tpu.vector_store_idx %scatter3A_380[%add3A_115], %gather3A_379 : memref<256xf32, #tpu.memory_space<vmem>>[vector<16xi32>], vector<16xf32>,
      %add3A_381 = arith.addi %mul3A_339, %and3A_90 : vector<16xi32>
      %gather3A_382 = tpu.vector_load_idx %arg6[%add3A_381] : memref<80xf32, #tpu.memory_space<vmem>>[vector<16xi32>], vector<16xf32>,
      %scatter3A_383 = tpu.memref_slice %arg7[%mul3A_341] : memref<8192xf32, #tpu.memory_space<vmem>> -> memref<256xf32, #tpu.memory_space<vmem>>
      tpu.vector_store_idx %scatter3A_383[%add3A_116], %gather3A_382 : memref<256xf32, #tpu.memory_space<vmem>>[vector<16xi32>], vector<16xf32>,
      %add3A_384 = arith.addi %mul3A_339, %and3A_96 : vector<16xi32>
      %gather3A_385 = tpu.vector_load_idx %arg6[%add3A_384] : memref<80xf32, #tpu.memory_space<vmem>>[vector<16xi32>], vector<16xf32>,
      %scatter3A_386 = tpu.memref_slice %arg7[%mul3A_341] : memref<8192xf32, #tpu.memory_space<vmem>> -> memref<256xf32, #tpu.memory_space<vmem>>
      tpu.vector_store_idx %scatter3A_386[%add3A_117], %gather3A_385 : memref<256xf32, #tpu.memory_space<vmem>>[vector<16xi32>], vector<16xf32>,
      %add3A_387 = arith.addi %mul3A_339, %and3A_102 : vector<16xi32>
      %gather3A_388 = tpu.vector_load_idx %arg6[%add3A_387] : memref<80xf32, #tpu.memory_space<vmem>>[vector<16xi32>], vector<16xf32>,
      %scatter3A_389 = tpu.memref_slice %arg7[%mul3A_341] : memref<8192xf32, #tpu.memory_space<vmem>> -> memref<256xf32, #tpu.memory_space<vmem>>
      tpu.vector_store_idx %scatter3A_389[%add3A_118], %gather3A_388 : memref<256xf32, #tpu.memory_space<vmem>>[vector<16xi32>], vector<16xf32>,
      %mul3A_390 = arith.constant 4 : i32
      %mul3A_391 = arith.muli %mul3A_390, %scan3A_210 : i32
      %add3A_392 = arith.constant 3 : i32
      %add3A_393 = arith.addi %mul3A_391, %add3A_392 : i32
      %mul3A_394 = arith.constant 16 : i32
      %mul3A_395 = arith.muli %add3A_393, %mul3A_394 : i32
      %get3A_396 = arith.index_cast %mul3A_395 : i32 to index
      %get3A_397 = tpu.vector_load %arg5[%get3A_396] {strides = array<i32>} : memref<512xi32, #tpu.memory_space<vmem>>, vector<16xi32>,
      %mul3A_398 = arith.constant 16 : i32
      %mul3A_399 = vector.broadcast %mul3A_398 : i32 to vector<16xi32>
      %mul3A_400 = arith.muli %get3A_397, %mul3A_399 : vector<16xi32>
      %mul3A_401 = arith.constant 256 : i32
      %mul3A_402 = arith.muli %add3A_393, %mul3A_401 : i32
      %add3A_403 = arith.addi %mul3A_400, %and3A_12 : vector<16xi32>
      %gather3A_404 = tpu.vector_load_idx %arg6[%add3A_403] : memref<80xf32, #tpu.memory_space<vmem>>[vector<16xi32>], vector<16xf32>,
      %scatter3A_405 = tpu.memref_slice %arg7[%mul3A_402] : memref<8192xf32, #tpu.memory_space<vmem>> -> memref<256xf32, #tpu.memory_space<vmem>>
      tpu.vector_store_idx %scatter3A_405[%add3A_103], %gather3A_404 : memref<256xf32, #tpu.memory_space<vmem>>[vector<16xi32>], vector<16xf32>,
      %add3A_406 = arith.addi %mul3A_400, %and3A_18 : vector<16xi32>
      %gather3A_407 = tpu.vector_load_idx %arg6[%add3A_406] : memref<80xf32, #tpu.memory_space<vmem>>[vector<16xi32>], vector<16xf32>,
      %scatter3A_408 = tpu.memref_slice %arg7[%mul3A_402] : memref<8192xf32, #tpu.memory_space<vmem>> -> memref<256xf32, #tpu.memory_space<vmem>>
      tpu.vector_store_idx %scatter3A_408[%add3A_104], %gather3A_407 : memref<256xf32, #tpu.memory_space<vmem>>[vector<16xi32>], vector<16xf32>,
      %add3A_409 = arith.addi %mul3A_400, %and3A_24 : vector<16xi32>
      %gather3A_410 = tpu.vector_load_idx %arg6[%add3A_409] : memref<80xf32, #tpu.memory_space<vmem>>[vector<16xi32>], vector<16xf32>,
      %scatter3A_411 = tpu.memref_slice %arg7[%mul3A_402] : memref<8192xf32, #tpu.memory_space<vmem>> -> memref<256xf32, #tpu.memory_space<vmem>>
      tpu.vector_store_idx %scatter3A_411[%add3A_105], %gather3A_410 : memref<256xf32, #tpu.memory_space<vmem>>[vector<16xi32>], vector<16xf32>,
      %add3A_412 = arith.addi %mul3A_400, %and3A_30 : vector<16xi32>
      %gather3A_413 = tpu.vector_load_idx %arg6[%add3A_412] : memref<80xf32, #tpu.memory_space<vmem>>[vector<16xi32>], vector<16xf32>,
      %scatter3A_414 = tpu.memref_slice %arg7[%mul3A_402] : memref<8192xf32, #tpu.memory_space<vmem>> -> memref<256xf32, #tpu.memory_space<vmem>>
      tpu.vector_store_idx %scatter3A_414[%add3A_106], %gather3A_413 : memref<256xf32, #tpu.memory_space<vmem>>[vector<16xi32>], vector<16xf32>,
      %add3A_415 = arith.addi %mul3A_400, %and3A_36 : vector<16xi32>
      %gather3A_416 = tpu.vector_load_idx %arg6[%add3A_415] : memref<80xf32, #tpu.memory_space<vmem>>[vector<16xi32>], vector<16xf32>,
      %scatter3A_417 = tpu.memref_slice %arg7[%mul3A_402] : memref<8192xf32, #tpu.memory_space<vmem>> -> memref<256xf32, #tpu.memory_space<vmem>>
      tpu.vector_store_idx %scatter3A_417[%add3A_107], %gather3A_416 : memref<256xf32, #tpu.memory_space<vmem>>[vector<16xi32>], vector<16xf32>,
      %add3A_418 = arith.addi %mul3A_400, %and3A_42 : vector<16xi32>
      %gather3A_419 = tpu.vector_load_idx %arg6[%add3A_418] : memref<80xf32, #tpu.memory_space<vmem>>[vector<16xi32>], vector<16xf32>,
      %scatter3A_420 = tpu.memref_slice %arg7[%mul3A_402] : memref<8192xf32, #tpu.memory_space<vmem>> -> memref<256xf32, #tpu.memory_space<vmem>>
      tpu.vector_store_idx %scatter3A_420[%add3A_108], %gather3A_419 : memref<256xf32, #tpu.memory_space<vmem>>[vector<16xi32>], vector<16xf32>,
      %add3A_421 = arith.addi %mul3A_400, %and3A_48 : vector<16xi32>
      %gather3A_422 = tpu.vector_load_idx %arg6[%add3A_421] : memref<80xf32, #tpu.memory_space<vmem>>[vector<16xi32>], vector<16xf32>,
      %scatter3A_423 = tpu.memref_slice %arg7[%mul3A_402] : memref<8192xf32, #tpu.memory_space<vmem>> -> memref<256xf32, #tpu.memory_space<vmem>>
      tpu.vector_store_idx %scatter3A_423[%add3A_109], %gather3A_422 : memref<256xf32, #tpu.memory_space<vmem>>[vector<16xi32>], vector<16xf32>,
      %add3A_424 = arith.addi %mul3A_400, %and3A_54 : vector<16xi32>
      %gather3A_425 = tpu.vector_load_idx %arg6[%add3A_424] : memref<80xf32, #tpu.memory_space<vmem>>[vector<16xi32>], vector<16xf32>,
      %scatter3A_426 = tpu.memref_slice %arg7[%mul3A_402] : memref<8192xf32, #tpu.memory_space<vmem>> -> memref<256xf32, #tpu.memory_space<vmem>>
      tpu.vector_store_idx %scatter3A_426[%add3A_110], %gather3A_425 : memref<256xf32, #tpu.memory_space<vmem>>[vector<16xi32>], vector<16xf32>,
      %add3A_427 = arith.addi %mul3A_400, %and3A_60 : vector<16xi32>
      %gather3A_428 = tpu.vector_load_idx %arg6[%add3A_427] : memref<80xf32, #tpu.memory_space<vmem>>[vector<16xi32>], vector<16xf32>,
      %scatter3A_429 = tpu.memref_slice %arg7[%mul3A_402] : memref<8192xf32, #tpu.memory_space<vmem>> -> memref<256xf32, #tpu.memory_space<vmem>>
      tpu.vector_store_idx %scatter3A_429[%add3A_111], %gather3A_428 : memref<256xf32, #tpu.memory_space<vmem>>[vector<16xi32>], vector<16xf32>,
      %add3A_430 = arith.addi %mul3A_400, %and3A_66 : vector<16xi32>
      %gather3A_431 = tpu.vector_load_idx %arg6[%add3A_430] : memref<80xf32, #tpu.memory_space<vmem>>[vector<16xi32>], vector<16xf32>,
      %scatter3A_432 = tpu.memref_slice %arg7[%mul3A_402] : memref<8192xf32, #tpu.memory_space<vmem>> -> memref<256xf32, #tpu.memory_space<vmem>>
      tpu.vector_store_idx %scatter3A_432[%add3A_112], %gather3A_431 : memref<256xf32, #tpu.memory_space<vmem>>[vector<16xi32>], vector<16xf32>,
      %add3A_433 = arith.addi %mul3A_400, %and3A_72 : vector<16xi32>
      %gather3A_434 = tpu.vector_load_idx %arg6[%add3A_433] : memref<80xf32, #tpu.memory_space<vmem>>[vector<16xi32>], vector<16xf32>,
      %scatter3A_435 = tpu.memref_slice %arg7[%mul3A_402] : memref<8192xf32, #tpu.memory_space<vmem>> -> memref<256xf32, #tpu.memory_space<vmem>>
      tpu.vector_store_idx %scatter3A_435[%add3A_113], %gather3A_434 : memref<256xf32, #tpu.memory_space<vmem>>[vector<16xi32>], vector<16xf32>,
      %add3A_436 = arith.addi %mul3A_400, %and3A_78 : vector<16xi32>
      %gather3A_437 = tpu.vector_load_idx %arg6[%add3A_436] : memref<80xf32, #tpu.memory_space<vmem>>[vector<16xi32>], vector<16xf32>,
      %scatter3A_438 = tpu.memref_slice %arg7[%mul3A_402] : memref<8192xf32, #tpu.memory_space<vmem>> -> memref<256xf32, #tpu.memory_space<vmem>>
      tpu.vector_store_idx %scatter3A_438[%add3A_114], %gather3A_437 : memref<256xf32, #tpu.memory_space<vmem>>[vector<16xi32>], vector<16xf32>,
      %add3A_439 = arith.addi %mul3A_400, %and3A_84 : vector<16xi32>
      %gather3A_440 = tpu.vector_load_idx %arg6[%add3A_439] : memref<80xf32, #tpu.memory_space<vmem>>[vector<16xi32>], vector<16xf32>,
      %scatter3A_441 = tpu.memref_slice %arg7[%mul3A_402] : memref<8192xf32, #tpu.memory_space<vmem>> -> memref<256xf32, #tpu.memory_space<vmem>>
      tpu.vector_store_idx %scatter3A_441[%add3A_115], %gather3A_440 : memref<256xf32, #tpu.memory_space<vmem>>[vector<16xi32>], vector<16xf32>,
      %add3A_442 = arith.addi %mul3A_400, %and3A_90 : vector<16xi32>
      %gather3A_443 = tpu.vector_load_idx %arg6[%add3A_442] : memref<80xf32, #tpu.memory_space<vmem>>[vector<16xi32>], vector<16xf32>,
      %scatter3A_444 = tpu.memref_slice %arg7[%mul3A_402] : memref<8192xf32, #tpu.memory_space<vmem>> -> memref<256xf32, #tpu.memory_space<vmem>>
      tpu.vector_store_idx %scatter3A_444[%add3A_116], %gather3A_443 : memref<256xf32, #tpu.memory_space<vmem>>[vector<16xi32>], vector<16xf32>,
      %add3A_445 = arith.addi %mul3A_400, %and3A_96 : vector<16xi32>
      %gather3A_446 = tpu.vector_load_idx %arg6[%add3A_445] : memref<80xf32, #tpu.memory_space<vmem>>[vector<16xi32>], vector<16xf32>,
      %scatter3A_447 = tpu.memref_slice %arg7[%mul3A_402] : memref<8192xf32, #tpu.memory_space<vmem>> -> memref<256xf32, #tpu.memory_space<vmem>>
      tpu.vector_store_idx %scatter3A_447[%add3A_117], %gather3A_446 : memref<256xf32, #tpu.memory_space<vmem>>[vector<16xi32>], vector<16xf32>,
      %add3A_448 = arith.addi %mul3A_400, %and3A_102 : vector<16xi32>
      %gather3A_449 = tpu.vector_load_idx %arg6[%add3A_448] : memref<80xf32, #tpu.memory_space<vmem>>[vector<16xi32>], vector<16xf32>,
      %scatter3A_450 = tpu.memref_slice %arg7[%mul3A_402] : memref<8192xf32, #tpu.memory_space<vmem>> -> memref<256xf32, #tpu.memory_space<vmem>>
      tpu.vector_store_idx %scatter3A_450[%add3A_118], %gather3A_449 : memref<256xf32, #tpu.memory_space<vmem>>[vector<16xi32>], vector<16xf32>,
      %scan3A_451 = arith.constant 0 : i32
      scf.yield %scan3A_451 : i32
    }
    %scan3A_141 = arith.constant 2 : i32
    %mul3A_142 = arith.constant 16 : i32
    %mul3A_143 = arith.muli %mul3A_2, %mul3A_142 : i32
    %add3A_144 = arith.constant 2048 : i32
    %add3A_145 = arith.addi %mul3A_143, %add3A_144 : i32
    %dma_start3A_146 = arith.constant 2048 : i32
    %dma_start3A_147 = tpu.memref_slice %arg7[%dma_start3A_146] : memref<8192xf32, #tpu.memory_space<vmem>> -> memref<2048xf32, #tpu.memory_space<vmem>>
    %dma_start3A_148 = tpu.memref_slice %arg4[%add3A_145] : memref<262144xf32, #tpu.memory_space<hbm>> -> memref<2048xf32, #tpu.memory_space<hbm>>
    %dma_start3A_149 = tpu.memref_slice %arg4[%add3A_145] : memref<262144xf32, #tpu.memory_space<hbm>> -> memref<2048xf32, #tpu.memory_space<hbm>>
    %dma_start3A_150 = arith.constant 2048 : i32
    %dma_start3A_151 = tpu.memref_slice %arg7[%dma_start3A_150] : memref<8192xf32, #tpu.memory_space<vmem>> -> memref<2048xf32, #tpu.memory_space<vmem>>
    tpu.enqueue_dma source(%dma_start3A_151 : memref<2048xf32, #tpu.memory_space<vmem>>) target(%dma_start3A_149 : memref<2048xf32, #tpu.memory_space<hbm>>) target_semaphore(%arg8 : memref<!tpu.dma_semaphore, #tpu.memory_space<semaphore_mem>>)
    %scan3A_152 = arith.constant 0 : i32
    %scan3A_153 = arith.constant 4 : i32
    %scan3A_154 = arith.constant 2 : i32
    %scan3A_155 = arith.addi %scan3A_153, %scan3A_154 : i32
    %scan3A_156 = arith.constant 1 : i32
    %scan3A_157 = scf.for %scan3A_210 = %scan3A_153 to %scan3A_155 step %scan3A_156 iter_args(%scan3A_211 = %scan3A_152) -> (i32)  : i32 {
      %mul3A_212 = arith.constant 4 : i32
      %mul3A_213 = arith.muli %mul3A_212, %scan3A_210 : i32
      %mul3A_214 = arith.constant 16 : i32
      %mul3A_215 = arith.muli %mul3A_213, %mul3A_214 : i32
      %get3A = arith.index_cast %mul3A_215 : i32 to index
      %get3A_216 = tpu.vector_load %arg5[%get3A] {strides = array<i32>} : memref<512xi32, #tpu.memory_space<vmem>>, vector<16xi32>,
      %mul3A_217 = arith.constant 16 : i32
      %mul3A_218 = vector.broadcast %mul3A_217 : i32 to vector<16xi32>
      %mul3A_219 = arith.muli %get3A_216, %mul3A_218 : vector<16xi32>
      %mul3A_220 = arith.constant 256 : i32
      %mul3A_221 = arith.muli %mul3A_213, %mul3A_220 : i32
      %add3A_222 = arith.addi %mul3A_219, %and3A_12 : vector<16xi32>
      %gather3A = tpu.vector_load_idx %arg6[%add3A_222] : memref<80xf32, #tpu.memory_space<vmem>>[vector<16xi32>], vector<16xf32>,
      %scatter3A = tpu.memref_slice %arg7[%mul3A_221] : memref<8192xf32, #tpu.memory_space<vmem>> -> memref<256xf32, #tpu.memory_space<vmem>>
      tpu.vector_store_idx %scatter3A[%add3A_103], %gather3A : memref<256xf32, #tpu.memory_space<vmem>>[vector<16xi32>], vector<16xf32>,
      %add3A_223 = arith.addi %mul3A_219, %and3A_18 : vector<16xi32>
      %gather3A_224 = tpu.vector_load_idx %arg6[%add3A_223] : memref<80xf32, #tpu.memory_space<vmem>>[vector<16xi32>], vector<16xf32>,
      %scatter3A_225 = tpu.memref_slice %arg7[%mul3A_221] : memref<8192xf32, #tpu.memory_space<vmem>> -> memref<256xf32, #tpu.memory_space<vmem>>
      tpu.vector_store_idx %scatter3A_225[%add3A_104], %gather3A_224 : memref<256xf32, #tpu.memory_space<vmem>>[vector<16xi32>], vector<16xf32>,
      %add3A_226 = arith.addi %mul3A_219, %and3A_24 : vector<16xi32>
      %gather3A_227 = tpu.vector_load_idx %arg6[%add3A_226] : memref<80xf32, #tpu.memory_space<vmem>>[vector<16xi32>], vector<16xf32>,
      %scatter3A_228 = tpu.memref_slice %arg7[%mul3A_221] : memref<8192xf32, #tpu.memory_space<vmem>> -> memref<256xf32, #tpu.memory_space<vmem>>
      tpu.vector_store_idx %scatter3A_228[%add3A_105], %gather3A_227 : memref<256xf32, #tpu.memory_space<vmem>>[vector<16xi32>], vector<16xf32>,
      %add3A_229 = arith.addi %mul3A_219, %and3A_30 : vector<16xi32>
      %gather3A_230 = tpu.vector_load_idx %arg6[%add3A_229] : memref<80xf32, #tpu.memory_space<vmem>>[vector<16xi32>], vector<16xf32>,
      %scatter3A_231 = tpu.memref_slice %arg7[%mul3A_221] : memref<8192xf32, #tpu.memory_space<vmem>> -> memref<256xf32, #tpu.memory_space<vmem>>
      tpu.vector_store_idx %scatter3A_231[%add3A_106], %gather3A_230 : memref<256xf32, #tpu.memory_space<vmem>>[vector<16xi32>], vector<16xf32>,
      %add3A_232 = arith.addi %mul3A_219, %and3A_36 : vector<16xi32>
      %gather3A_233 = tpu.vector_load_idx %arg6[%add3A_232] : memref<80xf32, #tpu.memory_space<vmem>>[vector<16xi32>], vector<16xf32>,
      %scatter3A_234 = tpu.memref_slice %arg7[%mul3A_221] : memref<8192xf32, #tpu.memory_space<vmem>> -> memref<256xf32, #tpu.memory_space<vmem>>
      tpu.vector_store_idx %scatter3A_234[%add3A_107], %gather3A_233 : memref<256xf32, #tpu.memory_space<vmem>>[vector<16xi32>], vector<16xf32>,
      %add3A_235 = arith.addi %mul3A_219, %and3A_42 : vector<16xi32>
      %gather3A_236 = tpu.vector_load_idx %arg6[%add3A_235] : memref<80xf32, #tpu.memory_space<vmem>>[vector<16xi32>], vector<16xf32>,
      %scatter3A_237 = tpu.memref_slice %arg7[%mul3A_221] : memref<8192xf32, #tpu.memory_space<vmem>> -> memref<256xf32, #tpu.memory_space<vmem>>
      tpu.vector_store_idx %scatter3A_237[%add3A_108], %gather3A_236 : memref<256xf32, #tpu.memory_space<vmem>>[vector<16xi32>], vector<16xf32>,
      %add3A_238 = arith.addi %mul3A_219, %and3A_48 : vector<16xi32>
      %gather3A_239 = tpu.vector_load_idx %arg6[%add3A_238] : memref<80xf32, #tpu.memory_space<vmem>>[vector<16xi32>], vector<16xf32>,
      %scatter3A_240 = tpu.memref_slice %arg7[%mul3A_221] : memref<8192xf32, #tpu.memory_space<vmem>> -> memref<256xf32, #tpu.memory_space<vmem>>
      tpu.vector_store_idx %scatter3A_240[%add3A_109], %gather3A_239 : memref<256xf32, #tpu.memory_space<vmem>>[vector<16xi32>], vector<16xf32>,
      %add3A_241 = arith.addi %mul3A_219, %and3A_54 : vector<16xi32>
      %gather3A_242 = tpu.vector_load_idx %arg6[%add3A_241] : memref<80xf32, #tpu.memory_space<vmem>>[vector<16xi32>], vector<16xf32>,
      %scatter3A_243 = tpu.memref_slice %arg7[%mul3A_221] : memref<8192xf32, #tpu.memory_space<vmem>> -> memref<256xf32, #tpu.memory_space<vmem>>
      tpu.vector_store_idx %scatter3A_243[%add3A_110], %gather3A_242 : memref<256xf32, #tpu.memory_space<vmem>>[vector<16xi32>], vector<16xf32>,
      %add3A_244 = arith.addi %mul3A_219, %and3A_60 : vector<16xi32>
      %gather3A_245 = tpu.vector_load_idx %arg6[%add3A_244] : memref<80xf32, #tpu.memory_space<vmem>>[vector<16xi32>], vector<16xf32>,
      %scatter3A_246 = tpu.memref_slice %arg7[%mul3A_221] : memref<8192xf32, #tpu.memory_space<vmem>> -> memref<256xf32, #tpu.memory_space<vmem>>
      tpu.vector_store_idx %scatter3A_246[%add3A_111], %gather3A_245 : memref<256xf32, #tpu.memory_space<vmem>>[vector<16xi32>], vector<16xf32>,
      %add3A_247 = arith.addi %mul3A_219, %and3A_66 : vector<16xi32>
      %gather3A_248 = tpu.vector_load_idx %arg6[%add3A_247] : memref<80xf32, #tpu.memory_space<vmem>>[vector<16xi32>], vector<16xf32>,
      %scatter3A_249 = tpu.memref_slice %arg7[%mul3A_221] : memref<8192xf32, #tpu.memory_space<vmem>> -> memref<256xf32, #tpu.memory_space<vmem>>
      tpu.vector_store_idx %scatter3A_249[%add3A_112], %gather3A_248 : memref<256xf32, #tpu.memory_space<vmem>>[vector<16xi32>], vector<16xf32>,
      %add3A_250 = arith.addi %mul3A_219, %and3A_72 : vector<16xi32>
      %gather3A_251 = tpu.vector_load_idx %arg6[%add3A_250] : memref<80xf32, #tpu.memory_space<vmem>>[vector<16xi32>], vector<16xf32>,
      %scatter3A_252 = tpu.memref_slice %arg7[%mul3A_221] : memref<8192xf32, #tpu.memory_space<vmem>> -> memref<256xf32, #tpu.memory_space<vmem>>
      tpu.vector_store_idx %scatter3A_252[%add3A_113], %gather3A_251 : memref<256xf32, #tpu.memory_space<vmem>>[vector<16xi32>], vector<16xf32>,
      %add3A_253 = arith.addi %mul3A_219, %and3A_78 : vector<16xi32>
      %gather3A_254 = tpu.vector_load_idx %arg6[%add3A_253] : memref<80xf32, #tpu.memory_space<vmem>>[vector<16xi32>], vector<16xf32>,
      %scatter3A_255 = tpu.memref_slice %arg7[%mul3A_221] : memref<8192xf32, #tpu.memory_space<vmem>> -> memref<256xf32, #tpu.memory_space<vmem>>
      tpu.vector_store_idx %scatter3A_255[%add3A_114], %gather3A_254 : memref<256xf32, #tpu.memory_space<vmem>>[vector<16xi32>], vector<16xf32>,
      %add3A_256 = arith.addi %mul3A_219, %and3A_84 : vector<16xi32>
      %gather3A_257 = tpu.vector_load_idx %arg6[%add3A_256] : memref<80xf32, #tpu.memory_space<vmem>>[vector<16xi32>], vector<16xf32>,
      %scatter3A_258 = tpu.memref_slice %arg7[%mul3A_221] : memref<8192xf32, #tpu.memory_space<vmem>> -> memref<256xf32, #tpu.memory_space<vmem>>
      tpu.vector_store_idx %scatter3A_258[%add3A_115], %gather3A_257 : memref<256xf32, #tpu.memory_space<vmem>>[vector<16xi32>], vector<16xf32>,
      %add3A_259 = arith.addi %mul3A_219, %and3A_90 : vector<16xi32>
      %gather3A_260 = tpu.vector_load_idx %arg6[%add3A_259] : memref<80xf32, #tpu.memory_space<vmem>>[vector<16xi32>], vector<16xf32>,
      %scatter3A_261 = tpu.memref_slice %arg7[%mul3A_221] : memref<8192xf32, #tpu.memory_space<vmem>> -> memref<256xf32, #tpu.memory_space<vmem>>
      tpu.vector_store_idx %scatter3A_261[%add3A_116], %gather3A_260 : memref<256xf32, #tpu.memory_space<vmem>>[vector<16xi32>], vector<16xf32>,
      %add3A_262 = arith.addi %mul3A_219, %and3A_96 : vector<16xi32>
      %gather3A_263 = tpu.vector_load_idx %arg6[%add3A_262] : memref<80xf32, #tpu.memory_space<vmem>>[vector<16xi32>], vector<16xf32>,
      %scatter3A_264 = tpu.memref_slice %arg7[%mul3A_221] : memref<8192xf32, #tpu.memory_space<vmem>> -> memref<256xf32, #tpu.memory_space<vmem>>
      tpu.vector_store_idx %scatter3A_264[%add3A_117], %gather3A_263 : memref<256xf32, #tpu.memory_space<vmem>>[vector<16xi32>], vector<16xf32>,
      %add3A_265 = arith.addi %mul3A_219, %and3A_102 : vector<16xi32>
      %gather3A_266 = tpu.vector_load_idx %arg6[%add3A_265] : memref<80xf32, #tpu.memory_space<vmem>>[vector<16xi32>], vector<16xf32>,
      %scatter3A_267 = tpu.memref_slice %arg7[%mul3A_221] : memref<8192xf32, #tpu.memory_space<vmem>> -> memref<256xf32, #tpu.memory_space<vmem>>
      tpu.vector_store_idx %scatter3A_267[%add3A_118], %gather3A_266 : memref<256xf32, #tpu.memory_space<vmem>>[vector<16xi32>], vector<16xf32>,
      %mul3A_268 = arith.constant 4 : i32
      %mul3A_269 = arith.muli %mul3A_268, %scan3A_210 : i32
      %add3A_270 = arith.constant 1 : i32
      %add3A_271 = arith.addi %mul3A_269, %add3A_270 : i32
      %mul3A_272 = arith.constant 16 : i32
      %mul3A_273 = arith.muli %add3A_271, %mul3A_272 : i32
      %get3A_274 = arith.index_cast %mul3A_273 : i32 to index
      %get3A_275 = tpu.vector_load %arg5[%get3A_274] {strides = array<i32>} : memref<512xi32, #tpu.memory_space<vmem>>, vector<16xi32>,
      %mul3A_276 = arith.constant 16 : i32
      %mul3A_277 = vector.broadcast %mul3A_276 : i32 to vector<16xi32>
      %mul3A_278 = arith.muli %get3A_275, %mul3A_277 : vector<16xi32>
      %mul3A_279 = arith.constant 256 : i32
      %mul3A_280 = arith.muli %add3A_271, %mul3A_279 : i32
      %add3A_281 = arith.addi %mul3A_278, %and3A_12 : vector<16xi32>
      %gather3A_282 = tpu.vector_load_idx %arg6[%add3A_281] : memref<80xf32, #tpu.memory_space<vmem>>[vector<16xi32>], vector<16xf32>,
      %scatter3A_283 = tpu.memref_slice %arg7[%mul3A_280] : memref<8192xf32, #tpu.memory_space<vmem>> -> memref<256xf32, #tpu.memory_space<vmem>>
      tpu.vector_store_idx %scatter3A_283[%add3A_103], %gather3A_282 : memref<256xf32, #tpu.memory_space<vmem>>[vector<16xi32>], vector<16xf32>,
      %add3A_284 = arith.addi %mul3A_278, %and3A_18 : vector<16xi32>
      %gather3A_285 = tpu.vector_load_idx %arg6[%add3A_284] : memref<80xf32, #tpu.memory_space<vmem>>[vector<16xi32>], vector<16xf32>,
      %scatter3A_286 = tpu.memref_slice %arg7[%mul3A_280] : memref<8192xf32, #tpu.memory_space<vmem>> -> memref<256xf32, #tpu.memory_space<vmem>>
      tpu.vector_store_idx %scatter3A_286[%add3A_104], %gather3A_285 : memref<256xf32, #tpu.memory_space<vmem>>[vector<16xi32>], vector<16xf32>,
      %add3A_287 = arith.addi %mul3A_278, %and3A_24 : vector<16xi32>
      %gather3A_288 = tpu.vector_load_idx %arg6[%add3A_287] : memref<80xf32, #tpu.memory_space<vmem>>[vector<16xi32>], vector<16xf32>,
      %scatter3A_289 = tpu.memref_slice %arg7[%mul3A_280] : memref<8192xf32, #tpu.memory_space<vmem>> -> memref<256xf32, #tpu.memory_space<vmem>>
      tpu.vector_store_idx %scatter3A_289[%add3A_105], %gather3A_288 : memref<256xf32, #tpu.memory_space<vmem>>[vector<16xi32>], vector<16xf32>,
      %add3A_290 = arith.addi %mul3A_278, %and3A_30 : vector<16xi32>
      %gather3A_291 = tpu.vector_load_idx %arg6[%add3A_290] : memref<80xf32, #tpu.memory_space<vmem>>[vector<16xi32>], vector<16xf32>,
      %scatter3A_292 = tpu.memref_slice %arg7[%mul3A_280] : memref<8192xf32, #tpu.memory_space<vmem>> -> memref<256xf32, #tpu.memory_space<vmem>>
      tpu.vector_store_idx %scatter3A_292[%add3A_106], %gather3A_291 : memref<256xf32, #tpu.memory_space<vmem>>[vector<16xi32>], vector<16xf32>,
      %add3A_293 = arith.addi %mul3A_278, %and3A_36 : vector<16xi32>
      %gather3A_294 = tpu.vector_load_idx %arg6[%add3A_293] : memref<80xf32, #tpu.memory_space<vmem>>[vector<16xi32>], vector<16xf32>,
      %scatter3A_295 = tpu.memref_slice %arg7[%mul3A_280] : memref<8192xf32, #tpu.memory_space<vmem>> -> memref<256xf32, #tpu.memory_space<vmem>>
      tpu.vector_store_idx %scatter3A_295[%add3A_107], %gather3A_294 : memref<256xf32, #tpu.memory_space<vmem>>[vector<16xi32>], vector<16xf32>,
      %add3A_296 = arith.addi %mul3A_278, %and3A_42 : vector<16xi32>
      %gather3A_297 = tpu.vector_load_idx %arg6[%add3A_296] : memref<80xf32, #tpu.memory_space<vmem>>[vector<16xi32>], vector<16xf32>,
      %scatter3A_298 = tpu.memref_slice %arg7[%mul3A_280] : memref<8192xf32, #tpu.memory_space<vmem>> -> memref<256xf32, #tpu.memory_space<vmem>>
      tpu.vector_store_idx %scatter3A_298[%add3A_108], %gather3A_297 : memref<256xf32, #tpu.memory_space<vmem>>[vector<16xi32>], vector<16xf32>,
      %add3A_299 = arith.addi %mul3A_278, %and3A_48 : vector<16xi32>
      %gather3A_300 = tpu.vector_load_idx %arg6[%add3A_299] : memref<80xf32, #tpu.memory_space<vmem>>[vector<16xi32>], vector<16xf32>,
      %scatter3A_301 = tpu.memref_slice %arg7[%mul3A_280] : memref<8192xf32, #tpu.memory_space<vmem>> -> memref<256xf32, #tpu.memory_space<vmem>>
      tpu.vector_store_idx %scatter3A_301[%add3A_109], %gather3A_300 : memref<256xf32, #tpu.memory_space<vmem>>[vector<16xi32>], vector<16xf32>,
      %add3A_302 = arith.addi %mul3A_278, %and3A_54 : vector<16xi32>
      %gather3A_303 = tpu.vector_load_idx %arg6[%add3A_302] : memref<80xf32, #tpu.memory_space<vmem>>[vector<16xi32>], vector<16xf32>,
      %scatter3A_304 = tpu.memref_slice %arg7[%mul3A_280] : memref<8192xf32, #tpu.memory_space<vmem>> -> memref<256xf32, #tpu.memory_space<vmem>>
      tpu.vector_store_idx %scatter3A_304[%add3A_110], %gather3A_303 : memref<256xf32, #tpu.memory_space<vmem>>[vector<16xi32>], vector<16xf32>,
      %add3A_305 = arith.addi %mul3A_278, %and3A_60 : vector<16xi32>
      %gather3A_306 = tpu.vector_load_idx %arg6[%add3A_305] : memref<80xf32, #tpu.memory_space<vmem>>[vector<16xi32>], vector<16xf32>,
      %scatter3A_307 = tpu.memref_slice %arg7[%mul3A_280] : memref<8192xf32, #tpu.memory_space<vmem>> -> memref<256xf32, #tpu.memory_space<vmem>>
      tpu.vector_store_idx %scatter3A_307[%add3A_111], %gather3A_306 : memref<256xf32, #tpu.memory_space<vmem>>[vector<16xi32>], vector<16xf32>,
      %add3A_308 = arith.addi %mul3A_278, %and3A_66 : vector<16xi32>
      %gather3A_309 = tpu.vector_load_idx %arg6[%add3A_308] : memref<80xf32, #tpu.memory_space<vmem>>[vector<16xi32>], vector<16xf32>,
      %scatter3A_310 = tpu.memref_slice %arg7[%mul3A_280] : memref<8192xf32, #tpu.memory_space<vmem>> -> memref<256xf32, #tpu.memory_space<vmem>>
      tpu.vector_store_idx %scatter3A_310[%add3A_112], %gather3A_309 : memref<256xf32, #tpu.memory_space<vmem>>[vector<16xi32>], vector<16xf32>,
      %add3A_311 = arith.addi %mul3A_278, %and3A_72 : vector<16xi32>
      %gather3A_312 = tpu.vector_load_idx %arg6[%add3A_311] : memref<80xf32, #tpu.memory_space<vmem>>[vector<16xi32>], vector<16xf32>,
      %scatter3A_313 = tpu.memref_slice %arg7[%mul3A_280] : memref<8192xf32, #tpu.memory_space<vmem>> -> memref<256xf32, #tpu.memory_space<vmem>>
      tpu.vector_store_idx %scatter3A_313[%add3A_113], %gather3A_312 : memref<256xf32, #tpu.memory_space<vmem>>[vector<16xi32>], vector<16xf32>,
      %add3A_314 = arith.addi %mul3A_278, %and3A_78 : vector<16xi32>
      %gather3A_315 = tpu.vector_load_idx %arg6[%add3A_314] : memref<80xf32, #tpu.memory_space<vmem>>[vector<16xi32>], vector<16xf32>,
      %scatter3A_316 = tpu.memref_slice %arg7[%mul3A_280] : memref<8192xf32, #tpu.memory_space<vmem>> -> memref<256xf32, #tpu.memory_space<vmem>>
      tpu.vector_store_idx %scatter3A_316[%add3A_114], %gather3A_315 : memref<256xf32, #tpu.memory_space<vmem>>[vector<16xi32>], vector<16xf32>,
      %add3A_317 = arith.addi %mul3A_278, %and3A_84 : vector<16xi32>
      %gather3A_318 = tpu.vector_load_idx %arg6[%add3A_317] : memref<80xf32, #tpu.memory_space<vmem>>[vector<16xi32>], vector<16xf32>,
      %scatter3A_319 = tpu.memref_slice %arg7[%mul3A_280] : memref<8192xf32, #tpu.memory_space<vmem>> -> memref<256xf32, #tpu.memory_space<vmem>>
      tpu.vector_store_idx %scatter3A_319[%add3A_115], %gather3A_318 : memref<256xf32, #tpu.memory_space<vmem>>[vector<16xi32>], vector<16xf32>,
      %add3A_320 = arith.addi %mul3A_278, %and3A_90 : vector<16xi32>
      %gather3A_321 = tpu.vector_load_idx %arg6[%add3A_320] : memref<80xf32, #tpu.memory_space<vmem>>[vector<16xi32>], vector<16xf32>,
      %scatter3A_322 = tpu.memref_slice %arg7[%mul3A_280] : memref<8192xf32, #tpu.memory_space<vmem>> -> memref<256xf32, #tpu.memory_space<vmem>>
      tpu.vector_store_idx %scatter3A_322[%add3A_116], %gather3A_321 : memref<256xf32, #tpu.memory_space<vmem>>[vector<16xi32>], vector<16xf32>,
      %add3A_323 = arith.addi %mul3A_278, %and3A_96 : vector<16xi32>
      %gather3A_324 = tpu.vector_load_idx %arg6[%add3A_323] : memref<80xf32, #tpu.memory_space<vmem>>[vector<16xi32>], vector<16xf32>,
      %scatter3A_325 = tpu.memref_slice %arg7[%mul3A_280] : memref<8192xf32, #tpu.memory_space<vmem>> -> memref<256xf32, #tpu.memory_space<vmem>>
      tpu.vector_store_idx %scatter3A_325[%add3A_117], %gather3A_324 : memref<256xf32, #tpu.memory_space<vmem>>[vector<16xi32>], vector<16xf32>,
      %add3A_326 = arith.addi %mul3A_278, %and3A_102 : vector<16xi32>
      %gather3A_327 = tpu.vector_load_idx %arg6[%add3A_326] : memref<80xf32, #tpu.memory_space<vmem>>[vector<16xi32>], vector<16xf32>,
      %scatter3A_328 = tpu.memref_slice %arg7[%mul3A_280] : memref<8192xf32, #tpu.memory_space<vmem>> -> memref<256xf32, #tpu.memory_space<vmem>>
      tpu.vector_store_idx %scatter3A_328[%add3A_118], %gather3A_327 : memref<256xf32, #tpu.memory_space<vmem>>[vector<16xi32>], vector<16xf32>,
      %mul3A_329 = arith.constant 4 : i32
      %mul3A_330 = arith.muli %mul3A_329, %scan3A_210 : i32
      %add3A_331 = arith.constant 2 : i32
      %add3A_332 = arith.addi %mul3A_330, %add3A_331 : i32
      %mul3A_333 = arith.constant 16 : i32
      %mul3A_334 = arith.muli %add3A_332, %mul3A_333 : i32
      %get3A_335 = arith.index_cast %mul3A_334 : i32 to index
      %get3A_336 = tpu.vector_load %arg5[%get3A_335] {strides = array<i32>} : memref<512xi32, #tpu.memory_space<vmem>>, vector<16xi32>,
      %mul3A_337 = arith.constant 16 : i32
      %mul3A_338 = vector.broadcast %mul3A_337 : i32 to vector<16xi32>
      %mul3A_339 = arith.muli %get3A_336, %mul3A_338 : vector<16xi32>
      %mul3A_340 = arith.constant 256 : i32
      %mul3A_341 = arith.muli %add3A_332, %mul3A_340 : i32
      %add3A_342 = arith.addi %mul3A_339, %and3A_12 : vector<16xi32>
      %gather3A_343 = tpu.vector_load_idx %arg6[%add3A_342] : memref<80xf32, #tpu.memory_space<vmem>>[vector<16xi32>], vector<16xf32>,
      %scatter3A_344 = tpu.memref_slice %arg7[%mul3A_341] : memref<8192xf32, #tpu.memory_space<vmem>> -> memref<256xf32, #tpu.memory_space<vmem>>
      tpu.vector_store_idx %scatter3A_344[%add3A_103], %gather3A_343 : memref<256xf32, #tpu.memory_space<vmem>>[vector<16xi32>], vector<16xf32>,
      %add3A_345 = arith.addi %mul3A_339, %and3A_18 : vector<16xi32>
      %gather3A_346 = tpu.vector_load_idx %arg6[%add3A_345] : memref<80xf32, #tpu.memory_space<vmem>>[vector<16xi32>], vector<16xf32>,
      %scatter3A_347 = tpu.memref_slice %arg7[%mul3A_341] : memref<8192xf32, #tpu.memory_space<vmem>> -> memref<256xf32, #tpu.memory_space<vmem>>
      tpu.vector_store_idx %scatter3A_347[%add3A_104], %gather3A_346 : memref<256xf32, #tpu.memory_space<vmem>>[vector<16xi32>], vector<16xf32>,
      %add3A_348 = arith.addi %mul3A_339, %and3A_24 : vector<16xi32>
      %gather3A_349 = tpu.vector_load_idx %arg6[%add3A_348] : memref<80xf32, #tpu.memory_space<vmem>>[vector<16xi32>], vector<16xf32>,
      %scatter3A_350 = tpu.memref_slice %arg7[%mul3A_341] : memref<8192xf32, #tpu.memory_space<vmem>> -> memref<256xf32, #tpu.memory_space<vmem>>
      tpu.vector_store_idx %scatter3A_350[%add3A_105], %gather3A_349 : memref<256xf32, #tpu.memory_space<vmem>>[vector<16xi32>], vector<16xf32>,
      %add3A_351 = arith.addi %mul3A_339, %and3A_30 : vector<16xi32>
      %gather3A_352 = tpu.vector_load_idx %arg6[%add3A_351] : memref<80xf32, #tpu.memory_space<vmem>>[vector<16xi32>], vector<16xf32>,
      %scatter3A_353 = tpu.memref_slice %arg7[%mul3A_341] : memref<8192xf32, #tpu.memory_space<vmem>> -> memref<256xf32, #tpu.memory_space<vmem>>
      tpu.vector_store_idx %scatter3A_353[%add3A_106], %gather3A_352 : memref<256xf32, #tpu.memory_space<vmem>>[vector<16xi32>], vector<16xf32>,
      %add3A_354 = arith.addi %mul3A_339, %and3A_36 : vector<16xi32>
      %gather3A_355 = tpu.vector_load_idx %arg6[%add3A_354] : memref<80xf32, #tpu.memory_space<vmem>>[vector<16xi32>], vector<16xf32>,
      %scatter3A_356 = tpu.memref_slice %arg7[%mul3A_341] : memref<8192xf32, #tpu.memory_space<vmem>> -> memref<256xf32, #tpu.memory_space<vmem>>
      tpu.vector_store_idx %scatter3A_356[%add3A_107], %gather3A_355 : memref<256xf32, #tpu.memory_space<vmem>>[vector<16xi32>], vector<16xf32>,
      %add3A_357 = arith.addi %mul3A_339, %and3A_42 : vector<16xi32>
      %gather3A_358 = tpu.vector_load_idx %arg6[%add3A_357] : memref<80xf32, #tpu.memory_space<vmem>>[vector<16xi32>], vector<16xf32>,
      %scatter3A_359 = tpu.memref_slice %arg7[%mul3A_341] : memref<8192xf32, #tpu.memory_space<vmem>> -> memref<256xf32, #tpu.memory_space<vmem>>
      tpu.vector_store_idx %scatter3A_359[%add3A_108], %gather3A_358 : memref<256xf32, #tpu.memory_space<vmem>>[vector<16xi32>], vector<16xf32>,
      %add3A_360 = arith.addi %mul3A_339, %and3A_48 : vector<16xi32>
      %gather3A_361 = tpu.vector_load_idx %arg6[%add3A_360] : memref<80xf32, #tpu.memory_space<vmem>>[vector<16xi32>], vector<16xf32>,
      %scatter3A_362 = tpu.memref_slice %arg7[%mul3A_341] : memref<8192xf32, #tpu.memory_space<vmem>> -> memref<256xf32, #tpu.memory_space<vmem>>
      tpu.vector_store_idx %scatter3A_362[%add3A_109], %gather3A_361 : memref<256xf32, #tpu.memory_space<vmem>>[vector<16xi32>], vector<16xf32>,
      %add3A_363 = arith.addi %mul3A_339, %and3A_54 : vector<16xi32>
      %gather3A_364 = tpu.vector_load_idx %arg6[%add3A_363] : memref<80xf32, #tpu.memory_space<vmem>>[vector<16xi32>], vector<16xf32>,
      %scatter3A_365 = tpu.memref_slice %arg7[%mul3A_341] : memref<8192xf32, #tpu.memory_space<vmem>> -> memref<256xf32, #tpu.memory_space<vmem>>
      tpu.vector_store_idx %scatter3A_365[%add3A_110], %gather3A_364 : memref<256xf32, #tpu.memory_space<vmem>>[vector<16xi32>], vector<16xf32>,
      %add3A_366 = arith.addi %mul3A_339, %and3A_60 : vector<16xi32>
      %gather3A_367 = tpu.vector_load_idx %arg6[%add3A_366] : memref<80xf32, #tpu.memory_space<vmem>>[vector<16xi32>], vector<16xf32>,
      %scatter3A_368 = tpu.memref_slice %arg7[%mul3A_341] : memref<8192xf32, #tpu.memory_space<vmem>> -> memref<256xf32, #tpu.memory_space<vmem>>
      tpu.vector_store_idx %scatter3A_368[%add3A_111], %gather3A_367 : memref<256xf32, #tpu.memory_space<vmem>>[vector<16xi32>], vector<16xf32>,
      %add3A_369 = arith.addi %mul3A_339, %and3A_66 : vector<16xi32>
      %gather3A_370 = tpu.vector_load_idx %arg6[%add3A_369] : memref<80xf32, #tpu.memory_space<vmem>>[vector<16xi32>], vector<16xf32>,
      %scatter3A_371 = tpu.memref_slice %arg7[%mul3A_341] : memref<8192xf32, #tpu.memory_space<vmem>> -> memref<256xf32, #tpu.memory_space<vmem>>
      tpu.vector_store_idx %scatter3A_371[%add3A_112], %gather3A_370 : memref<256xf32, #tpu.memory_space<vmem>>[vector<16xi32>], vector<16xf32>,
      %add3A_372 = arith.addi %mul3A_339, %and3A_72 : vector<16xi32>
      %gather3A_373 = tpu.vector_load_idx %arg6[%add3A_372] : memref<80xf32, #tpu.memory_space<vmem>>[vector<16xi32>], vector<16xf32>,
      %scatter3A_374 = tpu.memref_slice %arg7[%mul3A_341] : memref<8192xf32, #tpu.memory_space<vmem>> -> memref<256xf32, #tpu.memory_space<vmem>>
      tpu.vector_store_idx %scatter3A_374[%add3A_113], %gather3A_373 : memref<256xf32, #tpu.memory_space<vmem>>[vector<16xi32>], vector<16xf32>,
      %add3A_375 = arith.addi %mul3A_339, %and3A_78 : vector<16xi32>
      %gather3A_376 = tpu.vector_load_idx %arg6[%add3A_375] : memref<80xf32, #tpu.memory_space<vmem>>[vector<16xi32>], vector<16xf32>,
      %scatter3A_377 = tpu.memref_slice %arg7[%mul3A_341] : memref<8192xf32, #tpu.memory_space<vmem>> -> memref<256xf32, #tpu.memory_space<vmem>>
      tpu.vector_store_idx %scatter3A_377[%add3A_114], %gather3A_376 : memref<256xf32, #tpu.memory_space<vmem>>[vector<16xi32>], vector<16xf32>,
      %add3A_378 = arith.addi %mul3A_339, %and3A_84 : vector<16xi32>
      %gather3A_379 = tpu.vector_load_idx %arg6[%add3A_378] : memref<80xf32, #tpu.memory_space<vmem>>[vector<16xi32>], vector<16xf32>,
      %scatter3A_380 = tpu.memref_slice %arg7[%mul3A_341] : memref<8192xf32, #tpu.memory_space<vmem>> -> memref<256xf32, #tpu.memory_space<vmem>>
      tpu.vector_store_idx %scatter3A_380[%add3A_115], %gather3A_379 : memref<256xf32, #tpu.memory_space<vmem>>[vector<16xi32>], vector<16xf32>,
      %add3A_381 = arith.addi %mul3A_339, %and3A_90 : vector<16xi32>
      %gather3A_382 = tpu.vector_load_idx %arg6[%add3A_381] : memref<80xf32, #tpu.memory_space<vmem>>[vector<16xi32>], vector<16xf32>,
      %scatter3A_383 = tpu.memref_slice %arg7[%mul3A_341] : memref<8192xf32, #tpu.memory_space<vmem>> -> memref<256xf32, #tpu.memory_space<vmem>>
      tpu.vector_store_idx %scatter3A_383[%add3A_116], %gather3A_382 : memref<256xf32, #tpu.memory_space<vmem>>[vector<16xi32>], vector<16xf32>,
      %add3A_384 = arith.addi %mul3A_339, %and3A_96 : vector<16xi32>
      %gather3A_385 = tpu.vector_load_idx %arg6[%add3A_384] : memref<80xf32, #tpu.memory_space<vmem>>[vector<16xi32>], vector<16xf32>,
      %scatter3A_386 = tpu.memref_slice %arg7[%mul3A_341] : memref<8192xf32, #tpu.memory_space<vmem>> -> memref<256xf32, #tpu.memory_space<vmem>>
      tpu.vector_store_idx %scatter3A_386[%add3A_117], %gather3A_385 : memref<256xf32, #tpu.memory_space<vmem>>[vector<16xi32>], vector<16xf32>,
      %add3A_387 = arith.addi %mul3A_339, %and3A_102 : vector<16xi32>
      %gather3A_388 = tpu.vector_load_idx %arg6[%add3A_387] : memref<80xf32, #tpu.memory_space<vmem>>[vector<16xi32>], vector<16xf32>,
      %scatter3A_389 = tpu.memref_slice %arg7[%mul3A_341] : memref<8192xf32, #tpu.memory_space<vmem>> -> memref<256xf32, #tpu.memory_space<vmem>>
      tpu.vector_store_idx %scatter3A_389[%add3A_118], %gather3A_388 : memref<256xf32, #tpu.memory_space<vmem>>[vector<16xi32>], vector<16xf32>,
      %mul3A_390 = arith.constant 4 : i32
      %mul3A_391 = arith.muli %mul3A_390, %scan3A_210 : i32
      %add3A_392 = arith.constant 3 : i32
      %add3A_393 = arith.addi %mul3A_391, %add3A_392 : i32
      %mul3A_394 = arith.constant 16 : i32
      %mul3A_395 = arith.muli %add3A_393, %mul3A_394 : i32
      %get3A_396 = arith.index_cast %mul3A_395 : i32 to index
      %get3A_397 = tpu.vector_load %arg5[%get3A_396] {strides = array<i32>} : memref<512xi32, #tpu.memory_space<vmem>>, vector<16xi32>,
      %mul3A_398 = arith.constant 16 : i32
      %mul3A_399 = vector.broadcast %mul3A_398 : i32 to vector<16xi32>
      %mul3A_400 = arith.muli %get3A_397, %mul3A_399 : vector<16xi32>
      %mul3A_401 = arith.constant 256 : i32
      %mul3A_402 = arith.muli %add3A_393, %mul3A_401 : i32
      %add3A_403 = arith.addi %mul3A_400, %and3A_12 : vector<16xi32>
      %gather3A_404 = tpu.vector_load_idx %arg6[%add3A_403] : memref<80xf32, #tpu.memory_space<vmem>>[vector<16xi32>], vector<16xf32>,
      %scatter3A_405 = tpu.memref_slice %arg7[%mul3A_402] : memref<8192xf32, #tpu.memory_space<vmem>> -> memref<256xf32, #tpu.memory_space<vmem>>
      tpu.vector_store_idx %scatter3A_405[%add3A_103], %gather3A_404 : memref<256xf32, #tpu.memory_space<vmem>>[vector<16xi32>], vector<16xf32>,
      %add3A_406 = arith.addi %mul3A_400, %and3A_18 : vector<16xi32>
      %gather3A_407 = tpu.vector_load_idx %arg6[%add3A_406] : memref<80xf32, #tpu.memory_space<vmem>>[vector<16xi32>], vector<16xf32>,
      %scatter3A_408 = tpu.memref_slice %arg7[%mul3A_402] : memref<8192xf32, #tpu.memory_space<vmem>> -> memref<256xf32, #tpu.memory_space<vmem>>
      tpu.vector_store_idx %scatter3A_408[%add3A_104], %gather3A_407 : memref<256xf32, #tpu.memory_space<vmem>>[vector<16xi32>], vector<16xf32>,
      %add3A_409 = arith.addi %mul3A_400, %and3A_24 : vector<16xi32>
      %gather3A_410 = tpu.vector_load_idx %arg6[%add3A_409] : memref<80xf32, #tpu.memory_space<vmem>>[vector<16xi32>], vector<16xf32>,
      %scatter3A_411 = tpu.memref_slice %arg7[%mul3A_402] : memref<8192xf32, #tpu.memory_space<vmem>> -> memref<256xf32, #tpu.memory_space<vmem>>
      tpu.vector_store_idx %scatter3A_411[%add3A_105], %gather3A_410 : memref<256xf32, #tpu.memory_space<vmem>>[vector<16xi32>], vector<16xf32>,
      %add3A_412 = arith.addi %mul3A_400, %and3A_30 : vector<16xi32>
      %gather3A_413 = tpu.vector_load_idx %arg6[%add3A_412] : memref<80xf32, #tpu.memory_space<vmem>>[vector<16xi32>], vector<16xf32>,
      %scatter3A_414 = tpu.memref_slice %arg7[%mul3A_402] : memref<8192xf32, #tpu.memory_space<vmem>> -> memref<256xf32, #tpu.memory_space<vmem>>
      tpu.vector_store_idx %scatter3A_414[%add3A_106], %gather3A_413 : memref<256xf32, #tpu.memory_space<vmem>>[vector<16xi32>], vector<16xf32>,
      %add3A_415 = arith.addi %mul3A_400, %and3A_36 : vector<16xi32>
      %gather3A_416 = tpu.vector_load_idx %arg6[%add3A_415] : memref<80xf32, #tpu.memory_space<vmem>>[vector<16xi32>], vector<16xf32>,
      %scatter3A_417 = tpu.memref_slice %arg7[%mul3A_402] : memref<8192xf32, #tpu.memory_space<vmem>> -> memref<256xf32, #tpu.memory_space<vmem>>
      tpu.vector_store_idx %scatter3A_417[%add3A_107], %gather3A_416 : memref<256xf32, #tpu.memory_space<vmem>>[vector<16xi32>], vector<16xf32>,
      %add3A_418 = arith.addi %mul3A_400, %and3A_42 : vector<16xi32>
      %gather3A_419 = tpu.vector_load_idx %arg6[%add3A_418] : memref<80xf32, #tpu.memory_space<vmem>>[vector<16xi32>], vector<16xf32>,
      %scatter3A_420 = tpu.memref_slice %arg7[%mul3A_402] : memref<8192xf32, #tpu.memory_space<vmem>> -> memref<256xf32, #tpu.memory_space<vmem>>
      tpu.vector_store_idx %scatter3A_420[%add3A_108], %gather3A_419 : memref<256xf32, #tpu.memory_space<vmem>>[vector<16xi32>], vector<16xf32>,
      %add3A_421 = arith.addi %mul3A_400, %and3A_48 : vector<16xi32>
      %gather3A_422 = tpu.vector_load_idx %arg6[%add3A_421] : memref<80xf32, #tpu.memory_space<vmem>>[vector<16xi32>], vector<16xf32>,
      %scatter3A_423 = tpu.memref_slice %arg7[%mul3A_402] : memref<8192xf32, #tpu.memory_space<vmem>> -> memref<256xf32, #tpu.memory_space<vmem>>
      tpu.vector_store_idx %scatter3A_423[%add3A_109], %gather3A_422 : memref<256xf32, #tpu.memory_space<vmem>>[vector<16xi32>], vector<16xf32>,
      %add3A_424 = arith.addi %mul3A_400, %and3A_54 : vector<16xi32>
      %gather3A_425 = tpu.vector_load_idx %arg6[%add3A_424] : memref<80xf32, #tpu.memory_space<vmem>>[vector<16xi32>], vector<16xf32>,
      %scatter3A_426 = tpu.memref_slice %arg7[%mul3A_402] : memref<8192xf32, #tpu.memory_space<vmem>> -> memref<256xf32, #tpu.memory_space<vmem>>
      tpu.vector_store_idx %scatter3A_426[%add3A_110], %gather3A_425 : memref<256xf32, #tpu.memory_space<vmem>>[vector<16xi32>], vector<16xf32>,
      %add3A_427 = arith.addi %mul3A_400, %and3A_60 : vector<16xi32>
      %gather3A_428 = tpu.vector_load_idx %arg6[%add3A_427] : memref<80xf32, #tpu.memory_space<vmem>>[vector<16xi32>], vector<16xf32>,
      %scatter3A_429 = tpu.memref_slice %arg7[%mul3A_402] : memref<8192xf32, #tpu.memory_space<vmem>> -> memref<256xf32, #tpu.memory_space<vmem>>
      tpu.vector_store_idx %scatter3A_429[%add3A_111], %gather3A_428 : memref<256xf32, #tpu.memory_space<vmem>>[vector<16xi32>], vector<16xf32>,
      %add3A_430 = arith.addi %mul3A_400, %and3A_66 : vector<16xi32>
      %gather3A_431 = tpu.vector_load_idx %arg6[%add3A_430] : memref<80xf32, #tpu.memory_space<vmem>>[vector<16xi32>], vector<16xf32>,
      %scatter3A_432 = tpu.memref_slice %arg7[%mul3A_402] : memref<8192xf32, #tpu.memory_space<vmem>> -> memref<256xf32, #tpu.memory_space<vmem>>
      tpu.vector_store_idx %scatter3A_432[%add3A_112], %gather3A_431 : memref<256xf32, #tpu.memory_space<vmem>>[vector<16xi32>], vector<16xf32>,
      %add3A_433 = arith.addi %mul3A_400, %and3A_72 : vector<16xi32>
      %gather3A_434 = tpu.vector_load_idx %arg6[%add3A_433] : memref<80xf32, #tpu.memory_space<vmem>>[vector<16xi32>], vector<16xf32>,
      %scatter3A_435 = tpu.memref_slice %arg7[%mul3A_402] : memref<8192xf32, #tpu.memory_space<vmem>> -> memref<256xf32, #tpu.memory_space<vmem>>
      tpu.vector_store_idx %scatter3A_435[%add3A_113], %gather3A_434 : memref<256xf32, #tpu.memory_space<vmem>>[vector<16xi32>], vector<16xf32>,
      %add3A_436 = arith.addi %mul3A_400, %and3A_78 : vector<16xi32>
      %gather3A_437 = tpu.vector_load_idx %arg6[%add3A_436] : memref<80xf32, #tpu.memory_space<vmem>>[vector<16xi32>], vector<16xf32>,
      %scatter3A_438 = tpu.memref_slice %arg7[%mul3A_402] : memref<8192xf32, #tpu.memory_space<vmem>> -> memref<256xf32, #tpu.memory_space<vmem>>
      tpu.vector_store_idx %scatter3A_438[%add3A_114], %gather3A_437 : memref<256xf32, #tpu.memory_space<vmem>>[vector<16xi32>], vector<16xf32>,
      %add3A_439 = arith.addi %mul3A_400, %and3A_84 : vector<16xi32>
      %gather3A_440 = tpu.vector_load_idx %arg6[%add3A_439] : memref<80xf32, #tpu.memory_space<vmem>>[vector<16xi32>], vector<16xf32>,
      %scatter3A_441 = tpu.memref_slice %arg7[%mul3A_402] : memref<8192xf32, #tpu.memory_space<vmem>> -> memref<256xf32, #tpu.memory_space<vmem>>
      tpu.vector_store_idx %scatter3A_441[%add3A_115], %gather3A_440 : memref<256xf32, #tpu.memory_space<vmem>>[vector<16xi32>], vector<16xf32>,
      %add3A_442 = arith.addi %mul3A_400, %and3A_90 : vector<16xi32>
      %gather3A_443 = tpu.vector_load_idx %arg6[%add3A_442] : memref<80xf32, #tpu.memory_space<vmem>>[vector<16xi32>], vector<16xf32>,
      %scatter3A_444 = tpu.memref_slice %arg7[%mul3A_402] : memref<8192xf32, #tpu.memory_space<vmem>> -> memref<256xf32, #tpu.memory_space<vmem>>
      tpu.vector_store_idx %scatter3A_444[%add3A_116], %gather3A_443 : memref<256xf32, #tpu.memory_space<vmem>>[vector<16xi32>], vector<16xf32>,
      %add3A_445 = arith.addi %mul3A_400, %and3A_96 : vector<16xi32>
      %gather3A_446 = tpu.vector_load_idx %arg6[%add3A_445] : memref<80xf32, #tpu.memory_space<vmem>>[vector<16xi32>], vector<16xf32>,
      %scatter3A_447 = tpu.memref_slice %arg7[%mul3A_402] : memref<8192xf32, #tpu.memory_space<vmem>> -> memref<256xf32, #tpu.memory_space<vmem>>
      tpu.vector_store_idx %scatter3A_447[%add3A_117], %gather3A_446 : memref<256xf32, #tpu.memory_space<vmem>>[vector<16xi32>], vector<16xf32>,
      %add3A_448 = arith.addi %mul3A_400, %and3A_102 : vector<16xi32>
      %gather3A_449 = tpu.vector_load_idx %arg6[%add3A_448] : memref<80xf32, #tpu.memory_space<vmem>>[vector<16xi32>], vector<16xf32>,
      %scatter3A_450 = tpu.memref_slice %arg7[%mul3A_402] : memref<8192xf32, #tpu.memory_space<vmem>> -> memref<256xf32, #tpu.memory_space<vmem>>
      tpu.vector_store_idx %scatter3A_450[%add3A_118], %gather3A_449 : memref<256xf32, #tpu.memory_space<vmem>>[vector<16xi32>], vector<16xf32>,
      %scan3A_451 = arith.constant 0 : i32
      scf.yield %scan3A_451 : i32
    }
    %scan3A_158 = arith.constant 2 : i32
    %mul3A_159 = arith.constant 16 : i32
    %mul3A_160 = arith.muli %mul3A_2, %mul3A_159 : i32
    %add3A_161 = arith.constant 4096 : i32
    %add3A_162 = arith.addi %mul3A_160, %add3A_161 : i32
    %dma_start3A_163 = arith.constant 4096 : i32
    %dma_start3A_164 = tpu.memref_slice %arg7[%dma_start3A_163] : memref<8192xf32, #tpu.memory_space<vmem>> -> memref<2048xf32, #tpu.memory_space<vmem>>
    %dma_start3A_165 = tpu.memref_slice %arg4[%add3A_162] : memref<262144xf32, #tpu.memory_space<hbm>> -> memref<2048xf32, #tpu.memory_space<hbm>>
    %dma_start3A_166 = tpu.memref_slice %arg4[%add3A_162] : memref<262144xf32, #tpu.memory_space<hbm>> -> memref<2048xf32, #tpu.memory_space<hbm>>
    %dma_start3A_167 = arith.constant 4096 : i32
    %dma_start3A_168 = tpu.memref_slice %arg7[%dma_start3A_167] : memref<8192xf32, #tpu.memory_space<vmem>> -> memref<2048xf32, #tpu.memory_space<vmem>>
    tpu.enqueue_dma source(%dma_start3A_168 : memref<2048xf32, #tpu.memory_space<vmem>>) target(%dma_start3A_166 : memref<2048xf32, #tpu.memory_space<hbm>>) target_semaphore(%arg8 : memref<!tpu.dma_semaphore, #tpu.memory_space<semaphore_mem>>)
    %scan3A_169 = arith.constant 0 : i32
    %scan3A_170 = arith.constant 6 : i32
    %scan3A_171 = arith.constant 2 : i32
    %scan3A_172 = arith.addi %scan3A_170, %scan3A_171 : i32
    %scan3A_173 = arith.constant 1 : i32
    %scan3A_174 = scf.for %scan3A_210 = %scan3A_170 to %scan3A_172 step %scan3A_173 iter_args(%scan3A_211 = %scan3A_169) -> (i32)  : i32 {
      %mul3A_212 = arith.constant 4 : i32
      %mul3A_213 = arith.muli %mul3A_212, %scan3A_210 : i32
      %mul3A_214 = arith.constant 16 : i32
      %mul3A_215 = arith.muli %mul3A_213, %mul3A_214 : i32
      %get3A = arith.index_cast %mul3A_215 : i32 to index
      %get3A_216 = tpu.vector_load %arg5[%get3A] {strides = array<i32>} : memref<512xi32, #tpu.memory_space<vmem>>, vector<16xi32>,
      %mul3A_217 = arith.constant 16 : i32
      %mul3A_218 = vector.broadcast %mul3A_217 : i32 to vector<16xi32>
      %mul3A_219 = arith.muli %get3A_216, %mul3A_218 : vector<16xi32>
      %mul3A_220 = arith.constant 256 : i32
      %mul3A_221 = arith.muli %mul3A_213, %mul3A_220 : i32
      %add3A_222 = arith.addi %mul3A_219, %and3A_12 : vector<16xi32>
      %gather3A = tpu.vector_load_idx %arg6[%add3A_222] : memref<80xf32, #tpu.memory_space<vmem>>[vector<16xi32>], vector<16xf32>,
      %scatter3A = tpu.memref_slice %arg7[%mul3A_221] : memref<8192xf32, #tpu.memory_space<vmem>> -> memref<256xf32, #tpu.memory_space<vmem>>
      tpu.vector_store_idx %scatter3A[%add3A_103], %gather3A : memref<256xf32, #tpu.memory_space<vmem>>[vector<16xi32>], vector<16xf32>,
      %add3A_223 = arith.addi %mul3A_219, %and3A_18 : vector<16xi32>
      %gather3A_224 = tpu.vector_load_idx %arg6[%add3A_223] : memref<80xf32, #tpu.memory_space<vmem>>[vector<16xi32>], vector<16xf32>,
      %scatter3A_225 = tpu.memref_slice %arg7[%mul3A_221] : memref<8192xf32, #tpu.memory_space<vmem>> -> memref<256xf32, #tpu.memory_space<vmem>>
      tpu.vector_store_idx %scatter3A_225[%add3A_104], %gather3A_224 : memref<256xf32, #tpu.memory_space<vmem>>[vector<16xi32>], vector<16xf32>,
      %add3A_226 = arith.addi %mul3A_219, %and3A_24 : vector<16xi32>
      %gather3A_227 = tpu.vector_load_idx %arg6[%add3A_226] : memref<80xf32, #tpu.memory_space<vmem>>[vector<16xi32>], vector<16xf32>,
      %scatter3A_228 = tpu.memref_slice %arg7[%mul3A_221] : memref<8192xf32, #tpu.memory_space<vmem>> -> memref<256xf32, #tpu.memory_space<vmem>>
      tpu.vector_store_idx %scatter3A_228[%add3A_105], %gather3A_227 : memref<256xf32, #tpu.memory_space<vmem>>[vector<16xi32>], vector<16xf32>,
      %add3A_229 = arith.addi %mul3A_219, %and3A_30 : vector<16xi32>
      %gather3A_230 = tpu.vector_load_idx %arg6[%add3A_229] : memref<80xf32, #tpu.memory_space<vmem>>[vector<16xi32>], vector<16xf32>,
      %scatter3A_231 = tpu.memref_slice %arg7[%mul3A_221] : memref<8192xf32, #tpu.memory_space<vmem>> -> memref<256xf32, #tpu.memory_space<vmem>>
      tpu.vector_store_idx %scatter3A_231[%add3A_106], %gather3A_230 : memref<256xf32, #tpu.memory_space<vmem>>[vector<16xi32>], vector<16xf32>,
      %add3A_232 = arith.addi %mul3A_219, %and3A_36 : vector<16xi32>
      %gather3A_233 = tpu.vector_load_idx %arg6[%add3A_232] : memref<80xf32, #tpu.memory_space<vmem>>[vector<16xi32>], vector<16xf32>,
      %scatter3A_234 = tpu.memref_slice %arg7[%mul3A_221] : memref<8192xf32, #tpu.memory_space<vmem>> -> memref<256xf32, #tpu.memory_space<vmem>>
      tpu.vector_store_idx %scatter3A_234[%add3A_107], %gather3A_233 : memref<256xf32, #tpu.memory_space<vmem>>[vector<16xi32>], vector<16xf32>,
      %add3A_235 = arith.addi %mul3A_219, %and3A_42 : vector<16xi32>
      %gather3A_236 = tpu.vector_load_idx %arg6[%add3A_235] : memref<80xf32, #tpu.memory_space<vmem>>[vector<16xi32>], vector<16xf32>,
      %scatter3A_237 = tpu.memref_slice %arg7[%mul3A_221] : memref<8192xf32, #tpu.memory_space<vmem>> -> memref<256xf32, #tpu.memory_space<vmem>>
      tpu.vector_store_idx %scatter3A_237[%add3A_108], %gather3A_236 : memref<256xf32, #tpu.memory_space<vmem>>[vector<16xi32>], vector<16xf32>,
      %add3A_238 = arith.addi %mul3A_219, %and3A_48 : vector<16xi32>
      %gather3A_239 = tpu.vector_load_idx %arg6[%add3A_238] : memref<80xf32, #tpu.memory_space<vmem>>[vector<16xi32>], vector<16xf32>,
      %scatter3A_240 = tpu.memref_slice %arg7[%mul3A_221] : memref<8192xf32, #tpu.memory_space<vmem>> -> memref<256xf32, #tpu.memory_space<vmem>>
      tpu.vector_store_idx %scatter3A_240[%add3A_109], %gather3A_239 : memref<256xf32, #tpu.memory_space<vmem>>[vector<16xi32>], vector<16xf32>,
      %add3A_241 = arith.addi %mul3A_219, %and3A_54 : vector<16xi32>
      %gather3A_242 = tpu.vector_load_idx %arg6[%add3A_241] : memref<80xf32, #tpu.memory_space<vmem>>[vector<16xi32>], vector<16xf32>,
      %scatter3A_243 = tpu.memref_slice %arg7[%mul3A_221] : memref<8192xf32, #tpu.memory_space<vmem>> -> memref<256xf32, #tpu.memory_space<vmem>>
      tpu.vector_store_idx %scatter3A_243[%add3A_110], %gather3A_242 : memref<256xf32, #tpu.memory_space<vmem>>[vector<16xi32>], vector<16xf32>,
      %add3A_244 = arith.addi %mul3A_219, %and3A_60 : vector<16xi32>
      %gather3A_245 = tpu.vector_load_idx %arg6[%add3A_244] : memref<80xf32, #tpu.memory_space<vmem>>[vector<16xi32>], vector<16xf32>,
      %scatter3A_246 = tpu.memref_slice %arg7[%mul3A_221] : memref<8192xf32, #tpu.memory_space<vmem>> -> memref<256xf32, #tpu.memory_space<vmem>>
      tpu.vector_store_idx %scatter3A_246[%add3A_111], %gather3A_245 : memref<256xf32, #tpu.memory_space<vmem>>[vector<16xi32>], vector<16xf32>,
      %add3A_247 = arith.addi %mul3A_219, %and3A_66 : vector<16xi32>
      %gather3A_248 = tpu.vector_load_idx %arg6[%add3A_247] : memref<80xf32, #tpu.memory_space<vmem>>[vector<16xi32>], vector<16xf32>,
      %scatter3A_249 = tpu.memref_slice %arg7[%mul3A_221] : memref<8192xf32, #tpu.memory_space<vmem>> -> memref<256xf32, #tpu.memory_space<vmem>>
      tpu.vector_store_idx %scatter3A_249[%add3A_112], %gather3A_248 : memref<256xf32, #tpu.memory_space<vmem>>[vector<16xi32>], vector<16xf32>,
      %add3A_250 = arith.addi %mul3A_219, %and3A_72 : vector<16xi32>
      %gather3A_251 = tpu.vector_load_idx %arg6[%add3A_250] : memref<80xf32, #tpu.memory_space<vmem>>[vector<16xi32>], vector<16xf32>,
      %scatter3A_252 = tpu.memref_slice %arg7[%mul3A_221] : memref<8192xf32, #tpu.memory_space<vmem>> -> memref<256xf32, #tpu.memory_space<vmem>>
      tpu.vector_store_idx %scatter3A_252[%add3A_113], %gather3A_251 : memref<256xf32, #tpu.memory_space<vmem>>[vector<16xi32>], vector<16xf32>,
      %add3A_253 = arith.addi %mul3A_219, %and3A_78 : vector<16xi32>
      %gather3A_254 = tpu.vector_load_idx %arg6[%add3A_253] : memref<80xf32, #tpu.memory_space<vmem>>[vector<16xi32>], vector<16xf32>,
      %scatter3A_255 = tpu.memref_slice %arg7[%mul3A_221] : memref<8192xf32, #tpu.memory_space<vmem>> -> memref<256xf32, #tpu.memory_space<vmem>>
      tpu.vector_store_idx %scatter3A_255[%add3A_114], %gather3A_254 : memref<256xf32, #tpu.memory_space<vmem>>[vector<16xi32>], vector<16xf32>,
      %add3A_256 = arith.addi %mul3A_219, %and3A_84 : vector<16xi32>
      %gather3A_257 = tpu.vector_load_idx %arg6[%add3A_256] : memref<80xf32, #tpu.memory_space<vmem>>[vector<16xi32>], vector<16xf32>,
      %scatter3A_258 = tpu.memref_slice %arg7[%mul3A_221] : memref<8192xf32, #tpu.memory_space<vmem>> -> memref<256xf32, #tpu.memory_space<vmem>>
      tpu.vector_store_idx %scatter3A_258[%add3A_115], %gather3A_257 : memref<256xf32, #tpu.memory_space<vmem>>[vector<16xi32>], vector<16xf32>,
      %add3A_259 = arith.addi %mul3A_219, %and3A_90 : vector<16xi32>
      %gather3A_260 = tpu.vector_load_idx %arg6[%add3A_259] : memref<80xf32, #tpu.memory_space<vmem>>[vector<16xi32>], vector<16xf32>,
      %scatter3A_261 = tpu.memref_slice %arg7[%mul3A_221] : memref<8192xf32, #tpu.memory_space<vmem>> -> memref<256xf32, #tpu.memory_space<vmem>>
      tpu.vector_store_idx %scatter3A_261[%add3A_116], %gather3A_260 : memref<256xf32, #tpu.memory_space<vmem>>[vector<16xi32>], vector<16xf32>,
      %add3A_262 = arith.addi %mul3A_219, %and3A_96 : vector<16xi32>
      %gather3A_263 = tpu.vector_load_idx %arg6[%add3A_262] : memref<80xf32, #tpu.memory_space<vmem>>[vector<16xi32>], vector<16xf32>,
      %scatter3A_264 = tpu.memref_slice %arg7[%mul3A_221] : memref<8192xf32, #tpu.memory_space<vmem>> -> memref<256xf32, #tpu.memory_space<vmem>>
      tpu.vector_store_idx %scatter3A_264[%add3A_117], %gather3A_263 : memref<256xf32, #tpu.memory_space<vmem>>[vector<16xi32>], vector<16xf32>,
      %add3A_265 = arith.addi %mul3A_219, %and3A_102 : vector<16xi32>
      %gather3A_266 = tpu.vector_load_idx %arg6[%add3A_265] : memref<80xf32, #tpu.memory_space<vmem>>[vector<16xi32>], vector<16xf32>,
      %scatter3A_267 = tpu.memref_slice %arg7[%mul3A_221] : memref<8192xf32, #tpu.memory_space<vmem>> -> memref<256xf32, #tpu.memory_space<vmem>>
      tpu.vector_store_idx %scatter3A_267[%add3A_118], %gather3A_266 : memref<256xf32, #tpu.memory_space<vmem>>[vector<16xi32>], vector<16xf32>,
      %mul3A_268 = arith.constant 4 : i32
      %mul3A_269 = arith.muli %mul3A_268, %scan3A_210 : i32
      %add3A_270 = arith.constant 1 : i32
      %add3A_271 = arith.addi %mul3A_269, %add3A_270 : i32
      %mul3A_272 = arith.constant 16 : i32
      %mul3A_273 = arith.muli %add3A_271, %mul3A_272 : i32
      %get3A_274 = arith.index_cast %mul3A_273 : i32 to index
      %get3A_275 = tpu.vector_load %arg5[%get3A_274] {strides = array<i32>} : memref<512xi32, #tpu.memory_space<vmem>>, vector<16xi32>,
      %mul3A_276 = arith.constant 16 : i32
      %mul3A_277 = vector.broadcast %mul3A_276 : i32 to vector<16xi32>
      %mul3A_278 = arith.muli %get3A_275, %mul3A_277 : vector<16xi32>
      %mul3A_279 = arith.constant 256 : i32
      %mul3A_280 = arith.muli %add3A_271, %mul3A_279 : i32
      %add3A_281 = arith.addi %mul3A_278, %and3A_12 : vector<16xi32>
      %gather3A_282 = tpu.vector_load_idx %arg6[%add3A_281] : memref<80xf32, #tpu.memory_space<vmem>>[vector<16xi32>], vector<16xf32>,
      %scatter3A_283 = tpu.memref_slice %arg7[%mul3A_280] : memref<8192xf32, #tpu.memory_space<vmem>> -> memref<256xf32, #tpu.memory_space<vmem>>
      tpu.vector_store_idx %scatter3A_283[%add3A_103], %gather3A_282 : memref<256xf32, #tpu.memory_space<vmem>>[vector<16xi32>], vector<16xf32>,
      %add3A_284 = arith.addi %mul3A_278, %and3A_18 : vector<16xi32>
      %gather3A_285 = tpu.vector_load_idx %arg6[%add3A_284] : memref<80xf32, #tpu.memory_space<vmem>>[vector<16xi32>], vector<16xf32>,
      %scatter3A_286 = tpu.memref_slice %arg7[%mul3A_280] : memref<8192xf32, #tpu.memory_space<vmem>> -> memref<256xf32, #tpu.memory_space<vmem>>
      tpu.vector_store_idx %scatter3A_286[%add3A_104], %gather3A_285 : memref<256xf32, #tpu.memory_space<vmem>>[vector<16xi32>], vector<16xf32>,
      %add3A_287 = arith.addi %mul3A_278, %and3A_24 : vector<16xi32>
      %gather3A_288 = tpu.vector_load_idx %arg6[%add3A_287] : memref<80xf32, #tpu.memory_space<vmem>>[vector<16xi32>], vector<16xf32>,
      %scatter3A_289 = tpu.memref_slice %arg7[%mul3A_280] : memref<8192xf32, #tpu.memory_space<vmem>> -> memref<256xf32, #tpu.memory_space<vmem>>
      tpu.vector_store_idx %scatter3A_289[%add3A_105], %gather3A_288 : memref<256xf32, #tpu.memory_space<vmem>>[vector<16xi32>], vector<16xf32>,
      %add3A_290 = arith.addi %mul3A_278, %and3A_30 : vector<16xi32>
      %gather3A_291 = tpu.vector_load_idx %arg6[%add3A_290] : memref<80xf32, #tpu.memory_space<vmem>>[vector<16xi32>], vector<16xf32>,
      %scatter3A_292 = tpu.memref_slice %arg7[%mul3A_280] : memref<8192xf32, #tpu.memory_space<vmem>> -> memref<256xf32, #tpu.memory_space<vmem>>
      tpu.vector_store_idx %scatter3A_292[%add3A_106], %gather3A_291 : memref<256xf32, #tpu.memory_space<vmem>>[vector<16xi32>], vector<16xf32>,
      %add3A_293 = arith.addi %mul3A_278, %and3A_36 : vector<16xi32>
      %gather3A_294 = tpu.vector_load_idx %arg6[%add3A_293] : memref<80xf32, #tpu.memory_space<vmem>>[vector<16xi32>], vector<16xf32>,
      %scatter3A_295 = tpu.memref_slice %arg7[%mul3A_280] : memref<8192xf32, #tpu.memory_space<vmem>> -> memref<256xf32, #tpu.memory_space<vmem>>
      tpu.vector_store_idx %scatter3A_295[%add3A_107], %gather3A_294 : memref<256xf32, #tpu.memory_space<vmem>>[vector<16xi32>], vector<16xf32>,
      %add3A_296 = arith.addi %mul3A_278, %and3A_42 : vector<16xi32>
      %gather3A_297 = tpu.vector_load_idx %arg6[%add3A_296] : memref<80xf32, #tpu.memory_space<vmem>>[vector<16xi32>], vector<16xf32>,
      %scatter3A_298 = tpu.memref_slice %arg7[%mul3A_280] : memref<8192xf32, #tpu.memory_space<vmem>> -> memref<256xf32, #tpu.memory_space<vmem>>
      tpu.vector_store_idx %scatter3A_298[%add3A_108], %gather3A_297 : memref<256xf32, #tpu.memory_space<vmem>>[vector<16xi32>], vector<16xf32>,
      %add3A_299 = arith.addi %mul3A_278, %and3A_48 : vector<16xi32>
      %gather3A_300 = tpu.vector_load_idx %arg6[%add3A_299] : memref<80xf32, #tpu.memory_space<vmem>>[vector<16xi32>], vector<16xf32>,
      %scatter3A_301 = tpu.memref_slice %arg7[%mul3A_280] : memref<8192xf32, #tpu.memory_space<vmem>> -> memref<256xf32, #tpu.memory_space<vmem>>
      tpu.vector_store_idx %scatter3A_301[%add3A_109], %gather3A_300 : memref<256xf32, #tpu.memory_space<vmem>>[vector<16xi32>], vector<16xf32>,
      %add3A_302 = arith.addi %mul3A_278, %and3A_54 : vector<16xi32>
      %gather3A_303 = tpu.vector_load_idx %arg6[%add3A_302] : memref<80xf32, #tpu.memory_space<vmem>>[vector<16xi32>], vector<16xf32>,
      %scatter3A_304 = tpu.memref_slice %arg7[%mul3A_280] : memref<8192xf32, #tpu.memory_space<vmem>> -> memref<256xf32, #tpu.memory_space<vmem>>
      tpu.vector_store_idx %scatter3A_304[%add3A_110], %gather3A_303 : memref<256xf32, #tpu.memory_space<vmem>>[vector<16xi32>], vector<16xf32>,
      %add3A_305 = arith.addi %mul3A_278, %and3A_60 : vector<16xi32>
      %gather3A_306 = tpu.vector_load_idx %arg6[%add3A_305] : memref<80xf32, #tpu.memory_space<vmem>>[vector<16xi32>], vector<16xf32>,
      %scatter3A_307 = tpu.memref_slice %arg7[%mul3A_280] : memref<8192xf32, #tpu.memory_space<vmem>> -> memref<256xf32, #tpu.memory_space<vmem>>
      tpu.vector_store_idx %scatter3A_307[%add3A_111], %gather3A_306 : memref<256xf32, #tpu.memory_space<vmem>>[vector<16xi32>], vector<16xf32>,
      %add3A_308 = arith.addi %mul3A_278, %and3A_66 : vector<16xi32>
      %gather3A_309 = tpu.vector_load_idx %arg6[%add3A_308] : memref<80xf32, #tpu.memory_space<vmem>>[vector<16xi32>], vector<16xf32>,
      %scatter3A_310 = tpu.memref_slice %arg7[%mul3A_280] : memref<8192xf32, #tpu.memory_space<vmem>> -> memref<256xf32, #tpu.memory_space<vmem>>
      tpu.vector_store_idx %scatter3A_310[%add3A_112], %gather3A_309 : memref<256xf32, #tpu.memory_space<vmem>>[vector<16xi32>], vector<16xf32>,
      %add3A_311 = arith.addi %mul3A_278, %and3A_72 : vector<16xi32>
      %gather3A_312 = tpu.vector_load_idx %arg6[%add3A_311] : memref<80xf32, #tpu.memory_space<vmem>>[vector<16xi32>], vector<16xf32>,
      %scatter3A_313 = tpu.memref_slice %arg7[%mul3A_280] : memref<8192xf32, #tpu.memory_space<vmem>> -> memref<256xf32, #tpu.memory_space<vmem>>
      tpu.vector_store_idx %scatter3A_313[%add3A_113], %gather3A_312 : memref<256xf32, #tpu.memory_space<vmem>>[vector<16xi32>], vector<16xf32>,
      %add3A_314 = arith.addi %mul3A_278, %and3A_78 : vector<16xi32>
      %gather3A_315 = tpu.vector_load_idx %arg6[%add3A_314] : memref<80xf32, #tpu.memory_space<vmem>>[vector<16xi32>], vector<16xf32>,
      %scatter3A_316 = tpu.memref_slice %arg7[%mul3A_280] : memref<8192xf32, #tpu.memory_space<vmem>> -> memref<256xf32, #tpu.memory_space<vmem>>
      tpu.vector_store_idx %scatter3A_316[%add3A_114], %gather3A_315 : memref<256xf32, #tpu.memory_space<vmem>>[vector<16xi32>], vector<16xf32>,
      %add3A_317 = arith.addi %mul3A_278, %and3A_84 : vector<16xi32>
      %gather3A_318 = tpu.vector_load_idx %arg6[%add3A_317] : memref<80xf32, #tpu.memory_space<vmem>>[vector<16xi32>], vector<16xf32>,
      %scatter3A_319 = tpu.memref_slice %arg7[%mul3A_280] : memref<8192xf32, #tpu.memory_space<vmem>> -> memref<256xf32, #tpu.memory_space<vmem>>
      tpu.vector_store_idx %scatter3A_319[%add3A_115], %gather3A_318 : memref<256xf32, #tpu.memory_space<vmem>>[vector<16xi32>], vector<16xf32>,
      %add3A_320 = arith.addi %mul3A_278, %and3A_90 : vector<16xi32>
      %gather3A_321 = tpu.vector_load_idx %arg6[%add3A_320] : memref<80xf32, #tpu.memory_space<vmem>>[vector<16xi32>], vector<16xf32>,
      %scatter3A_322 = tpu.memref_slice %arg7[%mul3A_280] : memref<8192xf32, #tpu.memory_space<vmem>> -> memref<256xf32, #tpu.memory_space<vmem>>
      tpu.vector_store_idx %scatter3A_322[%add3A_116], %gather3A_321 : memref<256xf32, #tpu.memory_space<vmem>>[vector<16xi32>], vector<16xf32>,
      %add3A_323 = arith.addi %mul3A_278, %and3A_96 : vector<16xi32>
      %gather3A_324 = tpu.vector_load_idx %arg6[%add3A_323] : memref<80xf32, #tpu.memory_space<vmem>>[vector<16xi32>], vector<16xf32>,
      %scatter3A_325 = tpu.memref_slice %arg7[%mul3A_280] : memref<8192xf32, #tpu.memory_space<vmem>> -> memref<256xf32, #tpu.memory_space<vmem>>
      tpu.vector_store_idx %scatter3A_325[%add3A_117], %gather3A_324 : memref<256xf32, #tpu.memory_space<vmem>>[vector<16xi32>], vector<16xf32>,
      %add3A_326 = arith.addi %mul3A_278, %and3A_102 : vector<16xi32>
      %gather3A_327 = tpu.vector_load_idx %arg6[%add3A_326] : memref<80xf32, #tpu.memory_space<vmem>>[vector<16xi32>], vector<16xf32>,
      %scatter3A_328 = tpu.memref_slice %arg7[%mul3A_280] : memref<8192xf32, #tpu.memory_space<vmem>> -> memref<256xf32, #tpu.memory_space<vmem>>
      tpu.vector_store_idx %scatter3A_328[%add3A_118], %gather3A_327 : memref<256xf32, #tpu.memory_space<vmem>>[vector<16xi32>], vector<16xf32>,
      %mul3A_329 = arith.constant 4 : i32
      %mul3A_330 = arith.muli %mul3A_329, %scan3A_210 : i32
      %add3A_331 = arith.constant 2 : i32
      %add3A_332 = arith.addi %mul3A_330, %add3A_331 : i32
      %mul3A_333 = arith.constant 16 : i32
      %mul3A_334 = arith.muli %add3A_332, %mul3A_333 : i32
      %get3A_335 = arith.index_cast %mul3A_334 : i32 to index
      %get3A_336 = tpu.vector_load %arg5[%get3A_335] {strides = array<i32>} : memref<512xi32, #tpu.memory_space<vmem>>, vector<16xi32>,
      %mul3A_337 = arith.constant 16 : i32
      %mul3A_338 = vector.broadcast %mul3A_337 : i32 to vector<16xi32>
      %mul3A_339 = arith.muli %get3A_336, %mul3A_338 : vector<16xi32>
      %mul3A_340 = arith.constant 256 : i32
      %mul3A_341 = arith.muli %add3A_332, %mul3A_340 : i32
      %add3A_342 = arith.addi %mul3A_339, %and3A_12 : vector<16xi32>
      %gather3A_343 = tpu.vector_load_idx %arg6[%add3A_342] : memref<80xf32, #tpu.memory_space<vmem>>[vector<16xi32>], vector<16xf32>,
      %scatter3A_344 = tpu.memref_slice %arg7[%mul3A_341] : memref<8192xf32, #tpu.memory_space<vmem>> -> memref<256xf32, #tpu.memory_space<vmem>>
      tpu.vector_store_idx %scatter3A_344[%add3A_103], %gather3A_343 : memref<256xf32, #tpu.memory_space<vmem>>[vector<16xi32>], vector<16xf32>,
      %add3A_345 = arith.addi %mul3A_339, %and3A_18 : vector<16xi32>
      %gather3A_346 = tpu.vector_load_idx %arg6[%add3A_345] : memref<80xf32, #tpu.memory_space<vmem>>[vector<16xi32>], vector<16xf32>,
      %scatter3A_347 = tpu.memref_slice %arg7[%mul3A_341] : memref<8192xf32, #tpu.memory_space<vmem>> -> memref<256xf32, #tpu.memory_space<vmem>>
      tpu.vector_store_idx %scatter3A_347[%add3A_104], %gather3A_346 : memref<256xf32, #tpu.memory_space<vmem>>[vector<16xi32>], vector<16xf32>,
      %add3A_348 = arith.addi %mul3A_339, %and3A_24 : vector<16xi32>
      %gather3A_349 = tpu.vector_load_idx %arg6[%add3A_348] : memref<80xf32, #tpu.memory_space<vmem>>[vector<16xi32>], vector<16xf32>,
      %scatter3A_350 = tpu.memref_slice %arg7[%mul3A_341] : memref<8192xf32, #tpu.memory_space<vmem>> -> memref<256xf32, #tpu.memory_space<vmem>>
      tpu.vector_store_idx %scatter3A_350[%add3A_105], %gather3A_349 : memref<256xf32, #tpu.memory_space<vmem>>[vector<16xi32>], vector<16xf32>,
      %add3A_351 = arith.addi %mul3A_339, %and3A_30 : vector<16xi32>
      %gather3A_352 = tpu.vector_load_idx %arg6[%add3A_351] : memref<80xf32, #tpu.memory_space<vmem>>[vector<16xi32>], vector<16xf32>,
      %scatter3A_353 = tpu.memref_slice %arg7[%mul3A_341] : memref<8192xf32, #tpu.memory_space<vmem>> -> memref<256xf32, #tpu.memory_space<vmem>>
      tpu.vector_store_idx %scatter3A_353[%add3A_106], %gather3A_352 : memref<256xf32, #tpu.memory_space<vmem>>[vector<16xi32>], vector<16xf32>,
      %add3A_354 = arith.addi %mul3A_339, %and3A_36 : vector<16xi32>
      %gather3A_355 = tpu.vector_load_idx %arg6[%add3A_354] : memref<80xf32, #tpu.memory_space<vmem>>[vector<16xi32>], vector<16xf32>,
      %scatter3A_356 = tpu.memref_slice %arg7[%mul3A_341] : memref<8192xf32, #tpu.memory_space<vmem>> -> memref<256xf32, #tpu.memory_space<vmem>>
      tpu.vector_store_idx %scatter3A_356[%add3A_107], %gather3A_355 : memref<256xf32, #tpu.memory_space<vmem>>[vector<16xi32>], vector<16xf32>,
      %add3A_357 = arith.addi %mul3A_339, %and3A_42 : vector<16xi32>
      %gather3A_358 = tpu.vector_load_idx %arg6[%add3A_357] : memref<80xf32, #tpu.memory_space<vmem>>[vector<16xi32>], vector<16xf32>,
      %scatter3A_359 = tpu.memref_slice %arg7[%mul3A_341] : memref<8192xf32, #tpu.memory_space<vmem>> -> memref<256xf32, #tpu.memory_space<vmem>>
      tpu.vector_store_idx %scatter3A_359[%add3A_108], %gather3A_358 : memref<256xf32, #tpu.memory_space<vmem>>[vector<16xi32>], vector<16xf32>,
      %add3A_360 = arith.addi %mul3A_339, %and3A_48 : vector<16xi32>
      %gather3A_361 = tpu.vector_load_idx %arg6[%add3A_360] : memref<80xf32, #tpu.memory_space<vmem>>[vector<16xi32>], vector<16xf32>,
      %scatter3A_362 = tpu.memref_slice %arg7[%mul3A_341] : memref<8192xf32, #tpu.memory_space<vmem>> -> memref<256xf32, #tpu.memory_space<vmem>>
      tpu.vector_store_idx %scatter3A_362[%add3A_109], %gather3A_361 : memref<256xf32, #tpu.memory_space<vmem>>[vector<16xi32>], vector<16xf32>,
      %add3A_363 = arith.addi %mul3A_339, %and3A_54 : vector<16xi32>
      %gather3A_364 = tpu.vector_load_idx %arg6[%add3A_363] : memref<80xf32, #tpu.memory_space<vmem>>[vector<16xi32>], vector<16xf32>,
      %scatter3A_365 = tpu.memref_slice %arg7[%mul3A_341] : memref<8192xf32, #tpu.memory_space<vmem>> -> memref<256xf32, #tpu.memory_space<vmem>>
      tpu.vector_store_idx %scatter3A_365[%add3A_110], %gather3A_364 : memref<256xf32, #tpu.memory_space<vmem>>[vector<16xi32>], vector<16xf32>,
      %add3A_366 = arith.addi %mul3A_339, %and3A_60 : vector<16xi32>
      %gather3A_367 = tpu.vector_load_idx %arg6[%add3A_366] : memref<80xf32, #tpu.memory_space<vmem>>[vector<16xi32>], vector<16xf32>,
      %scatter3A_368 = tpu.memref_slice %arg7[%mul3A_341] : memref<8192xf32, #tpu.memory_space<vmem>> -> memref<256xf32, #tpu.memory_space<vmem>>
      tpu.vector_store_idx %scatter3A_368[%add3A_111], %gather3A_367 : memref<256xf32, #tpu.memory_space<vmem>>[vector<16xi32>], vector<16xf32>,
      %add3A_369 = arith.addi %mul3A_339, %and3A_66 : vector<16xi32>
      %gather3A_370 = tpu.vector_load_idx %arg6[%add3A_369] : memref<80xf32, #tpu.memory_space<vmem>>[vector<16xi32>], vector<16xf32>,
      %scatter3A_371 = tpu.memref_slice %arg7[%mul3A_341] : memref<8192xf32, #tpu.memory_space<vmem>> -> memref<256xf32, #tpu.memory_space<vmem>>
      tpu.vector_store_idx %scatter3A_371[%add3A_112], %gather3A_370 : memref<256xf32, #tpu.memory_space<vmem>>[vector<16xi32>], vector<16xf32>,
      %add3A_372 = arith.addi %mul3A_339, %and3A_72 : vector<16xi32>
      %gather3A_373 = tpu.vector_load_idx %arg6[%add3A_372] : memref<80xf32, #tpu.memory_space<vmem>>[vector<16xi32>], vector<16xf32>,
      %scatter3A_374 = tpu.memref_slice %arg7[%mul3A_341] : memref<8192xf32, #tpu.memory_space<vmem>> -> memref<256xf32, #tpu.memory_space<vmem>>
      tpu.vector_store_idx %scatter3A_374[%add3A_113], %gather3A_373 : memref<256xf32, #tpu.memory_space<vmem>>[vector<16xi32>], vector<16xf32>,
      %add3A_375 = arith.addi %mul3A_339, %and3A_78 : vector<16xi32>
      %gather3A_376 = tpu.vector_load_idx %arg6[%add3A_375] : memref<80xf32, #tpu.memory_space<vmem>>[vector<16xi32>], vector<16xf32>,
      %scatter3A_377 = tpu.memref_slice %arg7[%mul3A_341] : memref<8192xf32, #tpu.memory_space<vmem>> -> memref<256xf32, #tpu.memory_space<vmem>>
      tpu.vector_store_idx %scatter3A_377[%add3A_114], %gather3A_376 : memref<256xf32, #tpu.memory_space<vmem>>[vector<16xi32>], vector<16xf32>,
      %add3A_378 = arith.addi %mul3A_339, %and3A_84 : vector<16xi32>
      %gather3A_379 = tpu.vector_load_idx %arg6[%add3A_378] : memref<80xf32, #tpu.memory_space<vmem>>[vector<16xi32>], vector<16xf32>,
      %scatter3A_380 = tpu.memref_slice %arg7[%mul3A_341] : memref<8192xf32, #tpu.memory_space<vmem>> -> memref<256xf32, #tpu.memory_space<vmem>>
      tpu.vector_store_idx %scatter3A_380[%add3A_115], %gather3A_379 : memref<256xf32, #tpu.memory_space<vmem>>[vector<16xi32>], vector<16xf32>,
      %add3A_381 = arith.addi %mul3A_339, %and3A_90 : vector<16xi32>
      %gather3A_382 = tpu.vector_load_idx %arg6[%add3A_381] : memref<80xf32, #tpu.memory_space<vmem>>[vector<16xi32>], vector<16xf32>,
      %scatter3A_383 = tpu.memref_slice %arg7[%mul3A_341] : memref<8192xf32, #tpu.memory_space<vmem>> -> memref<256xf32, #tpu.memory_space<vmem>>
      tpu.vector_store_idx %scatter3A_383[%add3A_116], %gather3A_382 : memref<256xf32, #tpu.memory_space<vmem>>[vector<16xi32>], vector<16xf32>,
      %add3A_384 = arith.addi %mul3A_339, %and3A_96 : vector<16xi32>
      %gather3A_385 = tpu.vector_load_idx %arg6[%add3A_384] : memref<80xf32, #tpu.memory_space<vmem>>[vector<16xi32>], vector<16xf32>,
      %scatter3A_386 = tpu.memref_slice %arg7[%mul3A_341] : memref<8192xf32, #tpu.memory_space<vmem>> -> memref<256xf32, #tpu.memory_space<vmem>>
      tpu.vector_store_idx %scatter3A_386[%add3A_117], %gather3A_385 : memref<256xf32, #tpu.memory_space<vmem>>[vector<16xi32>], vector<16xf32>,
      %add3A_387 = arith.addi %mul3A_339, %and3A_102 : vector<16xi32>
      %gather3A_388 = tpu.vector_load_idx %arg6[%add3A_387] : memref<80xf32, #tpu.memory_space<vmem>>[vector<16xi32>], vector<16xf32>,
      %scatter3A_389 = tpu.memref_slice %arg7[%mul3A_341] : memref<8192xf32, #tpu.memory_space<vmem>> -> memref<256xf32, #tpu.memory_space<vmem>>
      tpu.vector_store_idx %scatter3A_389[%add3A_118], %gather3A_388 : memref<256xf32, #tpu.memory_space<vmem>>[vector<16xi32>], vector<16xf32>,
      %mul3A_390 = arith.constant 4 : i32
      %mul3A_391 = arith.muli %mul3A_390, %scan3A_210 : i32
      %add3A_392 = arith.constant 3 : i32
      %add3A_393 = arith.addi %mul3A_391, %add3A_392 : i32
      %mul3A_394 = arith.constant 16 : i32
      %mul3A_395 = arith.muli %add3A_393, %mul3A_394 : i32
      %get3A_396 = arith.index_cast %mul3A_395 : i32 to index
      %get3A_397 = tpu.vector_load %arg5[%get3A_396] {strides = array<i32>} : memref<512xi32, #tpu.memory_space<vmem>>, vector<16xi32>,
      %mul3A_398 = arith.constant 16 : i32
      %mul3A_399 = vector.broadcast %mul3A_398 : i32 to vector<16xi32>
      %mul3A_400 = arith.muli %get3A_397, %mul3A_399 : vector<16xi32>
      %mul3A_401 = arith.constant 256 : i32
      %mul3A_402 = arith.muli %add3A_393, %mul3A_401 : i32
      %add3A_403 = arith.addi %mul3A_400, %and3A_12 : vector<16xi32>
      %gather3A_404 = tpu.vector_load_idx %arg6[%add3A_403] : memref<80xf32, #tpu.memory_space<vmem>>[vector<16xi32>], vector<16xf32>,
      %scatter3A_405 = tpu.memref_slice %arg7[%mul3A_402] : memref<8192xf32, #tpu.memory_space<vmem>> -> memref<256xf32, #tpu.memory_space<vmem>>
      tpu.vector_store_idx %scatter3A_405[%add3A_103], %gather3A_404 : memref<256xf32, #tpu.memory_space<vmem>>[vector<16xi32>], vector<16xf32>,
      %add3A_406 = arith.addi %mul3A_400, %and3A_18 : vector<16xi32>
      %gather3A_407 = tpu.vector_load_idx %arg6[%add3A_406] : memref<80xf32, #tpu.memory_space<vmem>>[vector<16xi32>], vector<16xf32>,
      %scatter3A_408 = tpu.memref_slice %arg7[%mul3A_402] : memref<8192xf32, #tpu.memory_space<vmem>> -> memref<256xf32, #tpu.memory_space<vmem>>
      tpu.vector_store_idx %scatter3A_408[%add3A_104], %gather3A_407 : memref<256xf32, #tpu.memory_space<vmem>>[vector<16xi32>], vector<16xf32>,
      %add3A_409 = arith.addi %mul3A_400, %and3A_24 : vector<16xi32>
      %gather3A_410 = tpu.vector_load_idx %arg6[%add3A_409] : memref<80xf32, #tpu.memory_space<vmem>>[vector<16xi32>], vector<16xf32>,
      %scatter3A_411 = tpu.memref_slice %arg7[%mul3A_402] : memref<8192xf32, #tpu.memory_space<vmem>> -> memref<256xf32, #tpu.memory_space<vmem>>
      tpu.vector_store_idx %scatter3A_411[%add3A_105], %gather3A_410 : memref<256xf32, #tpu.memory_space<vmem>>[vector<16xi32>], vector<16xf32>,
      %add3A_412 = arith.addi %mul3A_400, %and3A_30 : vector<16xi32>
      %gather3A_413 = tpu.vector_load_idx %arg6[%add3A_412] : memref<80xf32, #tpu.memory_space<vmem>>[vector<16xi32>], vector<16xf32>,
      %scatter3A_414 = tpu.memref_slice %arg7[%mul3A_402] : memref<8192xf32, #tpu.memory_space<vmem>> -> memref<256xf32, #tpu.memory_space<vmem>>
      tpu.vector_store_idx %scatter3A_414[%add3A_106], %gather3A_413 : memref<256xf32, #tpu.memory_space<vmem>>[vector<16xi32>], vector<16xf32>,
      %add3A_415 = arith.addi %mul3A_400, %and3A_36 : vector<16xi32>
      %gather3A_416 = tpu.vector_load_idx %arg6[%add3A_415] : memref<80xf32, #tpu.memory_space<vmem>>[vector<16xi32>], vector<16xf32>,
      %scatter3A_417 = tpu.memref_slice %arg7[%mul3A_402] : memref<8192xf32, #tpu.memory_space<vmem>> -> memref<256xf32, #tpu.memory_space<vmem>>
      tpu.vector_store_idx %scatter3A_417[%add3A_107], %gather3A_416 : memref<256xf32, #tpu.memory_space<vmem>>[vector<16xi32>], vector<16xf32>,
      %add3A_418 = arith.addi %mul3A_400, %and3A_42 : vector<16xi32>
      %gather3A_419 = tpu.vector_load_idx %arg6[%add3A_418] : memref<80xf32, #tpu.memory_space<vmem>>[vector<16xi32>], vector<16xf32>,
      %scatter3A_420 = tpu.memref_slice %arg7[%mul3A_402] : memref<8192xf32, #tpu.memory_space<vmem>> -> memref<256xf32, #tpu.memory_space<vmem>>
      tpu.vector_store_idx %scatter3A_420[%add3A_108], %gather3A_419 : memref<256xf32, #tpu.memory_space<vmem>>[vector<16xi32>], vector<16xf32>,
      %add3A_421 = arith.addi %mul3A_400, %and3A_48 : vector<16xi32>
      %gather3A_422 = tpu.vector_load_idx %arg6[%add3A_421] : memref<80xf32, #tpu.memory_space<vmem>>[vector<16xi32>], vector<16xf32>,
      %scatter3A_423 = tpu.memref_slice %arg7[%mul3A_402] : memref<8192xf32, #tpu.memory_space<vmem>> -> memref<256xf32, #tpu.memory_space<vmem>>
      tpu.vector_store_idx %scatter3A_423[%add3A_109], %gather3A_422 : memref<256xf32, #tpu.memory_space<vmem>>[vector<16xi32>], vector<16xf32>,
      %add3A_424 = arith.addi %mul3A_400, %and3A_54 : vector<16xi32>
      %gather3A_425 = tpu.vector_load_idx %arg6[%add3A_424] : memref<80xf32, #tpu.memory_space<vmem>>[vector<16xi32>], vector<16xf32>,
      %scatter3A_426 = tpu.memref_slice %arg7[%mul3A_402] : memref<8192xf32, #tpu.memory_space<vmem>> -> memref<256xf32, #tpu.memory_space<vmem>>
      tpu.vector_store_idx %scatter3A_426[%add3A_110], %gather3A_425 : memref<256xf32, #tpu.memory_space<vmem>>[vector<16xi32>], vector<16xf32>,
      %add3A_427 = arith.addi %mul3A_400, %and3A_60 : vector<16xi32>
      %gather3A_428 = tpu.vector_load_idx %arg6[%add3A_427] : memref<80xf32, #tpu.memory_space<vmem>>[vector<16xi32>], vector<16xf32>,
      %scatter3A_429 = tpu.memref_slice %arg7[%mul3A_402] : memref<8192xf32, #tpu.memory_space<vmem>> -> memref<256xf32, #tpu.memory_space<vmem>>
      tpu.vector_store_idx %scatter3A_429[%add3A_111], %gather3A_428 : memref<256xf32, #tpu.memory_space<vmem>>[vector<16xi32>], vector<16xf32>,
      %add3A_430 = arith.addi %mul3A_400, %and3A_66 : vector<16xi32>
      %gather3A_431 = tpu.vector_load_idx %arg6[%add3A_430] : memref<80xf32, #tpu.memory_space<vmem>>[vector<16xi32>], vector<16xf32>,
      %scatter3A_432 = tpu.memref_slice %arg7[%mul3A_402] : memref<8192xf32, #tpu.memory_space<vmem>> -> memref<256xf32, #tpu.memory_space<vmem>>
      tpu.vector_store_idx %scatter3A_432[%add3A_112], %gather3A_431 : memref<256xf32, #tpu.memory_space<vmem>>[vector<16xi32>], vector<16xf32>,
      %add3A_433 = arith.addi %mul3A_400, %and3A_72 : vector<16xi32>
      %gather3A_434 = tpu.vector_load_idx %arg6[%add3A_433] : memref<80xf32, #tpu.memory_space<vmem>>[vector<16xi32>], vector<16xf32>,
      %scatter3A_435 = tpu.memref_slice %arg7[%mul3A_402] : memref<8192xf32, #tpu.memory_space<vmem>> -> memref<256xf32, #tpu.memory_space<vmem>>
      tpu.vector_store_idx %scatter3A_435[%add3A_113], %gather3A_434 : memref<256xf32, #tpu.memory_space<vmem>>[vector<16xi32>], vector<16xf32>,
      %add3A_436 = arith.addi %mul3A_400, %and3A_78 : vector<16xi32>
      %gather3A_437 = tpu.vector_load_idx %arg6[%add3A_436] : memref<80xf32, #tpu.memory_space<vmem>>[vector<16xi32>], vector<16xf32>,
      %scatter3A_438 = tpu.memref_slice %arg7[%mul3A_402] : memref<8192xf32, #tpu.memory_space<vmem>> -> memref<256xf32, #tpu.memory_space<vmem>>
      tpu.vector_store_idx %scatter3A_438[%add3A_114], %gather3A_437 : memref<256xf32, #tpu.memory_space<vmem>>[vector<16xi32>], vector<16xf32>,
      %add3A_439 = arith.addi %mul3A_400, %and3A_84 : vector<16xi32>
      %gather3A_440 = tpu.vector_load_idx %arg6[%add3A_439] : memref<80xf32, #tpu.memory_space<vmem>>[vector<16xi32>], vector<16xf32>,
      %scatter3A_441 = tpu.memref_slice %arg7[%mul3A_402] : memref<8192xf32, #tpu.memory_space<vmem>> -> memref<256xf32, #tpu.memory_space<vmem>>
      tpu.vector_store_idx %scatter3A_441[%add3A_115], %gather3A_440 : memref<256xf32, #tpu.memory_space<vmem>>[vector<16xi32>], vector<16xf32>,
      %add3A_442 = arith.addi %mul3A_400, %and3A_90 : vector<16xi32>
      %gather3A_443 = tpu.vector_load_idx %arg6[%add3A_442] : memref<80xf32, #tpu.memory_space<vmem>>[vector<16xi32>], vector<16xf32>,
      %scatter3A_444 = tpu.memref_slice %arg7[%mul3A_402] : memref<8192xf32, #tpu.memory_space<vmem>> -> memref<256xf32, #tpu.memory_space<vmem>>
      tpu.vector_store_idx %scatter3A_444[%add3A_116], %gather3A_443 : memref<256xf32, #tpu.memory_space<vmem>>[vector<16xi32>], vector<16xf32>,
      %add3A_445 = arith.addi %mul3A_400, %and3A_96 : vector<16xi32>
      %gather3A_446 = tpu.vector_load_idx %arg6[%add3A_445] : memref<80xf32, #tpu.memory_space<vmem>>[vector<16xi32>], vector<16xf32>,
      %scatter3A_447 = tpu.memref_slice %arg7[%mul3A_402] : memref<8192xf32, #tpu.memory_space<vmem>> -> memref<256xf32, #tpu.memory_space<vmem>>
      tpu.vector_store_idx %scatter3A_447[%add3A_117], %gather3A_446 : memref<256xf32, #tpu.memory_space<vmem>>[vector<16xi32>], vector<16xf32>,
      %add3A_448 = arith.addi %mul3A_400, %and3A_102 : vector<16xi32>
      %gather3A_449 = tpu.vector_load_idx %arg6[%add3A_448] : memref<80xf32, #tpu.memory_space<vmem>>[vector<16xi32>], vector<16xf32>,
      %scatter3A_450 = tpu.memref_slice %arg7[%mul3A_402] : memref<8192xf32, #tpu.memory_space<vmem>> -> memref<256xf32, #tpu.memory_space<vmem>>
      tpu.vector_store_idx %scatter3A_450[%add3A_118], %gather3A_449 : memref<256xf32, #tpu.memory_space<vmem>>[vector<16xi32>], vector<16xf32>,
      %scan3A_451 = arith.constant 0 : i32
      scf.yield %scan3A_451 : i32
    }
    %scan3A_175 = arith.constant 2 : i32
    %mul3A_176 = arith.constant 16 : i32
    %mul3A_177 = arith.muli %mul3A_2, %mul3A_176 : i32
    %add3A_178 = arith.constant 6144 : i32
    %add3A_179 = arith.addi %mul3A_177, %add3A_178 : i32
    %dma_start3A_180 = arith.constant 6144 : i32
    %dma_start3A_181 = tpu.memref_slice %arg7[%dma_start3A_180] : memref<8192xf32, #tpu.memory_space<vmem>> -> memref<2048xf32, #tpu.memory_space<vmem>>
    %dma_start3A_182 = tpu.memref_slice %arg4[%add3A_179] : memref<262144xf32, #tpu.memory_space<hbm>> -> memref<2048xf32, #tpu.memory_space<hbm>>
    %dma_start3A_183 = tpu.memref_slice %arg4[%add3A_179] : memref<262144xf32, #tpu.memory_space<hbm>> -> memref<2048xf32, #tpu.memory_space<hbm>>
    %dma_start3A_184 = arith.constant 6144 : i32
    %dma_start3A_185 = tpu.memref_slice %arg7[%dma_start3A_184] : memref<8192xf32, #tpu.memory_space<vmem>> -> memref<2048xf32, #tpu.memory_space<vmem>>
    tpu.enqueue_dma source(%dma_start3A_185 : memref<2048xf32, #tpu.memory_space<vmem>>) target(%dma_start3A_183 : memref<2048xf32, #tpu.memory_space<hbm>>) target_semaphore(%arg8 : memref<!tpu.dma_semaphore, #tpu.memory_space<semaphore_mem>>)
    %dma_wait3A_186 = arith.constant 0 : i32
    %dma_wait3A_187 = tpu.memref_slice %arg7[%dma_wait3A_186] : memref<8192xf32, #tpu.memory_space<vmem>> -> memref<2048xf32, #tpu.memory_space<vmem>>
    %dma_wait3A_188 = tpu.memref_slice %arg4[%add3A_128] : memref<262144xf32, #tpu.memory_space<hbm>> -> memref<2048xf32, #tpu.memory_space<hbm>>
    %dma_wait3A_189 = tpu.memref_slice %arg4[%add3A_128] : memref<262144xf32, #tpu.memory_space<hbm>> -> memref<2048xf32, #tpu.memory_space<hbm>>
    %dma_wait3A_190 = arith.constant 0 : i32
    %dma_wait3A_191 = tpu.memref_slice %arg7[%dma_wait3A_190] : memref<8192xf32, #tpu.memory_space<vmem>> -> memref<2048xf32, #tpu.memory_space<vmem>>
    tpu.wait_dma2 semaphore(%arg8 : memref<!tpu.dma_semaphore, #tpu.memory_space<semaphore_mem>>) src(%dma_wait3A_191 : memref<2048xf32, #tpu.memory_space<vmem>>) dst(%dma_wait3A_189 : memref<2048xf32, #tpu.memory_space<hbm>>)
    %dma_wait3A_192 = arith.constant 2048 : i32
    %dma_wait3A_193 = tpu.memref_slice %arg7[%dma_wait3A_192] : memref<8192xf32, #tpu.memory_space<vmem>> -> memref<2048xf32, #tpu.memory_space<vmem>>
    %dma_wait3A_194 = tpu.memref_slice %arg4[%add3A_145] : memref<262144xf32, #tpu.memory_space<hbm>> -> memref<2048xf32, #tpu.memory_space<hbm>>
    %dma_wait3A_195 = tpu.memref_slice %arg4[%add3A_145] : memref<262144xf32, #tpu.memory_space<hbm>> -> memref<2048xf32, #tpu.memory_space<hbm>>
    %dma_wait3A_196 = arith.constant 2048 : i32
    %dma_wait3A_197 = tpu.memref_slice %arg7[%dma_wait3A_196] : memref<8192xf32, #tpu.memory_space<vmem>> -> memref<2048xf32, #tpu.memory_space<vmem>>
    tpu.wait_dma2 semaphore(%arg8 : memref<!tpu.dma_semaphore, #tpu.memory_space<semaphore_mem>>) src(%dma_wait3A_197 : memref<2048xf32, #tpu.memory_space<vmem>>) dst(%dma_wait3A_195 : memref<2048xf32, #tpu.memory_space<hbm>>)
    %dma_wait3A_198 = arith.constant 4096 : i32
    %dma_wait3A_199 = tpu.memref_slice %arg7[%dma_wait3A_198] : memref<8192xf32, #tpu.memory_space<vmem>> -> memref<2048xf32, #tpu.memory_space<vmem>>
    %dma_wait3A_200 = tpu.memref_slice %arg4[%add3A_162] : memref<262144xf32, #tpu.memory_space<hbm>> -> memref<2048xf32, #tpu.memory_space<hbm>>
    %dma_wait3A_201 = tpu.memref_slice %arg4[%add3A_162] : memref<262144xf32, #tpu.memory_space<hbm>> -> memref<2048xf32, #tpu.memory_space<hbm>>
    %dma_wait3A_202 = arith.constant 4096 : i32
    %dma_wait3A_203 = tpu.memref_slice %arg7[%dma_wait3A_202] : memref<8192xf32, #tpu.memory_space<vmem>> -> memref<2048xf32, #tpu.memory_space<vmem>>
    tpu.wait_dma2 semaphore(%arg8 : memref<!tpu.dma_semaphore, #tpu.memory_space<semaphore_mem>>) src(%dma_wait3A_203 : memref<2048xf32, #tpu.memory_space<vmem>>) dst(%dma_wait3A_201 : memref<2048xf32, #tpu.memory_space<hbm>>)
    %dma_wait3A_204 = arith.constant 6144 : i32
    %dma_wait3A_205 = tpu.memref_slice %arg7[%dma_wait3A_204] : memref<8192xf32, #tpu.memory_space<vmem>> -> memref<2048xf32, #tpu.memory_space<vmem>>
    %dma_wait3A_206 = tpu.memref_slice %arg4[%add3A_179] : memref<262144xf32, #tpu.memory_space<hbm>> -> memref<2048xf32, #tpu.memory_space<hbm>>
    %dma_wait3A_207 = tpu.memref_slice %arg4[%add3A_179] : memref<262144xf32, #tpu.memory_space<hbm>> -> memref<2048xf32, #tpu.memory_space<hbm>>
    %dma_wait3A_208 = arith.constant 6144 : i32
    %dma_wait3A_209 = tpu.memref_slice %arg7[%dma_wait3A_208] : memref<8192xf32, #tpu.memory_space<vmem>> -> memref<2048xf32, #tpu.memory_space<vmem>>
    tpu.wait_dma2 semaphore(%arg8 : memref<!tpu.dma_semaphore, #tpu.memory_space<semaphore_mem>>) src(%dma_wait3A_209 : memref<2048xf32, #tpu.memory_space<vmem>>) dst(%dma_wait3A_207 : memref<2048xf32, #tpu.memory_space<hbm>>)
    return
  }
}

</mosaic_0001>

<sc_bundles>
// kernel: kernel.3.cloned.1.call-start
scs
__scs_entry_jumppad:
0x0: {  	(pc) =	sbr.rel $0x88, $3  }
0x1: {  	(tag) =	ssettag $0x0;
	lr =	simm.s32 $0x1  }
0x2: {  	[smem:$0x3F9F] =	sst lr;
	_ =	strace $0xD0000000  }
0x3: {  	_ = 	snop  }
0x4: {  	_ = 	snop  }
0x5: {  	_ = 	snop  }
0x6: {  	_ = 	snop  }
0x7: {  	_ = 	snop  }
__scs_overlays_trampoline_lowered:
0x8: {  	[smem:$0x3FAE] =	sst s0  }
0x9: {  	[smem:$0x3FAF] =	sst s1  }
0xa: {  	[smem:$0x3FB0] =	sst s2  }
0xb: {  	[smem:$0x3FB1] =	sst s3  }
0xc: {  	[smem:$0x3FB2] =	sst s4  }
0xd: {  	[smem:$0x3FB3] =	sst s5  }
0xe: {  	[smem:$0x3FB4] =	sst s6  }
0xf: {  	[smem:$0x3FB5] =	sst s7  }
0x10: {  	[smem:$0x3FB6] =	sst s8  }
0x11: {  	[smem:$0x3FB7] =	sst s9;
	s0 =	simm.s32 @!p0 $0x0  }
0x12: {  	s1 =	sld [smem:$0x3F9D];
	s0 =	simm.s32 @p0 $0x1  }
0x13: {  	[smem:$0x3FB8] =	sst s0;
	s0 =	simm.s32 @!p1 $0x0  }
0x14: {  	s2 =	sld [smem:$0x3F9C];
	s0 =	simm.s32 @p1 $0x1  }
0x15: {  	[smem:$0x3FB9] =	sst s0;
	s0 =	simm.s32 @!p2 $0x0  }
0x16: {  	s3 =	sld [smem:$0x3FDB];
	s0 =	simm.s32 @p2 $0x1  }
0x17: {  	s4 =	simm.s32 $0x1BF5;
	[smem:$0x3FBB] =	sst s0  }
0x18: {  	s0 =	sld [smem:$0x3F9E];
	_ =	swait.ge [sflag:s4], $0x0  }
0x19: {  	s7 =	sld [smem:$0x3F9F]  }
0x1a: {  	s8 =	sadd.s32 $0xFFFFE003, lr  }
0x1b: {  	s9 =	sadd.s32 $0xFFFFFEF7, lr;
	s5 =	simm.s32 $0xFFFFFFFF;
	p2 =	slt.u32 s8, $0xFFFFF086  }
0x1c: {  	p1 =	slt.u32 s9, $0xF7A;
	s5 =	simm.s32 @!p2 $0x0  }
0x1d: {  	s5 =	simm.s32 @p1 $0x1;
	p0 =	seq.s32 s7, s2  }
0x1e: {  	s7 =	smul.u32 @!p0 $0xF7A, s2;
	p2 =	seq.s32 @!p0 s5, $0x0  }
0x1f: {  	s9 =	smul.u32 $0xF7A, s1;
	s8 =	simm.s32 @!p0 $0x1BF5;
	p2 =	por !p2, p0  }
0x20: {  	[sflag:s8] =	ssyncset.s32 @!p0 $0xFFFFF086;
	s6 =	sadd.s32 @!p0 s3, s7;
	s7 =	simm.s32 @!p0 $0x108  }
0x21: {  	s3 =	sadd.s32 s3, s9;
	s6 =	sadd.s32 @!p0 $0x88, s6;
	s7 =	simm.s32 @p2 $0x1082  }
0x22: {  	[simem:s7], [sflag:s8] =	dma.local @!p0 [hbm:s6], $0xF7A  }
0x23: {  	s9 =	sor.u32 $0xD0000000, s2;
	s6 =	simm.s32 $0x108;
	_ =	swait.ge @!p0 [sflag:s8], $0x0  }
0x24: {  	s3 =	sadd.s32 $0x88, s3;
	s6 =	simm.s32 @!p1 $0x1082;
	[sflag:s4] =	ssyncset.s32 $0xFFFFF086  }
0x25: {  	[simem:s6], [sflag:s4] =	dma.local [hbm:s3], $0xF7A  }
0x26: {  	[smem:$0x3F9F] =	sst s1;
	(tag) =	ssettag s2;
	_ =	strace s9  }
0x27: {  	s1 =	sld [smem:$0x3FAF]  }
0x28: {  	s2 =	sld [smem:$0x3FB0]  }
0x29: {  	s4 =	sld [smem:$0x3FB2]  }
0x2a: {  	p0 =	seq.s32 s5, $0x0;
	s5 =	sld [smem:$0x3FB3]  }
0x2b: {  	s6 =	sld [smem:$0x3FB4]  }
0x2c: {  	s7 =	sld [smem:$0x3FB5]  }
0x2d: {  	s3 =	simm.s32 $0x108;
	s8 =	sld [smem:$0x3FB6]  }
0x2e: {  	s3 =	simm.s32 @!p0 $0x1082;
	s9 =	sld [smem:$0x3FB7]  }
0x2f: {  	lr =	sadd.s32 s0, s3;
	s0 =	sld [smem:$0x3FAE]  }
0x30: {  	s3 =	sld [smem:$0x3FB1]  }
0x31: {  	[smem:$0x3FBA] =	sst s10  }
0x32: {  	s10 =	sld [smem:$0x3FB8];
	_ =	sdelay $0x3  }
0x33: {  	p0 =	seq.s32 s10, $0x1;
	s10 =	sld [smem:$0x3FBA];
	_ =	sdelay $0x3  }
0x34: {  	[smem:$0x3FBA] =	sst s10  }
0x35: {  	s10 =	sld [smem:$0x3FB9];
	_ =	sdelay $0x3  }
0x36: {  	p1 =	seq.s32 s10, $0x1;
	s10 =	sld [smem:$0x3FBA];
	_ =	sdelay $0x3  }
0x37: {  	[smem:$0x3FBA] =	sst s10  }
0x38: {  	s10 =	sld [smem:$0x3FBB]  }
0x39: {  	_ = 	snop;
	(pc) =	sbr.ind lr, $3  }
0x3a: {  	_ = 	snop  }
0x3b: {  	_ = 	snop  }
0x3c: {  	p2 =	seq.s32 s10, $0x1;
	s10 =	sld [smem:$0x3FBA]  }
0x3d: {  	_ =	shalt  }
0x3e: {  	_ =	shalt  }
0x3f: {  	_ =	shalt  }
0x40: {  	_ =	shalt  }
0x41: {  	_ =	shalt  }
0x42: {  	_ =	shalt  }
0x43: {  	_ =	shalt  }
0x44: {  	_ =	shalt  }
0x45: {  	_ =	shalt  }
0x46: {  	_ =	shalt  }
0x47: {  	_ =	shalt  }
0x48: {  	_ =	shalt  }
0x49: {  	_ =	shalt  }
0x4a: {  	_ =	shalt  }
0x4b: {  	_ =	shalt  }
0x4c: {  	_ =	shalt  }
0x4d: {  	_ =	shalt  }
0x4e: {  	_ =	shalt  }
0x4f: {  	_ =	shalt  }
0x50: {  	_ =	shalt  }
0x51: {  	_ =	shalt  }
0x52: {  	_ =	shalt  }
0x53: {  	_ =	shalt  }
0x54: {  	_ =	shalt  }
0x55: {  	_ =	shalt  }
0x56: {  	_ =	shalt  }
0x57: {  	_ =	shalt  }
0x58: {  	_ =	shalt  }
0x59: {  	_ =	shalt  }
0x5a: {  	_ =	shalt  }
0x5b: {  	_ =	shalt  }
0x5c: {  	_ =	shalt  }
0x5d: {  	_ =	shalt  }
0x5e: {  	_ =	shalt  }
0x5f: {  	_ =	shalt  }
0x60: {  	_ =	shalt  }
0x61: {  	_ =	shalt  }
0x62: {  	_ =	shalt  }
0x63: {  	_ =	shalt  }
0x64: {  	_ =	shalt  }
0x65: {  	_ =	shalt  }
0x66: {  	_ =	shalt  }
0x67: {  	_ =	shalt  }
0x68: {  	_ =	shalt  }
0x69: {  	_ =	shalt  }
0x6a: {  	_ =	shalt  }
0x6b: {  	_ =	shalt  }
0x6c: {  	_ =	shalt  }
0x6d: {  	_ =	shalt  }
0x6e: {  	_ =	shalt  }
0x6f: {  	_ =	shalt  }
0x70: {  	_ =	shalt  }
0x71: {  	_ =	shalt  }
0x72: {  	_ =	shalt  }
0x73: {  	_ =	shalt  }
0x74: {  	_ =	shalt  }
0x75: {  	_ =	shalt  }
0x76: {  	_ =	shalt  }
0x77: {  	_ =	shalt  }
0x78: {  	_ =	shalt  }
0x79: {  	_ =	shalt  }
0x7a: {  	_ =	shalt  }
0x7b: {  	_ =	shalt  }
0x7c: {  	_ =	shalt  }
0x7d: {  	_ =	shalt  }
0x7e: {  	_ =	shalt  }
0x7f: {  	_ =	shalt  }
0x80: {  	_ =	shalt  }
0x81: {  	_ =	shalt  }
0x82: {  	_ =	shalt  }
0x83: {  	_ =	shalt  }
0x84: {  	_ =	shalt  }
0x85: {  	_ =	shalt  }
0x86: {  	_ =	shalt  }
0x87: {  	_ =	shalt  }
.Lfunc_end0:
.L_simem_size_0:
called_computation_lowered:
.L_overlay_start_0:
0x88: {  	s2 =	sld [smem:$0x3FD9]  }
0x89: {  	s3 =	sld [smem:$0x3FFE];
	_ =	sdelay $0x1  }
0x8a: {  	s1 =	srdreg.scid  }
0x8b: {  	s0 =	sand.u32 $0x1, s1  }
0x8c: {  	s17 =	sshll.u32 s0, $0xA;
	s2 =	sadd.s32 s3, s2  }
0x8d: {  	s2 =	sadd.s32 s2, s17  }
0x8e: {  	[smem:$0x3FC6] =	sst s2  }
0x8f: {  	_ = 	snop  }
0x90: {  	s2 =	sld [smem:$0x3FC9]  }
0x91: {  	s18 =	sld [smem:$0x3FD0];
	(tm) =	ssettm $0x1  }
0x92: {  	s4 =	sld [smem:$0x3FFB];
	_ =	sdelay $0x3  }
0x93: {  	_ =	strace s4  }
0x94: {  	s4 =	sld [smem:$0x3FFC];
	_ =	sdelay $0x3  }
0x95: {  	_ =	strace s4  }
0x96: {  	s4 =	sld [smem:$0x3FFD];
	_ =	sdelay $0x3  }
0x97: {  	_ =	strace s4  }
0x98: {  	_ =	strace $0x8FFFFFFF  }
0x99: {  	s19 =	sld [smem:$0x3FDB];
	_ =	sdelay $0x1  }
0x9a: {  	s5 =	simm.s32 $_scs_section_size  }
0x9b: {  	s6 =	simm.s32 $_size__tile_overlayer_lowered;
	s7 =	simm.s32 $_tile_overlayer_lowered  }
0x9c: {  	s22 =	simm.s32 $0x1BFF;
	s21 =	sshll.u32 s7, $0x1;
	s4 =	sadd.s32 s5, s19  }
0x9d: {  	s8 =	simm.s32 $0x0;
	s20 =	sshll.u32 s6, $0x1;
	s6 =	sadd.s32 s21, s4  }
0x9e: {  	[timem:s8], [sflag:s22] =	dma.local [hbm:s6], s20  }
0x9f: {  	_ =	swait.ge [sflag:s22], s20  }
0xa0: {  	s5 =	ssub.s32 $0x0, s20;
	[sflag:s22] =	ssyncset.done $0x0  }
0xa1: {  	[sflag:s22] =	ssyncadd.s32 s5;
	_ =	sdelay $0x1  }
0xa2: {  	s23 =	simm.s32 $0x1B8B  }
0xa3: {  	_ =	swait.ge [sflag:s23], $0x1  }
0xa4: {  	[sflag:s23] =	ssyncset.done $0x0  }
0xa5: {  	s25 =	simm.s32 $0x1B8E;
	s24 =	sld [smem:$0x3FFE];
	[sflag:s23] =	ssyncadd.s32 $0xFFFFFFFF  }
0xa6: {  	s26 =	simm.s32 $execute0_lowered;
	[smem:$0x3FD2] =	sst s25  }
0xa7: {  	s6 =	sshll.u32 s26, $0x1;
	_ =	strace $0x80000046;
	[dreg:$0x1] =	wrdreg $0xFFFFFFFF  }
0xa8: {  	s28 =	simm.s32 $_size_execute0_lowered;
	s4 =	sadd.s32 s4, s6;
	[dreg:$0x0] =	wrdreg $0x0  }
0xa9: {  	s6 =	sshll.u32 s28, $0x1;
	[dreg:$0x2] =	wrdreg s4  }
0xaa: {  	[dreg:$0x3] =	wrdreg s6  }
0xab: {  	[dreg:$0x4] =	wrdreg $0xC0  }
0xac: {  	_ =	task [dreg:s8], $0x5FFFF  }
0xad: {  	[dreg:$0x1] =	wrdreg $0xFFFFFFFF  }
0xae: {  	[dreg:$0x0] =	wrdreg $0x60  }
0xaf: {  	[dreg:$0x2] =	wrdreg s2  }
0xb0: {  	[dreg:$0x3] =	wrdreg s24  }
0xb1: {  	[dreg:$0x4] =	wrdreg s18  }
0xb2: {  	[dreg:$0x5] =	wrdreg $0x9  }
0xb3: {  	_ =	task.clear_ibuf [dreg:s8], $0x6FFFF;
	_ =	strace $0x90000046  }
0xb4: {  	s29 =	simm.s32 $0x9;
	_ =	strace $0x80000048  }
0xb5: {  	_ =	swait.ge [sflag:s29], $0x1  }
0xb6: {  	[sflag:s29] =	ssyncadd.s32 $0xFFFFFFFF  }
0xb7: {  	_ =	strace $0x90000048  }
0xb8: {  	_ =	sfence  }
0xb9: {  	s30 =	sld [smem:$0x0];
	_ =	sdelay $0x2  }
0xba: {  	s31 =	sshll.u32 s1, $0xD;
	s1 =	sshrl.u32 s1, $0x2  }
0xbb: {  	s3 =	sand.u32 $0x4000, s31;
	s1 =	sadd.s32 s1, s30  }
0xbc: {  	s0 =	sor.u32 s3, s0;
	s1 =	sshll.u32 s1, $0x11  }
0xbd: {  	s0 =	sor.u32 s1, s0  }
0xbe: {  	s0 =	sadd.s32 $0x8F2B, s0  }
0xbf: {  	[sflag:s0] =	ssyncadd.remote.s32 $0x1  }
0xc0: {  	_ =	sfence.sel $0xFFFF  }
0xc1: {  	[dreg:$0x0] =	wrdreg $0xFFFFFFFF;
	(pc) =	sbr.abs _section_cstart, $3  }
0xc2: {  	[dreg:$0x1] =	wrdreg $0xFFFFFFFF  }
0xc3: {  	_ =	task.clear_ibuf [dreg:s8], $0x2FFFF;
	_ =	strace $0x9FFFFFFF  }
0xc4: {  	(tm) =	ssettm $0x7FFFFFFF  }
0xc5: {  	_ =	shalt  }
tec
execute0_lowered:
.L_overlay_start_1:
0x0: {  	(tag) =	ssettag $0x1  }
0x1: {  	v0 =	vimm.s32 $0xFEDCBA9;
	v1 =	vimm.s32 $0x87654321;
	v2 =	vimm.s32 $0xF0EFDECD  }
0x2: {  	vm0 =	vcmask $0x1F10;
	v4 =	vimm.s32 $0x34231201;
	v5 =	vimm.s32 $0x78675645  }
0x3: {  	v6 =	vimm.s32 $0x98765432;
	v7 =	vimm.s32 $0xBDAC9B8A;
	v8 =	vimm.s32 $0xF1E0DFCE  }
0x4: {  	v9 =	vimm.s32 $0x35241302;
	v10 =	vimm.s32 $0x79685746;
	v11 =	vimm.s32 $0x7A695847  }
0x5: {  	v14 =	vimm.s32 $0x7B6A5948;
	v15 =	vimm.s32 $0x43210FED;
	v18 =	vimm.s32 $0xDCBA9876  }
0x6: {  	v25 =	vimm.s32 $0x7C6B5A49;
	v29 =	vimm.s32 $0x7D6C5B4A;
	v30 =	vimm.s32 $0x3A291807  }
0x7: {  	v31 =	vimm.s32 $0x7E6D5C4B;
	v32 =	vimm.s32 $0x76543210;
	v57 =	vimm.s32 $0x3B2A1908  }
0x8: {  	v33 =	vimm.s32 $0x7F6E5D4C;
	v58 =	vimm.s32 $0x3C2B1A09;
	v59 =	vimm.s32 $0x706F5E4D  }
0x9: {  	v60 =	vimm.s32 $0x3D2C1B0A;
	v61 =	vimm.s32 $0x71605F4E;
	v62 =	vimm.s32 $0x7261504F  }
0xa: {  	v0 =	vunpack.c.l.s4.s8 v0;
	v1 =	vunpack.c.l.s4.s8 v1;
	v2 =	vunpack.c.0.s8.s32 v2  }
0xb: {  	v6 =	vunpack.c.l.s4.s8 v6;
	v7 =	vunpack.c.0.s8.s32 v7;
	v8 =	vunpack.c.0.s8.s32 v8  }
0xc: {  	v9 =	vunpack.c.0.s8.s32 v9;
	v10 =	vunpack.c.0.s8.s32 v10;
	v11 =	vunpack.c.0.s8.s32 v11  }
0xd: {  	v14 =	vunpack.c.0.s8.s32 v14;
	v18 =	vunpack.c.l.s4.s8 v18;
	v25 =	vunpack.c.0.s8.s32 v25  }
0xe: {  	v29 =	vunpack.c.0.s8.s32 v29;
	v13 =	vunpack.c.0.s8.s32 v1;
	v1 =	vimm.s32 $0xBCAB9A89  }
0xf: {  	v30 =	vunpack.c.0.s8.s32 v30;
	v31 =	vunpack.c.0.s8.s32 v31;
	v1 =	vunpack.c.0.s8.s32 v1  }
0x10: {  	v33 =	vunpack.c.0.s8.s32 v33;
	v12 =	vunpack.c.0.s8.s32 v0;
	v0 =	vlaneseq.u32  }
0x11: {  	v17 =	vunpack.c.0.s8.s32 v6;
	v6 =	vsel vm0, v10, v9;
	v1 =	vsel vm0, v2, v1  }
0x12: {  	v2 =	vunpack.c.0.s8.s32 v4;
	v4 =	vunpack.c.0.s8.s32 v5;
	v5 =	vimm.s32 $0x10FEDCBA  }
0x13: {  	v9 =	vimm.s32 $0xF2E1D0CF;
	v10 =	vimm.s32 $0x36251403;
	v5 =	vunpack.c.l.s4.s8 v5  }
0x14: {  	v27 =	vunpack.c.0.s8.s32 v18;
	v9 =	vunpack.c.0.s8.s32 v9;
	v10 =	vunpack.c.0.s8.s32 v10  }
0x15: {  	v3 =	vcombine.low v13, v12;
	v2 =	vsel vm0, v4, v2;
	v16 =	vunpack.c.0.s8.s32 v5  }
0x16: {  	v4 =	vcombine.low v2, v1;
	v2 =	vsel vm0, v8, v7;
	v1 =	vmul.u32 $0x11, v0  }
0x17: {  	v7 =	vimm.s32 $0xA9876543;
	v8 =	vimm.s32 $0xBEAD9C8B;
	v6 =	vcombine.low v6, v2  }
0x18: {  	v2 =	vimm.s32 $0x210FEDCB;
	v7 =	vunpack.c.l.s4.s8 v7;
	v8 =	vunpack.c.0.s8.s32 v8  }
0x19: {  	v5 =	vcombine.low v17, v16;
	v2 =	vunpack.c.l.s4.s8 v2;
	v34 =	vcombine.low v16, v17  }
0x1a: {  	v17 =	vimm.s32 $0xFAE9D8C7;
	v20 =	vunpack.c.0.s8.s32 v7;
	v8 =	vsel vm0, v9, v8  }
0x1b: {  	v9 =	vsel vm0, v11, v10;
	v11 =	vimm.s32 $0x37261504;
	v17 =	vunpack.c.0.s8.s32 v17  }
0x1c: {  	v6 =	vand.u32 $0xFF, v6;
	v19 =	vunpack.c.0.s8.s32 v2;
	v2 =	vimm.s32 $0x3210FEDC  }
0x1d: {  	v8 =	vcombine.low v9, v8;
	v9 =	vimm.s32 $0xBFAE9D8C;
	v11 =	vunpack.c.0.s8.s32 v11  }
0x1e: {  	v5 =	vand.u32 $0xF, v5;
	v10 =	vunpack.c.l.s4.s8 v2;
	v2 =	vand.u32 $0xF, v3  }
0x1f: {  	v3 =	vimm.s32 $0xBA987654;
	v9 =	vunpack.c.0.s8.s32 v9;
	v7 =	vcombine.low v20, v19  }
0x20: {  	v3 =	vunpack.c.l.s4.s8 v3;
	v11 =	vsel vm0, v14, v11;
	v14 =	vimm.s32 $0xF4E3D2C1  }
0x21: {  	v35 =	vcombine.low v19, v20;
	v19 =	vimm.s32 $0x3F2E1D0C;
	v21 =	vunpack.c.0.s8.s32 v10  }
0x22: {  	v10 =	vimm.s32 $0xF3E2D1C0;
	v22 =	vunpack.c.0.s8.s32 v3;
	v3 =	vunpack.c.l.s4.s8 v15  }
0x23: {  	v20 =	vimm.s32 $0x73625140;
	v14 =	vunpack.c.0.s8.s32 v14;
	v10 =	vunpack.c.0.s8.s32 v10  }
0x24: {  	v15 =	vimm.s32 $0xCBA98765;
	v23 =	vunpack.c.0.s8.s32 v3;
	v3 =	vimm.s32 $0xB0AF9E8D  }
0x25: {  	v10 =	vsel vm0, v10, v9;
	v9 =	vunpack.c.l.s4.s8 v15;
	v15 =	vunpack.c.0.s8.s32 v3  }
0x26: {  	v8 =	vand.u32 $0xFF, v8;
	v19 =	vunpack.c.0.s8.s32 v19;
	v20 =	vunpack.c.0.s8.s32 v20  }
0x27: {  	v3 =	vand.u32 $0xFF, v4;
	v4 =	vsel vm0, v14, v15;
	v14 =	vimm.s32 $0x543210FE  }
0x28: {  	v7 =	vand.u32 $0xF, v7;
	v63 =	vcombine.low v21, v22;
	v14 =	vunpack.c.l.s4.s8 v14  }
0x29: {  	v10 =	vcombine.low v11, v10;
	v24 =	vunpack.c.0.s8.s32 v9;
	v9 =	vcombine.low v22, v21  }
0x2a: {  	v15 =	vimm.s32 $0x38271605;
	v26 =	vunpack.c.0.s8.s32 v14;
	v14 =	vimm.s32 $0xB1A09F8E  }
0x2b: {  	v15 =	vunpack.c.0.s8.s32 v15;
	v18 =	vunpack.c.0.s8.s32 v14;
	v14 =	vimm.s32 $0xF5E4D3C2  }
0x2c: {  	v22 =	vand.u32 $0xF, v35;
	v28 =	vunpack.c.0.s8.s32 v14;
	v14 =	vimm.s32 $0x39281706  }
0x2d: {  	v10 =	vand.u32 $0xFF, v10;
	v15 =	vsel vm0, v25, v15;
	v25 =	vunpack.c.0.s8.s32 v14  }
0x2e: {  	v15 =	vcombine.low v15, v4;
	v4 =	vsel vm0, v28, v18;
	v28 =	vimm.s32 $0xF6E5D4C3  }
0x2f: {  	v18 =	vsel vm0, v29, v25;
	v25 =	vimm.s32 $0xB2A1908F;
	v29 =	vimm.s32 $0xFEDCBA98  }
0x30: {  	v28 =	vunpack.c.0.s8.s32 v28;
	v25 =	vunpack.c.0.s8.s32 v25;
	v29 =	vunpack.c.l.s4.s8 v29  }
0x31: {  	v11 =	vcombine.low v24, v23;
	v18 =	vcombine.low v18, v4;
	v4 =	vunpack.c.l.s4.s8 v32  }
0x32: {  	v32 =	vunpack.c.0.s8.s32 v57;
	v29 =	vunpack.c.0.s8.s32 v29;
	v25 =	vsel vm0, v28, v25  }
0x33: {  	v28 =	vsel vm0, v31, v30;
	v30 =	vimm.s32 $0xB3A29180;
	v31 =	vimm.s32 $0xF7E6D5C4  }
0x34: {  	v4 =	vunpack.c.0.s8.s32 v4;
	v30 =	vunpack.c.0.s8.s32 v30;
	v31 =	vunpack.c.0.s8.s32 v31  }
0x35: {  	v25 =	vcombine.low v28, v25;
	v28 =	vimm.s32 $0xB4A39281;
	v29 =	vand.u32 $0xF, v29  }
0x36: {  	v37 =	vcombine.low v23, v24;
	v28 =	vunpack.c.0.s8.s32 v28;
	v4 =	vcombine.low v29, v4  }
0x37: {  	v29 =	vsel vm0, v31, v30;
	v30 =	vsel vm0, v33, v32;
	v31 =	vimm.s32 $0xF8E7D6C5  }
0x38: {  	v32 =	vunpack.c.0.s8.s32 v58;
	v33 =	vunpack.c.0.s8.s32 v59;
	v31 =	vunpack.c.0.s8.s32 v31  }
0x39: {  	v9 =	vand.u32 $0xF, v9;
	v29 =	vcombine.low v30, v29;
	v30 =	vcombine.low v12, v13  }
0x3a: {  	v12 =	vimm.s32 $0xB5A49382;
	v13 =	vsel vm0, v31, v28;
	v28 =	vsel vm0, v33, v32  }
0x3b: {  	v31 =	vimm.s32 $0xF9E8D7C6;
	v32 =	vunpack.c.0.s8.s32 v60;
	v33 =	vunpack.c.0.s8.s32 v61  }
0x3c: {  	v24 =	vand.u32 $0xF, v63;
	v12 =	vunpack.c.0.s8.s32 v12;
	v31 =	vunpack.c.0.s8.s32 v31  }
0x3d: {  	v28 =	vcombine.low v28, v13;
	v13 =	vimm.s32 $0xB6A59483;
	v16 =	vsel vm0, v33, v32  }
0x3e: {  	v13 =	vunpack.c.0.s8.s32 v13;
	v12 =	vsel vm0, v31, v12;
	v31 =	vimm.s32 $0x3E2D1C0B  }
0x3f: {  	v32 =	vunpack.c.0.s8.s32 v62;
	v31 =	vunpack.c.0.s8.s32 v31;
	v33 =	vcombine.low v16, v12  }
0x40: {  	v12 =	vimm.s32 $0xB7A69584;
	v13 =	vsel vm0, v17, v13;
	v17 =	vimm.s32 $0xFBEAD9C8  }
0x41: {  	v11 =	vand.u32 $0xF, v11;
	v12 =	vunpack.c.0.s8.s32 v12;
	v17 =	vunpack.c.0.s8.s32 v17  }
0x42: {  	v39 =	vcombine.low v26, v27;
	v14 =	vcombine.low v27, v26;
	v16 =	vsel vm0, v32, v31  }
0x43: {  	v31 =	vcombine.low v16, v13;
	v13 =	vimm.s32 $0xB8A79685;
	v12 =	vsel vm0, v17, v12  }
0x44: {  	v16 =	vsel vm0, v20, v19;
	v17 =	vimm.s32 $0xFCEBDAC9;
	v19 =	vimm.s32 $0x302F1E0D  }
0x45: {  	v20 =	vimm.s32 $0x74635241;
	v13 =	vunpack.c.0.s8.s32 v13;
	v17 =	vunpack.c.0.s8.s32 v17  }
0x46: {  	v21 =	vand.u32 $0xFF, v33;
	v19 =	vunpack.c.0.s8.s32 v19;
	v20 =	vunpack.c.0.s8.s32 v20  }
0x47: {  	v36 =	vcombine.low v16, v12;
	v16 =	vimm.s32 $0xB9A89786;
	v12 =	vsel vm0, v17, v13  }
0x48: {  	v13 =	vsel vm0, v20, v19;
	v17 =	vimm.s32 $0x75645342;
	v19 =	vimm.s32 $0x6543210F  }
0x49: {  	v20 =	vimm.s32 $0xEDCBA987;
	v38 =	vcombine.low v13, v12;
	v12 =	vunpack.c.0.s8.s32 v16  }
0x4a: {  	v13 =	vimm.s32 $0xFDECDBCA;
	v16 =	vimm.s32 $0x31201F0E;
	v19 =	vunpack.c.l.s4.s8 v19  }
0x4b: {  	s5 =	rddreg [dreg:$0x0];
	v17 =	vunpack.c.0.s8.s32 v17;
	v13 =	vunpack.c.0.s8.s32 v13;
	v16 =	vunpack.c.0.s8.s32 v16  }
0x4c: {  	s3 =	rddreg [dreg:$0x1];
	v23 =	vand.u32 $0xFF, v31;
	v26 =	vunpack.c.0.s8.s32 v19;
	v19 =	vunpack.c.l.s4.s8 v20  }
0x4d: {  	s4 =	rddreg [dreg:$0x2];
	v12 =	vsel vm0, v13, v12;
	v13 =	vsel vm0, v17, v16;
	v16 =	vimm.s32 $0xBAA99887  }
0x4e: {  	s0 =	rddreg [dreg:$0x3];
	v20 =	vand.u32 $0xF, v34;
	v17 =	vimm.s32 $0xFEEDDCCB;
	v16 =	vunpack.c.0.s8.s32 v16  }
0x4f: {  	s2 =	simm.s32 $0x0;
	s6 =	srdreg.scid;
	s1 =	stileid.u32;
	v17 =	vunpack.c.0.s8.s32 v17;
	v40 =	vcombine.low v13, v12;
	v12 =	vimm.s32 $0x3221100F  }
0x50: {  	s11 =	simm.s32 $0x1;
	s12 =	simm.s32 $0x280;
	s13 =	simm.s32 $0xA80;
	v13 =	vimm.s32 $0x76655443;
	v41 =	vunpack.c.0.s8.s32 v19;
	v19 =	vand.u32 $0xFF, v28  }
0x51: {  	s14 =	simm.s32 $0x1280;
	s15 =	simm.s32 $0x1A80;
	s16 =	simm.s32 $0x0;
	v28 =	vand.u32 $0xF, v39;
	v12 =	vunpack.c.0.s8.s32 v12;
	v13 =	vunpack.c.0.s8.s32 v13  }
0x52: {  	[smem:$0x7FF] =	sst s2;
	s6 =	sand.u32 $0x1, s6;
	s7 =	sshll.u32 s1, $0x1;
	v27 =	vsel vm0, v17, v16;
	v16 =	vcombine.low v41, v26;
	v17 =	vand.u32 $0xFF, v29  }
0x53: {  	s3 =	sadd.s32 $0x400, s3;
	s8 =	ssub.s32 $0x2, s6;
	s6 =	sor.u32 s6, s7;
	v29 =	vand.u32 $0xFF, v40;
	v42 =	vsel vm0, v13, v12;
	v12 =	vand.u32 $0xFF, v15  }
0x54: {  	_ =	strace $0x80000047;
	s31 =	sshrl.u32 s8, $0x1;
	s9 =	sshll.u32 s6, $0xA;
	v13 =	vand.u32 $0xF, v14;
	v14 =	vand.u32 $0xFF, v18;
	v18 =	vand.u32 $0xF, v30  }
0x55: {  	s6 =	sshll.u32 s6, $0x6;
	s10 =	ssub.s32 s8, s31;
	s4 =	sadd.s32 s4, s9;
	v30 =	vcombine.low v26, v41;
	v26 =	vand.u32 $0xF, v37;
	v31 =	vcombine.low v42, v27  }
0x56: {  	s5 =	sadd.s32 s5, s6;
	s6 =	sadd.s32 $0x100, s4;
	s7 =	sadd.s32 $0x200, s4;
	v15 =	vand.u32 $0xF, v16;
	v16 =	vand.u32 $0xFF, v25;
	v25 =	vand.u32 $0xFF, v36  }
0x57: {  	s8 =	sadd.s32 $0x300, s4;
	s9 =	smax.u32 s10, $0x1;
	s10 =	simm.s32 $0x200;
	v27 =	vand.u32 $0xFF, v38;
	v30 =	vand.u32 $0xF, v30;
	v31 =	vand.u32 $0xFF, v31  }
.LBB2_1:
0x58: {  	[tilespmem:s10], [sflag:$0x1] =	stream.linear.gather [hbm4b:s3+s2], $0x80, $0x38;
	[tilespmem:$0x2280] =	vst v63  }
0x59: {  	_ = 	snop  }
0x5a: {  	[tilespmem:s2], [sflag:$0x1] =	stream.linear.gather [hbm4b:s5+s2], $0x200, $0x38;
	[tilespmem:$0x2280] =	vst v63  }
0x5b: {  	_ =	swait.ge [sflag:s11], $0x80  }
0x5c: {  	[sflag:s11] =	ssyncset.done $0x0  }
0x5d: {  	[sflag:s11] =	ssyncadd.s32 $0xFFFFFF80  }
0x5e: {  	_ =	swait.ge [sflag:s11], $0x200  }
0x5f: {  	[sflag:s11] =	ssyncset.done $0x0  }
0x60: {  	p0 =	por $0x1, $0x1;
	s17 =	simm.s32 $0x0;
	[sflag:s11] =	ssyncadd.s32 $0xFFFFFE00  }
.LBB2_2:
0x61: {  	s18 =	sshll.u32 s17, $0x6  }
0x62: {  	s18 =	sand.u32 $0x3FFFFFC0, s18  }
0x63: {  	v32 =	vld [tilespmem:s18+$0x0];
	_ =	sdelay $0x4  }
0x64: {  	v32 =	vshll.u32 v32, $0x4  }
0x65: {  	v33 =	vor.u32 v0, v32;
	_ =	sdelay $0x4  }
0x66: {  	v33 =	vld.idx.msk [tilespmem:v33+s10+$0x0], $0xffff  }
0x67: {  	v34 =	vor.u32 v2, v32  }
0x68: {  	s22 =	sshll.u32 s17, $0xA  }
0x69: {  	s18 =	sand.u32 $0x3FFFFC00, s22  }
0x6a: {  	s18 =	sor.u32 $0x280, s18  }
0x6b: {  	[tilespmem:v1+s18+$0x0] =	vst.idx.msk $0xffff, v33  }
0x6c: {  	v33 =	vld.idx.msk [tilespmem:v34+s10+$0x0], $0xffff  }
0x6d: {  	v62 =	vor.u32 v5, v32;
	_ =	sdelay $0x3  }
0x6e: {  	[tilespmem:v3+s18+$0x0] =	vst.idx.msk $0xffff, v33  }
0x6f: {  	v33 =	vld.idx.msk [tilespmem:v62+s10+$0x0], $0xffff  }
0x70: {  	v63 =	vor.u32 v7, v32;
	_ =	sdelay $0x3  }
0x71: {  	[tilespmem:v6+s18+$0x0] =	vst.idx.msk $0xffff, v33  }
0x72: {  	v33 =	vld.idx.msk [tilespmem:v63+s10+$0x0], $0xffff  }
0x73: {  	v36 =	vor.u32 v9, v32;
	_ =	sdelay $0x3  }
0x74: {  	[tilespmem:v8+s18+$0x0] =	vst.idx.msk $0xffff, v33  }
0x75: {  	v33 =	vld.idx.msk [tilespmem:v36+s10+$0x0], $0xffff  }
0x76: {  	v37 =	vor.u32 v11, v32;
	_ =	sdelay $0x3  }
0x77: {  	[tilespmem:v10+s18+$0x0] =	vst.idx.msk $0xffff, v33  }
0x78: {  	v33 =	vld.idx.msk [tilespmem:v37+s10+$0x0], $0xffff  }
0x79: {  	v38 =	vor.u32 v13, v32;
	_ =	sdelay $0x3  }
0x7a: {  	[tilespmem:v12+s18+$0x0] =	vst.idx.msk $0xffff, v33  }
0x7b: {  	v33 =	vld.idx.msk [tilespmem:v38+s10+$0x0], $0xffff  }
0x7c: {  	v39 =	vor.u32 v15, v32;
	_ =	sdelay $0x3  }
0x7d: {  	[tilespmem:v14+s18+$0x0] =	vst.idx.msk $0xffff, v33  }
0x7e: {  	v33 =	vld.idx.msk [tilespmem:v39+s10+$0x0], $0xffff  }
0x7f: {  	v40 =	vor.u32 v4, v32;
	_ =	sdelay $0x3  }
0x80: {  	[tilespmem:v16+s18+$0x0] =	vst.idx.msk $0xffff, v33  }
0x81: {  	v33 =	vld.idx.msk [tilespmem:v40+s10+$0x0], $0xffff  }
0x82: {  	v41 =	vor.u32 v18, v32;
	_ =	sdelay $0x3  }
0x83: {  	[tilespmem:v17+s18+$0x0] =	vst.idx.msk $0xffff, v33  }
0x84: {  	v33 =	vld.idx.msk [tilespmem:v41+s10+$0x0], $0xffff  }
0x85: {  	v42 =	vor.u32 v20, v32;
	_ =	sdelay $0x3  }
0x86: {  	[tilespmem:v19+s18+$0x0] =	vst.idx.msk $0xffff, v33  }
0x87: {  	v33 =	vld.idx.msk [tilespmem:v42+s10+$0x0], $0xffff  }
0x88: {  	v43 =	vor.u32 v22, v32;
	_ =	sdelay $0x3  }
0x89: {  	[tilespmem:v21+s18+$0x0] =	vst.idx.msk $0xffff, v33  }
0x8a: {  	v33 =	vld.idx.msk [tilespmem:v43+s10+$0x0], $0xffff  }
0x8b: {  	v44 =	vor.u32 v24, v32;
	_ =	sdelay $0x3  }
0x8c: {  	[tilespmem:v23+s18+$0x0] =	vst.idx.msk $0xffff, v33  }
0x8d: {  	v33 =	vld.idx.msk [tilespmem:v44+s10+$0x0], $0xffff  }
0x8e: {  	v45 =	vor.u32 v26, v32;
	_ =	sdelay $0x3  }
0x8f: {  	[tilespmem:v25+s18+$0x0] =	vst.idx.msk $0xffff, v33  }
0x90: {  	v33 =	vld.idx.msk [tilespmem:v45+s10+$0x0], $0xffff  }
0x91: {  	v46 =	vor.u32 v28, v32;
	_ =	sdelay $0x3  }
0x92: {  	[tilespmem:v27+s18+$0x0] =	vst.idx.msk $0xffff, v33  }
0x93: {  	v33 =	vld.idx.msk [tilespmem:v46+s10+$0x0], $0xffff  }
0x94: {  	v32 =	vor.u32 v30, v32;
	_ =	sdelay $0x3  }
0x95: {  	[tilespmem:v29+s18+$0x0] =	vst.idx.msk $0xffff, v33  }
0x96: {  	v32 =	vld.idx.msk [tilespmem:v32+s10+$0x0], $0xffff;
	_ =	sdelay $0x1  }
0x97: {  	s19 =	sshll.u32 s17, $0x2  }
0x98: {  	s20 =	sor.u32 $0x1, s19  }
0x99: {  	s21 =	sshll.u32 s20, $0x4  }
0x9a: {  	s23 =	sand.u32 $0x3FFFFFD0, s21;
	[tilespmem:v31+s18+$0x0] =	vst.idx.msk $0xffff, v32  }
0x9b: {  	v32 =	vld [tilespmem:s23+$0x0];
	_ =	sdelay $0x4  }
0x9c: {  	v32 =	vshll.u32 v32, $0x4  }
0x9d: {  	v47 =	vor.u32 v0, v32;
	_ =	sdelay $0x4  }
0x9e: {  	v33 =	vld.idx.msk [tilespmem:v47+s10+$0x0], $0xffff  }
0x9f: {  	v48 =	vor.u32 v2, v32  }
0xa0: {  	s24 =	sshll.u32 s20, $0x8  }
0xa1: {  	s18 =	sand.u32 $0x3FFFFD00, s24  }
0xa2: {  	s18 =	sor.u32 $0x280, s18  }
0xa3: {  	[tilespmem:v1+s18+$0x0] =	vst.idx.msk $0xffff, v33  }
0xa4: {  	v33 =	vld.idx.msk [tilespmem:v48+s10+$0x0], $0xffff  }
0xa5: {  	v49 =	vor.u32 v5, v32;
	_ =	sdelay $0x3  }
0xa6: {  	[tilespmem:v3+s18+$0x0] =	vst.idx.msk $0xffff, v33  }
0xa7: {  	v33 =	vld.idx.msk [tilespmem:v49+s10+$0x0], $0xffff  }
0xa8: {  	v50 =	vor.u32 v7, v32;
	_ =	sdelay $0x3  }
0xa9: {  	[tilespmem:v6+s18+$0x0] =	vst.idx.msk $0xffff, v33  }
0xaa: {  	v33 =	vld.idx.msk [tilespmem:v50+s10+$0x0], $0xffff  }
0xab: {  	v51 =	vor.u32 v9, v32;
	_ =	sdelay $0x3  }
0xac: {  	[tilespmem:v8+s18+$0x0] =	vst.idx.msk $0xffff, v33  }
0xad: {  	v33 =	vld.idx.msk [tilespmem:v51+s10+$0x0], $0xffff  }
0xae: {  	v52 =	vor.u32 v11, v32;
	_ =	sdelay $0x3  }
0xaf: {  	[tilespmem:v10+s18+$0x0] =	vst.idx.msk $0xffff, v33  }
0xb0: {  	v33 =	vld.idx.msk [tilespmem:v52+s10+$0x0], $0xffff  }
0xb1: {  	v53 =	vor.u32 v13, v32;
	_ =	sdelay $0x3  }
0xb2: {  	[tilespmem:v12+s18+$0x0] =	vst.idx.msk $0xffff, v33  }
0xb3: {  	v33 =	vld.idx.msk [tilespmem:v53+s10+$0x0], $0xffff  }
0xb4: {  	v54 =	vor.u32 v15, v32;
	_ =	sdelay $0x3  }
0xb5: {  	[tilespmem:v14+s18+$0x0] =	vst.idx.msk $0xffff, v33  }
0xb6: {  	v33 =	vld.idx.msk [tilespmem:v54+s10+$0x0], $0xffff  }
0xb7: {  	v55 =	vor.u32 v4, v32;
	_ =	sdelay $0x3  }
0xb8: {  	[tilespmem:v16+s18+$0x0] =	vst.idx.msk $0xffff, v33  }
0xb9: {  	v33 =	vld.idx.msk [tilespmem:v55+s10+$0x0], $0xffff  }
0xba: {  	v56 =	vor.u32 v18, v32;
	_ =	sdelay $0x3  }
0xbb: {  	[tilespmem:v17+s18+$0x0] =	vst.idx.msk $0xffff, v33  }
0xbc: {  	v33 =	vld.idx.msk [tilespmem:v56+s10+$0x0], $0xffff  }
0xbd: {  	v57 =	vor.u32 v20, v32;
	_ =	sdelay $0x3  }
0xbe: {  	[tilespmem:v19+s18+$0x0] =	vst.idx.msk $0xffff, v33  }
0xbf: {  	v33 =	vld.idx.msk [tilespmem:v57+s10+$0x0], $0xffff  }
0xc0: {  	v58 =	vor.u32 v22, v32;
	_ =	sdelay $0x3  }
0xc1: {  	[tilespmem:v21+s18+$0x0] =	vst.idx.msk $0xffff, v33  }
0xc2: {  	v33 =	vld.idx.msk [tilespmem:v58+s10+$0x0], $0xffff  }
0xc3: {  	v59 =	vor.u32 v24, v32;
	_ =	sdelay $0x3  }
0xc4: {  	[tilespmem:v23+s18+$0x0] =	vst.idx.msk $0xffff, v33  }
0xc5: {  	v33 =	vld.idx.msk [tilespmem:v59+s10+$0x0], $0xffff  }
0xc6: {  	v60 =	vor.u32 v26, v32;
	_ =	sdelay $0x3  }
0xc7: {  	[tilespmem:v25+s18+$0x0] =	vst.idx.msk $0xffff, v33  }
0xc8: {  	v33 =	vld.idx.msk [tilespmem:v60+s10+$0x0], $0xffff  }
0xc9: {  	v61 =	vor.u32 v28, v32;
	_ =	sdelay $0x3  }
0xca: {  	[tilespmem:v27+s18+$0x0] =	vst.idx.msk $0xffff, v33  }
0xcb: {  	v33 =	vld.idx.msk [tilespmem:v61+s10+$0x0], $0xffff  }
0xcc: {  	v32 =	vor.u32 v30, v32;
	_ =	sdelay $0x3  }
0xcd: {  	[tilespmem:v29+s18+$0x0] =	vst.idx.msk $0xffff, v33  }
0xce: {  	v32 =	vld.idx.msk [tilespmem:v32+s10+$0x0], $0xffff;
	_ =	sdelay $0x2  }
0xcf: {  	s19 =	sor.u32 $0x2, s19  }
0xd0: {  	s25 =	sshll.u32 s19, $0x4  }
0xd1: {  	s26 =	sand.u32 $0x3FFFFFE0, s25;
	[tilespmem:v31+s18+$0x0] =	vst.idx.msk $0xffff, v32  }
0xd2: {  	v32 =	vld [tilespmem:s26+$0x0];
	_ =	sdelay $0x4  }
0xd3: {  	v32 =	vshll.u32 v32, $0x4  }
0xd4: {  	v62 =	vor.u32 v0, v32;
	_ =	sdelay $0x4  }
0xd5: {  	v33 =	vld.idx.msk [tilespmem:v62+s10+$0x0], $0xffff  }
0xd6: {  	v63 =	vor.u32 v2, v32;
	_ =	sdelay $0x1  }
0xd7: {  	s28 =	sshll.u32 s19, $0x8  }
0xd8: {  	s18 =	sand.u32 $0x3FFFFE00, s28  }
0xd9: {  	[tilespmem:v1+s18+$0x280] =	vst.idx.msk $0xffff, v33  }
0xda: {  	v33 =	vld.idx.msk [tilespmem:v63+s10+$0x0], $0xffff  }
0xdb: {  	v36 =	vor.u32 v5, v32;
	_ =	sdelay $0x3  }
0xdc: {  	[tilespmem:v3+s18+$0x280] =	vst.idx.msk $0xffff, v33  }
0xdd: {  	v33 =	vld.idx.msk [tilespmem:v36+s10+$0x0], $0xffff  }
0xde: {  	v37 =	vor.u32 v7, v32;
	_ =	sdelay $0x3  }
0xdf: {  	[tilespmem:v6+s18+$0x280] =	vst.idx.msk $0xffff, v33  }
0xe0: {  	v33 =	vld.idx.msk [tilespmem:v37+s10+$0x0], $0xffff  }
0xe1: {  	v38 =	vor.u32 v9, v32;
	_ =	sdelay $0x3  }
0xe2: {  	[tilespmem:v8+s18+$0x280] =	vst.idx.msk $0xffff, v33  }
0xe3: {  	v33 =	vld.idx.msk [tilespmem:v38+s10+$0x0], $0xffff  }
0xe4: {  	v39 =	vor.u32 v11, v32;
	_ =	sdelay $0x3  }
0xe5: {  	[tilespmem:v10+s18+$0x280] =	vst.idx.msk $0xffff, v33  }
0xe6: {  	v33 =	vld.idx.msk [tilespmem:v39+s10+$0x0], $0xffff  }
0xe7: {  	v40 =	vor.u32 v13, v32;
	_ =	sdelay $0x3  }
0xe8: {  	[tilespmem:v12+s18+$0x280] =	vst.idx.msk $0xffff, v33  }
0xe9: {  	v33 =	vld.idx.msk [tilespmem:v40+s10+$0x0], $0xffff  }
0xea: {  	v41 =	vor.u32 v15, v32;
	_ =	sdelay $0x3  }
0xeb: {  	[tilespmem:v14+s18+$0x280] =	vst.idx.msk $0xffff, v33  }
0xec: {  	v33 =	vld.idx.msk [tilespmem:v41+s10+$0x0], $0xffff  }
0xed: {  	v42 =	vor.u32 v4, v32;
	_ =	sdelay $0x3  }
0xee: {  	[tilespmem:v16+s18+$0x280] =	vst.idx.msk $0xffff, v33  }
0xef: {  	v33 =	vld.idx.msk [tilespmem:v42+s10+$0x0], $0xffff  }
0xf0: {  	v43 =	vor.u32 v18, v32;
	_ =	sdelay $0x3  }
0xf1: {  	[tilespmem:v17+s18+$0x280] =	vst.idx.msk $0xffff, v33  }
0xf2: {  	v33 =	vld.idx.msk [tilespmem:v43+s10+$0x0], $0xffff  }
0xf3: {  	v44 =	vor.u32 v20, v32;
	_ =	sdelay $0x3  }
0xf4: {  	[tilespmem:v19+s18+$0x280] =	vst.idx.msk $0xffff, v33  }
0xf5: {  	v33 =	vld.idx.msk [tilespmem:v44+s10+$0x0], $0xffff  }
0xf6: {  	v45 =	vor.u32 v22, v32;
	_ =	sdelay $0x3  }
0xf7: {  	[tilespmem:v21+s18+$0x280] =	vst.idx.msk $0xffff, v33  }
0xf8: {  	v33 =	vld.idx.msk [tilespmem:v45+s10+$0x0], $0xffff  }
0xf9: {  	v46 =	vor.u32 v24, v32;
	_ =	sdelay $0x3  }
0xfa: {  	[tilespmem:v23+s18+$0x280] =	vst.idx.msk $0xffff, v33  }
0xfb: {  	v33 =	vld.idx.msk [tilespmem:v46+s10+$0x0], $0xffff  }
0xfc: {  	v47 =	vor.u32 v26, v32;
	_ =	sdelay $0x3  }
0xfd: {  	[tilespmem:v25+s18+$0x280] =	vst.idx.msk $0xffff, v33  }
0xfe: {  	v33 =	vld.idx.msk [tilespmem:v47+s10+$0x0], $0xffff  }
0xff: {  	v48 =	vor.u32 v28, v32;
	_ =	sdelay $0x3  }
0x100: {  	[tilespmem:v27+s18+$0x280] =	vst.idx.msk $0xffff, v33  }
0x101: {  	v33 =	vld.idx.msk [tilespmem:v48+s10+$0x0], $0xffff  }
0x102: {  	v32 =	vor.u32 v30, v32;
	_ =	sdelay $0x3  }
0x103: {  	[tilespmem:v29+s18+$0x280] =	vst.idx.msk $0xffff, v33  }
0x104: {  	v32 =	vld.idx.msk [tilespmem:v32+s10+$0x0], $0xffff;
	_ =	sdelay $0x2  }
0x105: {  	s29 =	sshllo.u32 s17, $0x2  }
0x106: {  	s30 =	sshll.u32 s29, $0x4  }
0x107: {  	s31 =	sand.u32 $0x3FFFFFF0, s30;
	[tilespmem:v31+s18+$0x280] =	vst.idx.msk $0xffff, v32  }
0x108: {  	v32 =	vld [tilespmem:s31+$0x0];
	_ =	sdelay $0x4  }
0x109: {  	v32 =	vshll.u32 v32, $0x4  }
0x10a: {  	v49 =	vor.u32 v0, v32;
	_ =	sdelay $0x4  }
0x10b: {  	v33 =	vld.idx.msk [tilespmem:v49+s10+$0x0], $0xffff  }
0x10c: {  	v50 =	vor.u32 v2, v32;
	_ =	sdelay $0x1  }
0x10d: {  	s17 =	sshll.u32 s29, $0x8  }
0x10e: {  	s17 =	sand.u32 $0x3FFFFF00, s17  }
0x10f: {  	[tilespmem:v1+s17+$0x280] =	vst.idx.msk $0xffff, v33  }
0x110: {  	v33 =	vld.idx.msk [tilespmem:v50+s10+$0x0], $0xffff  }
0x111: {  	v51 =	vor.u32 v5, v32;
	_ =	sdelay $0x3  }
0x112: {  	[tilespmem:v3+s17+$0x280] =	vst.idx.msk $0xffff, v33  }
0x113: {  	v33 =	vld.idx.msk [tilespmem:v51+s10+$0x0], $0xffff  }
0x114: {  	v52 =	vor.u32 v7, v32;
	_ =	sdelay $0x3  }
0x115: {  	[tilespmem:v6+s17+$0x280] =	vst.idx.msk $0xffff, v33  }
0x116: {  	v33 =	vld.idx.msk [tilespmem:v52+s10+$0x0], $0xffff  }
0x117: {  	v53 =	vor.u32 v9, v32;
	_ =	sdelay $0x3  }
0x118: {  	[tilespmem:v8+s17+$0x280] =	vst.idx.msk $0xffff, v33  }
0x119: {  	v33 =	vld.idx.msk [tilespmem:v53+s10+$0x0], $0xffff  }
0x11a: {  	v54 =	vor.u32 v11, v32;
	_ =	sdelay $0x3  }
0x11b: {  	[tilespmem:v10+s17+$0x280] =	vst.idx.msk $0xffff, v33  }
0x11c: {  	v33 =	vld.idx.msk [tilespmem:v54+s10+$0x0], $0xffff  }
0x11d: {  	v55 =	vor.u32 v13, v32;
	_ =	sdelay $0x3  }
0x11e: {  	[tilespmem:v12+s17+$0x280] =	vst.idx.msk $0xffff, v33  }
0x11f: {  	v33 =	vld.idx.msk [tilespmem:v55+s10+$0x0], $0xffff  }
0x120: {  	v56 =	vor.u32 v15, v32;
	_ =	sdelay $0x3  }
0x121: {  	[tilespmem:v14+s17+$0x280] =	vst.idx.msk $0xffff, v33  }
0x122: {  	v33 =	vld.idx.msk [tilespmem:v56+s10+$0x0], $0xffff  }
0x123: {  	v57 =	vor.u32 v4, v32;
	_ =	sdelay $0x3  }
0x124: {  	[tilespmem:v16+s17+$0x280] =	vst.idx.msk $0xffff, v33  }
0x125: {  	v33 =	vld.idx.msk [tilespmem:v57+s10+$0x0], $0xffff  }
0x126: {  	v58 =	vor.u32 v18, v32;
	_ =	sdelay $0x3  }
0x127: {  	[tilespmem:v17+s17+$0x280] =	vst.idx.msk $0xffff, v33  }
0x128: {  	v33 =	vld.idx.msk [tilespmem:v58+s10+$0x0], $0xffff  }
0x129: {  	v59 =	vor.u32 v20, v32;
	_ =	sdelay $0x3  }
0x12a: {  	[tilespmem:v19+s17+$0x280] =	vst.idx.msk $0xffff, v33  }
0x12b: {  	v33 =	vld.idx.msk [tilespmem:v59+s10+$0x0], $0xffff  }
0x12c: {  	v60 =	vor.u32 v22, v32;
	_ =	sdelay $0x3  }
0x12d: {  	[tilespmem:v21+s17+$0x280] =	vst.idx.msk $0xffff, v33  }
0x12e: {  	v33 =	vld.idx.msk [tilespmem:v60+s10+$0x0], $0xffff  }
0x12f: {  	v61 =	vor.u32 v24, v32;
	_ =	sdelay $0x3  }
0x130: {  	[tilespmem:v23+s17+$0x280] =	vst.idx.msk $0xffff, v33  }
0x131: {  	v33 =	vld.idx.msk [tilespmem:v61+s10+$0x0], $0xffff  }
0x132: {  	v62 =	vor.u32 v26, v32;
	_ =	sdelay $0x3  }
0x133: {  	[tilespmem:v25+s17+$0x280] =	vst.idx.msk $0xffff, v33  }
0x134: {  	v33 =	vld.idx.msk [tilespmem:v62+s10+$0x0], $0xffff  }
0x135: {  	v63 =	vor.u32 v28, v32;
	_ =	sdelay $0x3  }
0x136: {  	[tilespmem:v27+s17+$0x280] =	vst.idx.msk $0xffff, v33  }
0x137: {  	v33 =	vld.idx.msk [tilespmem:v63+s10+$0x0], $0xffff  }
0x138: {  	v32 =	vor.u32 v30, v32;
	_ =	sdelay $0x3  }
0x139: {  	[tilespmem:v29+s17+$0x280] =	vst.idx.msk $0xffff, v33  }
0x13a: {  	p1 =	por p0, p0;
	v32 =	vld.idx.msk [tilespmem:v32+s10+$0x0], $0xffff  }
.Ltmp0:
0x13b: {  	_ = 	snop;
	(pc) =	sbr.rel @p1 .LBB2_2-.Ltmp0, $2  }
0x13c: {  	_ =	sdelay $0x2  }
0x13d: {  	p0 =	por $0x0, $0x0;
	[tilespmem:v31+s17+$0x280] =	vst.idx.msk $0xffff, v32;
	s17 =	simm.s32 $0x1  }
0x13e: {  	s17 =	simm.s32 $0x0;
	s18 =	simm.s32 $0xD80  }
0x13f: {  	[hbm4b:s4+s17] =	stream.linear.scatter [tilespmem:s12], [sflag:$0x1], $0x800, $0x38;
	[tilespmem:$0x2280] =	vst v63  }
.LBB2_4:
0x140: {  	s19 =	sshra.s32 s17, $0x2  }
0x141: {  	v32 =	vld [tilespmem:s19+$0x80];
	_ =	sdelay $0x4  }
0x142: {  	v32 =	vshll.u32 v32, $0x4  }
0x143: {  	v33 =	vor.u32 v0, v32;
	_ =	sdelay $0x4  }
0x144: {  	v33 =	vld.idx.msk [tilespmem:v33+s10+$0x0], $0xffff  }
0x145: {  	v34 =	vor.u32 v2, v32;
	_ =	sdelay $0x3  }
0x146: {  	[tilespmem:v1+s18+$0xFFFFFD00] =	vst.idx.msk $0xffff, v33  }
0x147: {  	v33 =	vld.idx.msk [tilespmem:v34+s10+$0x0], $0xffff  }
0x148: {  	v62 =	vor.u32 v5, v32;
	_ =	sdelay $0x3  }
0x149: {  	[tilespmem:v3+s18+$0xFFFFFD00] =	vst.idx.msk $0xffff, v33  }
0x14a: {  	v33 =	vld.idx.msk [tilespmem:v62+s10+$0x0], $0xffff  }
0x14b: {  	v63 =	vor.u32 v7, v32;
	_ =	sdelay $0x3  }
0x14c: {  	[tilespmem:v6+s18+$0xFFFFFD00] =	vst.idx.msk $0xffff, v33  }
0x14d: {  	v33 =	vld.idx.msk [tilespmem:v63+s10+$0x0], $0xffff  }
0x14e: {  	v36 =	vor.u32 v9, v32;
	_ =	sdelay $0x3  }
0x14f: {  	[tilespmem:v8+s18+$0xFFFFFD00] =	vst.idx.msk $0xffff, v33  }
0x150: {  	v33 =	vld.idx.msk [tilespmem:v36+s10+$0x0], $0xffff  }
0x151: {  	v37 =	vor.u32 v11, v32;
	_ =	sdelay $0x3  }
0x152: {  	[tilespmem:v10+s18+$0xFFFFFD00] =	vst.idx.msk $0xffff, v33  }
0x153: {  	v33 =	vld.idx.msk [tilespmem:v37+s10+$0x0], $0xffff  }
0x154: {  	v38 =	vor.u32 v13, v32;
	_ =	sdelay $0x3  }
0x155: {  	[tilespmem:v12+s18+$0xFFFFFD00] =	vst.idx.msk $0xffff, v33  }
0x156: {  	v33 =	vld.idx.msk [tilespmem:v38+s10+$0x0], $0xffff  }
0x157: {  	v39 =	vor.u32 v15, v32;
	_ =	sdelay $0x3  }
0x158: {  	[tilespmem:v14+s18+$0xFFFFFD00] =	vst.idx.msk $0xffff, v33  }
0x159: {  	v33 =	vld.idx.msk [tilespmem:v39+s10+$0x0], $0xffff  }
0x15a: {  	v40 =	vor.u32 v4, v32;
	_ =	sdelay $0x3  }
0x15b: {  	[tilespmem:v16+s18+$0xFFFFFD00] =	vst.idx.msk $0xffff, v33  }
0x15c: {  	v33 =	vld.idx.msk [tilespmem:v40+s10+$0x0], $0xffff  }
0x15d: {  	v41 =	vor.u32 v18, v32;
	_ =	sdelay $0x3  }
0x15e: {  	[tilespmem:v17+s18+$0xFFFFFD00] =	vst.idx.msk $0xffff, v33  }
0x15f: {  	v33 =	vld.idx.msk [tilespmem:v41+s10+$0x0], $0xffff  }
0x160: {  	v42 =	vor.u32 v20, v32;
	_ =	sdelay $0x3  }
0x161: {  	[tilespmem:v19+s18+$0xFFFFFD00] =	vst.idx.msk $0xffff, v33  }
0x162: {  	v33 =	vld.idx.msk [tilespmem:v42+s10+$0x0], $0xffff  }
0x163: {  	v43 =	vor.u32 v22, v32;
	_ =	sdelay $0x3  }
0x164: {  	[tilespmem:v21+s18+$0xFFFFFD00] =	vst.idx.msk $0xffff, v33  }
0x165: {  	v33 =	vld.idx.msk [tilespmem:v43+s10+$0x0], $0xffff  }
0x166: {  	v44 =	vor.u32 v24, v32;
	_ =	sdelay $0x3  }
0x167: {  	[tilespmem:v23+s18+$0xFFFFFD00] =	vst.idx.msk $0xffff, v33  }
0x168: {  	v33 =	vld.idx.msk [tilespmem:v44+s10+$0x0], $0xffff  }
0x169: {  	v45 =	vor.u32 v26, v32;
	_ =	sdelay $0x3  }
0x16a: {  	[tilespmem:v25+s18+$0xFFFFFD00] =	vst.idx.msk $0xffff, v33  }
0x16b: {  	v33 =	vld.idx.msk [tilespmem:v45+s10+$0x0], $0xffff  }
0x16c: {  	v46 =	vor.u32 v28, v32;
	_ =	sdelay $0x3  }
0x16d: {  	[tilespmem:v27+s18+$0xFFFFFD00] =	vst.idx.msk $0xffff, v33  }
0x16e: {  	v33 =	vld.idx.msk [tilespmem:v46+s10+$0x0], $0xffff  }
0x16f: {  	v32 =	vor.u32 v30, v32;
	_ =	sdelay $0x3  }
0x170: {  	[tilespmem:v29+s18+$0xFFFFFD00] =	vst.idx.msk $0xffff, v33  }
0x171: {  	v32 =	vld.idx.msk [tilespmem:v32+s10+$0x0], $0xffff;
	_ =	sdelay $0x4  }
0x172: {  	[tilespmem:v31+s18+$0xFFFFFD00] =	vst.idx.msk $0xffff, v32  }
0x173: {  	v32 =	vld [tilespmem:s19+$0x90];
	_ =	sdelay $0x4  }
0x174: {  	v32 =	vshll.u32 v32, $0x4  }
0x175: {  	v47 =	vor.u32 v0, v32;
	_ =	sdelay $0x4  }
0x176: {  	v33 =	vld.idx.msk [tilespmem:v47+s10+$0x0], $0xffff  }
0x177: {  	v48 =	vor.u32 v2, v32;
	_ =	sdelay $0x3  }
0x178: {  	[tilespmem:v1+s18+$0xFFFFFE00] =	vst.idx.msk $0xffff, v33  }
0x179: {  	v33 =	vld.idx.msk [tilespmem:v48+s10+$0x0], $0xffff  }
0x17a: {  	v49 =	vor.u32 v5, v32;
	_ =	sdelay $0x3  }
0x17b: {  	[tilespmem:v3+s18+$0xFFFFFE00] =	vst.idx.msk $0xffff, v33  }
0x17c: {  	v33 =	vld.idx.msk [tilespmem:v49+s10+$0x0], $0xffff  }
0x17d: {  	v50 =	vor.u32 v7, v32;
	_ =	sdelay $0x3  }
0x17e: {  	[tilespmem:v6+s18+$0xFFFFFE00] =	vst.idx.msk $0xffff, v33  }
0x17f: {  	v33 =	vld.idx.msk [tilespmem:v50+s10+$0x0], $0xffff  }
0x180: {  	v51 =	vor.u32 v9, v32;
	_ =	sdelay $0x3  }
0x181: {  	[tilespmem:v8+s18+$0xFFFFFE00] =	vst.idx.msk $0xffff, v33  }
0x182: {  	v33 =	vld.idx.msk [tilespmem:v51+s10+$0x0], $0xffff  }
0x183: {  	v52 =	vor.u32 v11, v32;
	_ =	sdelay $0x3  }
0x184: {  	[tilespmem:v10+s18+$0xFFFFFE00] =	vst.idx.msk $0xffff, v33  }
0x185: {  	v33 =	vld.idx.msk [tilespmem:v52+s10+$0x0], $0xffff  }
0x186: {  	v53 =	vor.u32 v13, v32;
	_ =	sdelay $0x3  }
0x187: {  	[tilespmem:v12+s18+$0xFFFFFE00] =	vst.idx.msk $0xffff, v33  }
0x188: {  	v33 =	vld.idx.msk [tilespmem:v53+s10+$0x0], $0xffff  }
0x189: {  	v54 =	vor.u32 v15, v32;
	_ =	sdelay $0x3  }
0x18a: {  	[tilespmem:v14+s18+$0xFFFFFE00] =	vst.idx.msk $0xffff, v33  }
0x18b: {  	v33 =	vld.idx.msk [tilespmem:v54+s10+$0x0], $0xffff  }
0x18c: {  	v55 =	vor.u32 v4, v32;
	_ =	sdelay $0x3  }
0x18d: {  	[tilespmem:v16+s18+$0xFFFFFE00] =	vst.idx.msk $0xffff, v33  }
0x18e: {  	v33 =	vld.idx.msk [tilespmem:v55+s10+$0x0], $0xffff  }
0x18f: {  	v56 =	vor.u32 v18, v32;
	_ =	sdelay $0x3  }
0x190: {  	[tilespmem:v17+s18+$0xFFFFFE00] =	vst.idx.msk $0xffff, v33  }
0x191: {  	v33 =	vld.idx.msk [tilespmem:v56+s10+$0x0], $0xffff  }
0x192: {  	v57 =	vor.u32 v20, v32;
	_ =	sdelay $0x3  }
0x193: {  	[tilespmem:v19+s18+$0xFFFFFE00] =	vst.idx.msk $0xffff, v33  }
0x194: {  	v33 =	vld.idx.msk [tilespmem:v57+s10+$0x0], $0xffff  }
0x195: {  	v58 =	vor.u32 v22, v32;
	_ =	sdelay $0x3  }
0x196: {  	[tilespmem:v21+s18+$0xFFFFFE00] =	vst.idx.msk $0xffff, v33  }
0x197: {  	v33 =	vld.idx.msk [tilespmem:v58+s10+$0x0], $0xffff  }
0x198: {  	v59 =	vor.u32 v24, v32;
	_ =	sdelay $0x3  }
0x199: {  	[tilespmem:v23+s18+$0xFFFFFE00] =	vst.idx.msk $0xffff, v33  }
0x19a: {  	v33 =	vld.idx.msk [tilespmem:v59+s10+$0x0], $0xffff  }
0x19b: {  	v60 =	vor.u32 v26, v32;
	_ =	sdelay $0x3  }
0x19c: {  	[tilespmem:v25+s18+$0xFFFFFE00] =	vst.idx.msk $0xffff, v33  }
0x19d: {  	v33 =	vld.idx.msk [tilespmem:v60+s10+$0x0], $0xffff  }
0x19e: {  	v61 =	vor.u32 v28, v32;
	_ =	sdelay $0x3  }
0x19f: {  	[tilespmem:v27+s18+$0xFFFFFE00] =	vst.idx.msk $0xffff, v33  }
0x1a0: {  	v33 =	vld.idx.msk [tilespmem:v61+s10+$0x0], $0xffff  }
0x1a1: {  	v32 =	vor.u32 v30, v32;
	_ =	sdelay $0x3  }
0x1a2: {  	[tilespmem:v29+s18+$0xFFFFFE00] =	vst.idx.msk $0xffff, v33  }
0x1a3: {  	v32 =	vld.idx.msk [tilespmem:v32+s10+$0x0], $0xffff;
	_ =	sdelay $0x4  }
0x1a4: {  	[tilespmem:v31+s18+$0xFFFFFE00] =	vst.idx.msk $0xffff, v32  }
0x1a5: {  	v32 =	vld [tilespmem:s19+$0xA0];
	_ =	sdelay $0x4  }
0x1a6: {  	v32 =	vshll.u32 v32, $0x4  }
0x1a7: {  	v62 =	vor.u32 v0, v32;
	_ =	sdelay $0x4  }
0x1a8: {  	v33 =	vld.idx.msk [tilespmem:v62+s10+$0x0], $0xffff  }
0x1a9: {  	v63 =	vor.u32 v2, v32;
	_ =	sdelay $0x3  }
0x1aa: {  	[tilespmem:v1+s18+$0xFFFFFF00] =	vst.idx.msk $0xffff, v33  }
0x1ab: {  	v33 =	vld.idx.msk [tilespmem:v63+s10+$0x0], $0xffff  }
0x1ac: {  	v36 =	vor.u32 v5, v32;
	_ =	sdelay $0x3  }
0x1ad: {  	[tilespmem:v3+s18+$0xFFFFFF00] =	vst.idx.msk $0xffff, v33  }
0x1ae: {  	v33 =	vld.idx.msk [tilespmem:v36+s10+$0x0], $0xffff  }
0x1af: {  	v37 =	vor.u32 v7, v32;
	_ =	sdelay $0x3  }
0x1b0: {  	[tilespmem:v6+s18+$0xFFFFFF00] =	vst.idx.msk $0xffff, v33  }
0x1b1: {  	v33 =	vld.idx.msk [tilespmem:v37+s10+$0x0], $0xffff  }
0x1b2: {  	v38 =	vor.u32 v9, v32;
	_ =	sdelay $0x3  }
0x1b3: {  	[tilespmem:v8+s18+$0xFFFFFF00] =	vst.idx.msk $0xffff, v33  }
0x1b4: {  	v33 =	vld.idx.msk [tilespmem:v38+s10+$0x0], $0xffff  }
0x1b5: {  	v39 =	vor.u32 v11, v32;
	_ =	sdelay $0x3  }
0x1b6: {  	[tilespmem:v10+s18+$0xFFFFFF00] =	vst.idx.msk $0xffff, v33  }
0x1b7: {  	v33 =	vld.idx.msk [tilespmem:v39+s10+$0x0], $0xffff  }
0x1b8: {  	v40 =	vor.u32 v13, v32;
	_ =	sdelay $0x3  }
0x1b9: {  	[tilespmem:v12+s18+$0xFFFFFF00] =	vst.idx.msk $0xffff, v33  }
0x1ba: {  	v33 =	vld.idx.msk [tilespmem:v40+s10+$0x0], $0xffff  }
0x1bb: {  	v41 =	vor.u32 v15, v32;
	_ =	sdelay $0x3  }
0x1bc: {  	[tilespmem:v14+s18+$0xFFFFFF00] =	vst.idx.msk $0xffff, v33  }
0x1bd: {  	v33 =	vld.idx.msk [tilespmem:v41+s10+$0x0], $0xffff  }
0x1be: {  	v42 =	vor.u32 v4, v32;
	_ =	sdelay $0x3  }
0x1bf: {  	[tilespmem:v16+s18+$0xFFFFFF00] =	vst.idx.msk $0xffff, v33  }
0x1c0: {  	v33 =	vld.idx.msk [tilespmem:v42+s10+$0x0], $0xffff  }
0x1c1: {  	v43 =	vor.u32 v18, v32;
	_ =	sdelay $0x3  }
0x1c2: {  	[tilespmem:v17+s18+$0xFFFFFF00] =	vst.idx.msk $0xffff, v33  }
0x1c3: {  	v33 =	vld.idx.msk [tilespmem:v43+s10+$0x0], $0xffff  }
0x1c4: {  	v44 =	vor.u32 v20, v32;
	_ =	sdelay $0x3  }
0x1c5: {  	[tilespmem:v19+s18+$0xFFFFFF00] =	vst.idx.msk $0xffff, v33  }
0x1c6: {  	v33 =	vld.idx.msk [tilespmem:v44+s10+$0x0], $0xffff  }
0x1c7: {  	v45 =	vor.u32 v22, v32;
	_ =	sdelay $0x3  }
0x1c8: {  	[tilespmem:v21+s18+$0xFFFFFF00] =	vst.idx.msk $0xffff, v33  }
0x1c9: {  	v33 =	vld.idx.msk [tilespmem:v45+s10+$0x0], $0xffff  }
0x1ca: {  	v46 =	vor.u32 v24, v32;
	_ =	sdelay $0x3  }
0x1cb: {  	[tilespmem:v23+s18+$0xFFFFFF00] =	vst.idx.msk $0xffff, v33  }
0x1cc: {  	v33 =	vld.idx.msk [tilespmem:v46+s10+$0x0], $0xffff  }
0x1cd: {  	v47 =	vor.u32 v26, v32;
	_ =	sdelay $0x3  }
0x1ce: {  	[tilespmem:v25+s18+$0xFFFFFF00] =	vst.idx.msk $0xffff, v33  }
0x1cf: {  	v33 =	vld.idx.msk [tilespmem:v47+s10+$0x0], $0xffff  }
0x1d0: {  	v48 =	vor.u32 v28, v32;
	_ =	sdelay $0x3  }
0x1d1: {  	[tilespmem:v27+s18+$0xFFFFFF00] =	vst.idx.msk $0xffff, v33  }
0x1d2: {  	v33 =	vld.idx.msk [tilespmem:v48+s10+$0x0], $0xffff  }
0x1d3: {  	v32 =	vor.u32 v30, v32;
	_ =	sdelay $0x3  }
0x1d4: {  	[tilespmem:v29+s18+$0xFFFFFF00] =	vst.idx.msk $0xffff, v33  }
0x1d5: {  	v32 =	vld.idx.msk [tilespmem:v32+s10+$0x0], $0xffff;
	_ =	sdelay $0x4  }
0x1d6: {  	[tilespmem:v31+s18+$0xFFFFFF00] =	vst.idx.msk $0xffff, v32  }
0x1d7: {  	v32 =	vld [tilespmem:s19+$0xB0];
	_ =	sdelay $0x4  }
0x1d8: {  	v32 =	vshll.u32 v32, $0x4  }
0x1d9: {  	v49 =	vor.u32 v0, v32;
	_ =	sdelay $0x4  }
0x1da: {  	v33 =	vld.idx.msk [tilespmem:v49+s10+$0x0], $0xffff  }
0x1db: {  	v50 =	vor.u32 v2, v32;
	_ =	sdelay $0x3  }
0x1dc: {  	[tilespmem:v1+s18+$0x0] =	vst.idx.msk $0xffff, v33  }
0x1dd: {  	v33 =	vld.idx.msk [tilespmem:v50+s10+$0x0], $0xffff  }
0x1de: {  	v51 =	vor.u32 v5, v32;
	_ =	sdelay $0x3  }
0x1df: {  	[tilespmem:v3+s18+$0x0] =	vst.idx.msk $0xffff, v33  }
0x1e0: {  	v33 =	vld.idx.msk [tilespmem:v51+s10+$0x0], $0xffff  }
0x1e1: {  	v52 =	vor.u32 v7, v32;
	_ =	sdelay $0x3  }
0x1e2: {  	[tilespmem:v6+s18+$0x0] =	vst.idx.msk $0xffff, v33  }
0x1e3: {  	v33 =	vld.idx.msk [tilespmem:v52+s10+$0x0], $0xffff  }
0x1e4: {  	v53 =	vor.u32 v9, v32;
	_ =	sdelay $0x3  }
0x1e5: {  	[tilespmem:v8+s18+$0x0] =	vst.idx.msk $0xffff, v33  }
0x1e6: {  	v33 =	vld.idx.msk [tilespmem:v53+s10+$0x0], $0xffff  }
0x1e7: {  	v54 =	vor.u32 v11, v32;
	_ =	sdelay $0x3  }
0x1e8: {  	[tilespmem:v10+s18+$0x0] =	vst.idx.msk $0xffff, v33  }
0x1e9: {  	v33 =	vld.idx.msk [tilespmem:v54+s10+$0x0], $0xffff  }
0x1ea: {  	v55 =	vor.u32 v13, v32;
	_ =	sdelay $0x3  }
0x1eb: {  	[tilespmem:v12+s18+$0x0] =	vst.idx.msk $0xffff, v33  }
0x1ec: {  	v33 =	vld.idx.msk [tilespmem:v55+s10+$0x0], $0xffff  }
0x1ed: {  	v56 =	vor.u32 v15, v32;
	_ =	sdelay $0x3  }
0x1ee: {  	[tilespmem:v14+s18+$0x0] =	vst.idx.msk $0xffff, v33  }
0x1ef: {  	v33 =	vld.idx.msk [tilespmem:v56+s10+$0x0], $0xffff  }
0x1f0: {  	v57 =	vor.u32 v4, v32;
	_ =	sdelay $0x3  }
0x1f1: {  	[tilespmem:v16+s18+$0x0] =	vst.idx.msk $0xffff, v33  }
0x1f2: {  	v33 =	vld.idx.msk [tilespmem:v57+s10+$0x0], $0xffff  }
0x1f3: {  	v58 =	vor.u32 v18, v32;
	_ =	sdelay $0x3  }
0x1f4: {  	[tilespmem:v17+s18+$0x0] =	vst.idx.msk $0xffff, v33  }
0x1f5: {  	v33 =	vld.idx.msk [tilespmem:v58+s10+$0x0], $0xffff  }
0x1f6: {  	v59 =	vor.u32 v20, v32;
	_ =	sdelay $0x3  }
0x1f7: {  	[tilespmem:v19+s18+$0x0] =	vst.idx.msk $0xffff, v33  }
0x1f8: {  	v33 =	vld.idx.msk [tilespmem:v59+s10+$0x0], $0xffff  }
0x1f9: {  	v60 =	vor.u32 v22, v32;
	_ =	sdelay $0x3  }
0x1fa: {  	[tilespmem:v21+s18+$0x0] =	vst.idx.msk $0xffff, v33  }
0x1fb: {  	v33 =	vld.idx.msk [tilespmem:v60+s10+$0x0], $0xffff  }
0x1fc: {  	v61 =	vor.u32 v24, v32;
	_ =	sdelay $0x3  }
0x1fd: {  	[tilespmem:v23+s18+$0x0] =	vst.idx.msk $0xffff, v33  }
0x1fe: {  	v33 =	vld.idx.msk [tilespmem:v61+s10+$0x0], $0xffff  }
0x1ff: {  	v62 =	vor.u32 v26, v32;
	_ =	sdelay $0x3  }
0x200: {  	[tilespmem:v25+s18+$0x0] =	vst.idx.msk $0xffff, v33  }
0x201: {  	v33 =	vld.idx.msk [tilespmem:v62+s10+$0x0], $0xffff  }
0x202: {  	v63 =	vor.u32 v28, v32;
	_ =	sdelay $0x3  }
0x203: {  	[tilespmem:v27+s18+$0x0] =	vst.idx.msk $0xffff, v33  }
0x204: {  	v33 =	vld.idx.msk [tilespmem:v63+s10+$0x0], $0xffff  }
0x205: {  	v32 =	vor.u32 v30, v32;
	_ =	sdelay $0x3  }
0x206: {  	[tilespmem:v29+s18+$0x0] =	vst.idx.msk $0xffff, v33  }
0x207: {  	p0 =	sne.s32 s17, $0x100;
	v32 =	vld.idx.msk [tilespmem:v32+s10+$0x0], $0xffff  }
.Ltmp1:
0x208: {  	_ = 	snop;
	(pc) =	sbr.rel @p0 .LBB2_4-.Ltmp1, $2  }
0x209: {  	_ =	sdelay $0x2  }
0x20a: {  	s17 =	sadd.s32 $0x100, s17;
	[tilespmem:v31+s18+$0x0] =	vst.idx.msk $0xffff, v32;
	s18 =	sadd.s32 $0x400, s18  }
0x20b: {  	s17 =	simm.s32 $0x0;
	s18 =	simm.s32 $0x1580  }
0x20c: {  	[hbm4b:s6+s17] =	stream.linear.scatter [tilespmem:s13], [sflag:$0x1], $0x800, $0x38;
	[tilespmem:$0x2280] =	vst v63  }
.LBB2_6:
0x20d: {  	s19 =	sshra.s32 s17, $0x2  }
0x20e: {  	v32 =	vld [tilespmem:s19+$0x100];
	_ =	sdelay $0x4  }
0x20f: {  	v32 =	vshll.u32 v32, $0x4  }
0x210: {  	v33 =	vor.u32 v0, v32;
	_ =	sdelay $0x4  }
0x211: {  	v33 =	vld.idx.msk [tilespmem:v33+s10+$0x0], $0xffff  }
0x212: {  	v34 =	vor.u32 v2, v32;
	_ =	sdelay $0x3  }
0x213: {  	[tilespmem:v1+s18+$0xFFFFFD00] =	vst.idx.msk $0xffff, v33  }
0x214: {  	v33 =	vld.idx.msk [tilespmem:v34+s10+$0x0], $0xffff  }
0x215: {  	v62 =	vor.u32 v5, v32;
	_ =	sdelay $0x3  }
0x216: {  	[tilespmem:v3+s18+$0xFFFFFD00] =	vst.idx.msk $0xffff, v33  }
0x217: {  	v33 =	vld.idx.msk [tilespmem:v62+s10+$0x0], $0xffff  }
0x218: {  	v63 =	vor.u32 v7, v32;
	_ =	sdelay $0x3  }
0x219: {  	[tilespmem:v6+s18+$0xFFFFFD00] =	vst.idx.msk $0xffff, v33  }
0x21a: {  	v33 =	vld.idx.msk [tilespmem:v63+s10+$0x0], $0xffff  }
0x21b: {  	v36 =	vor.u32 v9, v32;
	_ =	sdelay $0x3  }
0x21c: {  	[tilespmem:v8+s18+$0xFFFFFD00] =	vst.idx.msk $0xffff, v33  }
0x21d: {  	v33 =	vld.idx.msk [tilespmem:v36+s10+$0x0], $0xffff  }
0x21e: {  	v37 =	vor.u32 v11, v32;
	_ =	sdelay $0x3  }
0x21f: {  	[tilespmem:v10+s18+$0xFFFFFD00] =	vst.idx.msk $0xffff, v33  }
0x220: {  	v33 =	vld.idx.msk [tilespmem:v37+s10+$0x0], $0xffff  }
0x221: {  	v38 =	vor.u32 v13, v32;
	_ =	sdelay $0x3  }
0x222: {  	[tilespmem:v12+s18+$0xFFFFFD00] =	vst.idx.msk $0xffff, v33  }
0x223: {  	v33 =	vld.idx.msk [tilespmem:v38+s10+$0x0], $0xffff  }
0x224: {  	v39 =	vor.u32 v15, v32;
	_ =	sdelay $0x3  }
0x225: {  	[tilespmem:v14+s18+$0xFFFFFD00] =	vst.idx.msk $0xffff, v33  }
0x226: {  	v33 =	vld.idx.msk [tilespmem:v39+s10+$0x0], $0xffff  }
0x227: {  	v40 =	vor.u32 v4, v32;
	_ =	sdelay $0x3  }
0x228: {  	[tilespmem:v16+s18+$0xFFFFFD00] =	vst.idx.msk $0xffff, v33  }
0x229: {  	v33 =	vld.idx.msk [tilespmem:v40+s10+$0x0], $0xffff  }
0x22a: {  	v41 =	vor.u32 v18, v32;
	_ =	sdelay $0x3  }
0x22b: {  	[tilespmem:v17+s18+$0xFFFFFD00] =	vst.idx.msk $0xffff, v33  }
0x22c: {  	v33 =	vld.idx.msk [tilespmem:v41+s10+$0x0], $0xffff  }
0x22d: {  	v42 =	vor.u32 v20, v32;
	_ =	sdelay $0x3  }
0x22e: {  	[tilespmem:v19+s18+$0xFFFFFD00] =	vst.idx.msk $0xffff, v33  }
0x22f: {  	v33 =	vld.idx.msk [tilespmem:v42+s10+$0x0], $0xffff  }
0x230: {  	v43 =	vor.u32 v22, v32;
	_ =	sdelay $0x3  }
0x231: {  	[tilespmem:v21+s18+$0xFFFFFD00] =	vst.idx.msk $0xffff, v33  }
0x232: {  	v33 =	vld.idx.msk [tilespmem:v43+s10+$0x0], $0xffff  }
0x233: {  	v44 =	vor.u32 v24, v32;
	_ =	sdelay $0x3  }
0x234: {  	[tilespmem:v23+s18+$0xFFFFFD00] =	vst.idx.msk $0xffff, v33  }
0x235: {  	v33 =	vld.idx.msk [tilespmem:v44+s10+$0x0], $0xffff  }
0x236: {  	v45 =	vor.u32 v26, v32;
	_ =	sdelay $0x3  }
0x237: {  	[tilespmem:v25+s18+$0xFFFFFD00] =	vst.idx.msk $0xffff, v33  }
0x238: {  	v33 =	vld.idx.msk [tilespmem:v45+s10+$0x0], $0xffff  }
0x239: {  	v46 =	vor.u32 v28, v32;
	_ =	sdelay $0x3  }
0x23a: {  	[tilespmem:v27+s18+$0xFFFFFD00] =	vst.idx.msk $0xffff, v33  }
0x23b: {  	v33 =	vld.idx.msk [tilespmem:v46+s10+$0x0], $0xffff  }
0x23c: {  	v32 =	vor.u32 v30, v32;
	_ =	sdelay $0x3  }
0x23d: {  	[tilespmem:v29+s18+$0xFFFFFD00] =	vst.idx.msk $0xffff, v33  }
0x23e: {  	v32 =	vld.idx.msk [tilespmem:v32+s10+$0x0], $0xffff;
	_ =	sdelay $0x4  }
0x23f: {  	[tilespmem:v31+s18+$0xFFFFFD00] =	vst.idx.msk $0xffff, v32  }
0x240: {  	v32 =	vld [tilespmem:s19+$0x110];
	_ =	sdelay $0x4  }
0x241: {  	v32 =	vshll.u32 v32, $0x4  }
0x242: {  	v47 =	vor.u32 v0, v32;
	_ =	sdelay $0x4  }
0x243: {  	v33 =	vld.idx.msk [tilespmem:v47+s10+$0x0], $0xffff  }
0x244: {  	v48 =	vor.u32 v2, v32;
	_ =	sdelay $0x3  }
0x245: {  	[tilespmem:v1+s18+$0xFFFFFE00] =	vst.idx.msk $0xffff, v33  }
0x246: {  	v33 =	vld.idx.msk [tilespmem:v48+s10+$0x0], $0xffff  }
0x247: {  	v49 =	vor.u32 v5, v32;
	_ =	sdelay $0x3  }
0x248: {  	[tilespmem:v3+s18+$0xFFFFFE00] =	vst.idx.msk $0xffff, v33  }
0x249: {  	v33 =	vld.idx.msk [tilespmem:v49+s10+$0x0], $0xffff  }
0x24a: {  	v50 =	vor.u32 v7, v32;
	_ =	sdelay $0x3  }
0x24b: {  	[tilespmem:v6+s18+$0xFFFFFE00] =	vst.idx.msk $0xffff, v33  }
0x24c: {  	v33 =	vld.idx.msk [tilespmem:v50+s10+$0x0], $0xffff  }
0x24d: {  	v51 =	vor.u32 v9, v32;
	_ =	sdelay $0x3  }
0x24e: {  	[tilespmem:v8+s18+$0xFFFFFE00] =	vst.idx.msk $0xffff, v33  }
0x24f: {  	v33 =	vld.idx.msk [tilespmem:v51+s10+$0x0], $0xffff  }
0x250: {  	v52 =	vor.u32 v11, v32;
	_ =	sdelay $0x3  }
0x251: {  	[tilespmem:v10+s18+$0xFFFFFE00] =	vst.idx.msk $0xffff, v33  }
0x252: {  	v33 =	vld.idx.msk [tilespmem:v52+s10+$0x0], $0xffff  }
0x253: {  	v53 =	vor.u32 v13, v32;
	_ =	sdelay $0x3  }
0x254: {  	[tilespmem:v12+s18+$0xFFFFFE00] =	vst.idx.msk $0xffff, v33  }
0x255: {  	v33 =	vld.idx.msk [tilespmem:v53+s10+$0x0], $0xffff  }
0x256: {  	v54 =	vor.u32 v15, v32;
	_ =	sdelay $0x3  }
0x257: {  	[tilespmem:v14+s18+$0xFFFFFE00] =	vst.idx.msk $0xffff, v33  }
0x258: {  	v33 =	vld.idx.msk [tilespmem:v54+s10+$0x0], $0xffff  }
0x259: {  	v55 =	vor.u32 v4, v32;
	_ =	sdelay $0x3  }
0x25a: {  	[tilespmem:v16+s18+$0xFFFFFE00] =	vst.idx.msk $0xffff, v33  }
0x25b: {  	v33 =	vld.idx.msk [tilespmem:v55+s10+$0x0], $0xffff  }
0x25c: {  	v56 =	vor.u32 v18, v32;
	_ =	sdelay $0x3  }
0x25d: {  	[tilespmem:v17+s18+$0xFFFFFE00] =	vst.idx.msk $0xffff, v33  }
0x25e: {  	v33 =	vld.idx.msk [tilespmem:v56+s10+$0x0], $0xffff  }
0x25f: {  	v57 =	vor.u32 v20, v32;
	_ =	sdelay $0x3  }
0x260: {  	[tilespmem:v19+s18+$0xFFFFFE00] =	vst.idx.msk $0xffff, v33  }
0x261: {  	v33 =	vld.idx.msk [tilespmem:v57+s10+$0x0], $0xffff  }
0x262: {  	v58 =	vor.u32 v22, v32;
	_ =	sdelay $0x3  }
0x263: {  	[tilespmem:v21+s18+$0xFFFFFE00] =	vst.idx.msk $0xffff, v33  }
0x264: {  	v33 =	vld.idx.msk [tilespmem:v58+s10+$0x0], $0xffff  }
0x265: {  	v59 =	vor.u32 v24, v32;
	_ =	sdelay $0x3  }
0x266: {  	[tilespmem:v23+s18+$0xFFFFFE00] =	vst.idx.msk $0xffff, v33  }
0x267: {  	v33 =	vld.idx.msk [tilespmem:v59+s10+$0x0], $0xffff  }
0x268: {  	v60 =	vor.u32 v26, v32;
	_ =	sdelay $0x3  }
0x269: {  	[tilespmem:v25+s18+$0xFFFFFE00] =	vst.idx.msk $0xffff, v33  }
0x26a: {  	v33 =	vld.idx.msk [tilespmem:v60+s10+$0x0], $0xffff  }
0x26b: {  	v61 =	vor.u32 v28, v32;
	_ =	sdelay $0x3  }
0x26c: {  	[tilespmem:v27+s18+$0xFFFFFE00] =	vst.idx.msk $0xffff, v33  }
0x26d: {  	v33 =	vld.idx.msk [tilespmem:v61+s10+$0x0], $0xffff  }
0x26e: {  	v32 =	vor.u32 v30, v32;
	_ =	sdelay $0x3  }
0x26f: {  	[tilespmem:v29+s18+$0xFFFFFE00] =	vst.idx.msk $0xffff, v33  }
0x270: {  	v32 =	vld.idx.msk [tilespmem:v32+s10+$0x0], $0xffff;
	_ =	sdelay $0x4  }
0x271: {  	[tilespmem:v31+s18+$0xFFFFFE00] =	vst.idx.msk $0xffff, v32  }
0x272: {  	v32 =	vld [tilespmem:s19+$0x120];
	_ =	sdelay $0x4  }
0x273: {  	v32 =	vshll.u32 v32, $0x4  }
0x274: {  	v62 =	vor.u32 v0, v32;
	_ =	sdelay $0x4  }
0x275: {  	v33 =	vld.idx.msk [tilespmem:v62+s10+$0x0], $0xffff  }
0x276: {  	v63 =	vor.u32 v2, v32;
	_ =	sdelay $0x3  }
0x277: {  	[tilespmem:v1+s18+$0xFFFFFF00] =	vst.idx.msk $0xffff, v33  }
0x278: {  	v33 =	vld.idx.msk [tilespmem:v63+s10+$0x0], $0xffff  }
0x279: {  	v36 =	vor.u32 v5, v32;
	_ =	sdelay $0x3  }
0x27a: {  	[tilespmem:v3+s18+$0xFFFFFF00] =	vst.idx.msk $0xffff, v33  }
0x27b: {  	v33 =	vld.idx.msk [tilespmem:v36+s10+$0x0], $0xffff  }
0x27c: {  	v37 =	vor.u32 v7, v32;
	_ =	sdelay $0x3  }
0x27d: {  	[tilespmem:v6+s18+$0xFFFFFF00] =	vst.idx.msk $0xffff, v33  }
0x27e: {  	v33 =	vld.idx.msk [tilespmem:v37+s10+$0x0], $0xffff  }
0x27f: {  	v38 =	vor.u32 v9, v32;
	_ =	sdelay $0x3  }
0x280: {  	[tilespmem:v8+s18+$0xFFFFFF00] =	vst.idx.msk $0xffff, v33  }
0x281: {  	v33 =	vld.idx.msk [tilespmem:v38+s10+$0x0], $0xffff  }
0x282: {  	v39 =	vor.u32 v11, v32;
	_ =	sdelay $0x3  }
0x283: {  	[tilespmem:v10+s18+$0xFFFFFF00] =	vst.idx.msk $0xffff, v33  }
0x284: {  	v33 =	vld.idx.msk [tilespmem:v39+s10+$0x0], $0xffff  }
0x285: {  	v40 =	vor.u32 v13, v32;
	_ =	sdelay $0x3  }
0x286: {  	[tilespmem:v12+s18+$0xFFFFFF00] =	vst.idx.msk $0xffff, v33  }
0x287: {  	v33 =	vld.idx.msk [tilespmem:v40+s10+$0x0], $0xffff  }
0x288: {  	v41 =	vor.u32 v15, v32;
	_ =	sdelay $0x3  }
0x289: {  	[tilespmem:v14+s18+$0xFFFFFF00] =	vst.idx.msk $0xffff, v33  }
0x28a: {  	v33 =	vld.idx.msk [tilespmem:v41+s10+$0x0], $0xffff  }
0x28b: {  	v42 =	vor.u32 v4, v32;
	_ =	sdelay $0x3  }
0x28c: {  	[tilespmem:v16+s18+$0xFFFFFF00] =	vst.idx.msk $0xffff, v33  }
0x28d: {  	v33 =	vld.idx.msk [tilespmem:v42+s10+$0x0], $0xffff  }
0x28e: {  	v43 =	vor.u32 v18, v32;
	_ =	sdelay $0x3  }
0x28f: {  	[tilespmem:v17+s18+$0xFFFFFF00] =	vst.idx.msk $0xffff, v33  }
0x290: {  	v33 =	vld.idx.msk [tilespmem:v43+s10+$0x0], $0xffff  }
0x291: {  	v44 =	vor.u32 v20, v32;
	_ =	sdelay $0x3  }
0x292: {  	[tilespmem:v19+s18+$0xFFFFFF00] =	vst.idx.msk $0xffff, v33  }
0x293: {  	v33 =	vld.idx.msk [tilespmem:v44+s10+$0x0], $0xffff  }
0x294: {  	v45 =	vor.u32 v22, v32;
	_ =	sdelay $0x3  }
0x295: {  	[tilespmem:v21+s18+$0xFFFFFF00] =	vst.idx.msk $0xffff, v33  }
0x296: {  	v33 =	vld.idx.msk [tilespmem:v45+s10+$0x0], $0xffff  }
0x297: {  	v46 =	vor.u32 v24, v32;
	_ =	sdelay $0x3  }
0x298: {  	[tilespmem:v23+s18+$0xFFFFFF00] =	vst.idx.msk $0xffff, v33  }
0x299: {  	v33 =	vld.idx.msk [tilespmem:v46+s10+$0x0], $0xffff  }
0x29a: {  	v47 =	vor.u32 v26, v32;
	_ =	sdelay $0x3  }
0x29b: {  	[tilespmem:v25+s18+$0xFFFFFF00] =	vst.idx.msk $0xffff, v33  }
0x29c: {  	v33 =	vld.idx.msk [tilespmem:v47+s10+$0x0], $0xffff  }
0x29d: {  	v48 =	vor.u32 v28, v32;
	_ =	sdelay $0x3  }
0x29e: {  	[tilespmem:v27+s18+$0xFFFFFF00] =	vst.idx.msk $0xffff, v33  }
0x29f: {  	v33 =	vld.idx.msk [tilespmem:v48+s10+$0x0], $0xffff  }
0x2a0: {  	v32 =	vor.u32 v30, v32;
	_ =	sdelay $0x3  }
0x2a1: {  	[tilespmem:v29+s18+$0xFFFFFF00] =	vst.idx.msk $0xffff, v33  }
0x2a2: {  	v32 =	vld.idx.msk [tilespmem:v32+s10+$0x0], $0xffff;
	_ =	sdelay $0x4  }
0x2a3: {  	[tilespmem:v31+s18+$0xFFFFFF00] =	vst.idx.msk $0xffff, v32  }
0x2a4: {  	v32 =	vld [tilespmem:s19+$0x130];
	_ =	sdelay $0x4  }
0x2a5: {  	v32 =	vshll.u32 v32, $0x4  }
0x2a6: {  	v49 =	vor.u32 v0, v32;
	_ =	sdelay $0x4  }
0x2a7: {  	v33 =	vld.idx.msk [tilespmem:v49+s10+$0x0], $0xffff  }
0x2a8: {  	v50 =	vor.u32 v2, v32;
	_ =	sdelay $0x3  }
0x2a9: {  	[tilespmem:v1+s18+$0x0] =	vst.idx.msk $0xffff, v33  }
0x2aa: {  	v33 =	vld.idx.msk [tilespmem:v50+s10+$0x0], $0xffff  }
0x2ab: {  	v51 =	vor.u32 v5, v32;
	_ =	sdelay $0x3  }
0x2ac: {  	[tilespmem:v3+s18+$0x0] =	vst.idx.msk $0xffff, v33  }
0x2ad: {  	v33 =	vld.idx.msk [tilespmem:v51+s10+$0x0], $0xffff  }
0x2ae: {  	v52 =	vor.u32 v7, v32;
	_ =	sdelay $0x3  }
0x2af: {  	[tilespmem:v6+s18+$0x0] =	vst.idx.msk $0xffff, v33  }
0x2b0: {  	v33 =	vld.idx.msk [tilespmem:v52+s10+$0x0], $0xffff  }
0x2b1: {  	v53 =	vor.u32 v9, v32;
	_ =	sdelay $0x3  }
0x2b2: {  	[tilespmem:v8+s18+$0x0] =	vst.idx.msk $0xffff, v33  }
0x2b3: {  	v33 =	vld.idx.msk [tilespmem:v53+s10+$0x0], $0xffff  }
0x2b4: {  	v54 =	vor.u32 v11, v32;
	_ =	sdelay $0x3  }
0x2b5: {  	[tilespmem:v10+s18+$0x0] =	vst.idx.msk $0xffff, v33  }
0x2b6: {  	v33 =	vld.idx.msk [tilespmem:v54+s10+$0x0], $0xffff  }
0x2b7: {  	v55 =	vor.u32 v13, v32;
	_ =	sdelay $0x3  }
0x2b8: {  	[tilespmem:v12+s18+$0x0] =	vst.idx.msk $0xffff, v33  }
0x2b9: {  	v33 =	vld.idx.msk [tilespmem:v55+s10+$0x0], $0xffff  }
0x2ba: {  	v56 =	vor.u32 v15, v32;
	_ =	sdelay $0x3  }
0x2bb: {  	[tilespmem:v14+s18+$0x0] =	vst.idx.msk $0xffff, v33  }
0x2bc: {  	v33 =	vld.idx.msk [tilespmem:v56+s10+$0x0], $0xffff  }
0x2bd: {  	v57 =	vor.u32 v4, v32;
	_ =	sdelay $0x3  }
0x2be: {  	[tilespmem:v16+s18+$0x0] =	vst.idx.msk $0xffff, v33  }
0x2bf: {  	v33 =	vld.idx.msk [tilespmem:v57+s10+$0x0], $0xffff  }
0x2c0: {  	v58 =	vor.u32 v18, v32;
	_ =	sdelay $0x3  }
0x2c1: {  	[tilespmem:v17+s18+$0x0] =	vst.idx.msk $0xffff, v33  }
0x2c2: {  	v33 =	vld.idx.msk [tilespmem:v58+s10+$0x0], $0xffff  }
0x2c3: {  	v59 =	vor.u32 v20, v32;
	_ =	sdelay $0x3  }
0x2c4: {  	[tilespmem:v19+s18+$0x0] =	vst.idx.msk $0xffff, v33  }
0x2c5: {  	v33 =	vld.idx.msk [tilespmem:v59+s10+$0x0], $0xffff  }
0x2c6: {  	v60 =	vor.u32 v22, v32;
	_ =	sdelay $0x3  }
0x2c7: {  	[tilespmem:v21+s18+$0x0] =	vst.idx.msk $0xffff, v33  }
0x2c8: {  	v33 =	vld.idx.msk [tilespmem:v60+s10+$0x0], $0xffff  }
0x2c9: {  	v61 =	vor.u32 v24, v32;
	_ =	sdelay $0x3  }
0x2ca: {  	[tilespmem:v23+s18+$0x0] =	vst.idx.msk $0xffff, v33  }
0x2cb: {  	v33 =	vld.idx.msk [tilespmem:v61+s10+$0x0], $0xffff  }
0x2cc: {  	v62 =	vor.u32 v26, v32;
	_ =	sdelay $0x3  }
0x2cd: {  	[tilespmem:v25+s18+$0x0] =	vst.idx.msk $0xffff, v33  }
0x2ce: {  	v33 =	vld.idx.msk [tilespmem:v62+s10+$0x0], $0xffff  }
0x2cf: {  	v63 =	vor.u32 v28, v32;
	_ =	sdelay $0x3  }
0x2d0: {  	[tilespmem:v27+s18+$0x0] =	vst.idx.msk $0xffff, v33  }
0x2d1: {  	v33 =	vld.idx.msk [tilespmem:v63+s10+$0x0], $0xffff  }
0x2d2: {  	v32 =	vor.u32 v30, v32;
	_ =	sdelay $0x3  }
0x2d3: {  	[tilespmem:v29+s18+$0x0] =	vst.idx.msk $0xffff, v33  }
0x2d4: {  	p0 =	sne.s32 s17, $0x100;
	v32 =	vld.idx.msk [tilespmem:v32+s10+$0x0], $0xffff  }
.Ltmp2:
0x2d5: {  	_ = 	snop;
	(pc) =	sbr.rel @p0 .LBB2_6-.Ltmp2, $2  }
0x2d6: {  	_ =	sdelay $0x2  }
0x2d7: {  	s17 =	sadd.s32 $0x100, s17;
	[tilespmem:v31+s18+$0x0] =	vst.idx.msk $0xffff, v32;
	s18 =	sadd.s32 $0x400, s18  }
0x2d8: {  	s17 =	simm.s32 $0x0;
	s18 =	simm.s32 $0x1D80  }
0x2d9: {  	[hbm4b:s7+s17] =	stream.linear.scatter [tilespmem:s14], [sflag:$0x1], $0x800, $0x38;
	[tilespmem:$0x2280] =	vst v63  }
.LBB2_8:
0x2da: {  	s19 =	sshra.s32 s17, $0x2  }
0x2db: {  	v32 =	vld [tilespmem:s19+$0x180];
	_ =	sdelay $0x4  }
0x2dc: {  	v32 =	vshll.u32 v32, $0x4  }
0x2dd: {  	v33 =	vor.u32 v0, v32;
	_ =	sdelay $0x4  }
0x2de: {  	v33 =	vld.idx.msk [tilespmem:v33+s10+$0x0], $0xffff  }
0x2df: {  	v34 =	vor.u32 v2, v32;
	_ =	sdelay $0x3  }
0x2e0: {  	[tilespmem:v1+s18+$0xFFFFFD00] =	vst.idx.msk $0xffff, v33  }
0x2e1: {  	v33 =	vld.idx.msk [tilespmem:v34+s10+$0x0], $0xffff  }
0x2e2: {  	v62 =	vor.u32 v5, v32;
	_ =	sdelay $0x3  }
0x2e3: {  	[tilespmem:v3+s18+$0xFFFFFD00] =	vst.idx.msk $0xffff, v33  }
0x2e4: {  	v33 =	vld.idx.msk [tilespmem:v62+s10+$0x0], $0xffff  }
0x2e5: {  	v63 =	vor.u32 v7, v32;
	_ =	sdelay $0x3  }
0x2e6: {  	[tilespmem:v6+s18+$0xFFFFFD00] =	vst.idx.msk $0xffff, v33  }
0x2e7: {  	v33 =	vld.idx.msk [tilespmem:v63+s10+$0x0], $0xffff  }
0x2e8: {  	v36 =	vor.u32 v9, v32;
	_ =	sdelay $0x3  }
0x2e9: {  	[tilespmem:v8+s18+$0xFFFFFD00] =	vst.idx.msk $0xffff, v33  }
0x2ea: {  	v33 =	vld.idx.msk [tilespmem:v36+s10+$0x0], $0xffff  }
0x2eb: {  	v37 =	vor.u32 v11, v32;
	_ =	sdelay $0x3  }
0x2ec: {  	[tilespmem:v10+s18+$0xFFFFFD00] =	vst.idx.msk $0xffff, v33  }
0x2ed: {  	v33 =	vld.idx.msk [tilespmem:v37+s10+$0x0], $0xffff  }
0x2ee: {  	v38 =	vor.u32 v13, v32;
	_ =	sdelay $0x3  }
0x2ef: {  	[tilespmem:v12+s18+$0xFFFFFD00] =	vst.idx.msk $0xffff, v33  }
0x2f0: {  	v33 =	vld.idx.msk [tilespmem:v38+s10+$0x0], $0xffff  }
0x2f1: {  	v39 =	vor.u32 v15, v32;
	_ =	sdelay $0x3  }
0x2f2: {  	[tilespmem:v14+s18+$0xFFFFFD00] =	vst.idx.msk $0xffff, v33  }
0x2f3: {  	v33 =	vld.idx.msk [tilespmem:v39+s10+$0x0], $0xffff  }
0x2f4: {  	v40 =	vor.u32 v4, v32;
	_ =	sdelay $0x3  }
0x2f5: {  	[tilespmem:v16+s18+$0xFFFFFD00] =	vst.idx.msk $0xffff, v33  }
0x2f6: {  	v33 =	vld.idx.msk [tilespmem:v40+s10+$0x0], $0xffff  }
0x2f7: {  	v41 =	vor.u32 v18, v32;
	_ =	sdelay $0x3  }
0x2f8: {  	[tilespmem:v17+s18+$0xFFFFFD00] =	vst.idx.msk $0xffff, v33  }
0x2f9: {  	v33 =	vld.idx.msk [tilespmem:v41+s10+$0x0], $0xffff  }
0x2fa: {  	v42 =	vor.u32 v20, v32;
	_ =	sdelay $0x3  }
0x2fb: {  	[tilespmem:v19+s18+$0xFFFFFD00] =	vst.idx.msk $0xffff, v33  }
0x2fc: {  	v33 =	vld.idx.msk [tilespmem:v42+s10+$0x0], $0xffff  }
0x2fd: {  	v43 =	vor.u32 v22, v32;
	_ =	sdelay $0x3  }
0x2fe: {  	[tilespmem:v21+s18+$0xFFFFFD00] =	vst.idx.msk $0xffff, v33  }
0x2ff: {  	v33 =	vld.idx.msk [tilespmem:v43+s10+$0x0], $0xffff  }
0x300: {  	v44 =	vor.u32 v24, v32;
	_ =	sdelay $0x3  }
0x301: {  	[tilespmem:v23+s18+$0xFFFFFD00] =	vst.idx.msk $0xffff, v33  }
0x302: {  	v33 =	vld.idx.msk [tilespmem:v44+s10+$0x0], $0xffff  }
0x303: {  	v45 =	vor.u32 v26, v32;
	_ =	sdelay $0x3  }
0x304: {  	[tilespmem:v25+s18+$0xFFFFFD00] =	vst.idx.msk $0xffff, v33  }
0x305: {  	v33 =	vld.idx.msk [tilespmem:v45+s10+$0x0], $0xffff  }
0x306: {  	v46 =	vor.u32 v28, v32;
	_ =	sdelay $0x3  }
0x307: {  	[tilespmem:v27+s18+$0xFFFFFD00] =	vst.idx.msk $0xffff, v33  }
0x308: {  	v33 =	vld.idx.msk [tilespmem:v46+s10+$0x0], $0xffff  }
0x309: {  	v32 =	vor.u32 v30, v32;
	_ =	sdelay $0x3  }
0x30a: {  	[tilespmem:v29+s18+$0xFFFFFD00] =	vst.idx.msk $0xffff, v33  }
0x30b: {  	v32 =	vld.idx.msk [tilespmem:v32+s10+$0x0], $0xffff;
	_ =	sdelay $0x4  }
0x30c: {  	[tilespmem:v31+s18+$0xFFFFFD00] =	vst.idx.msk $0xffff, v32  }
0x30d: {  	v32 =	vld [tilespmem:s19+$0x190];
	_ =	sdelay $0x4  }
0x30e: {  	v32 =	vshll.u32 v32, $0x4  }
0x30f: {  	v47 =	vor.u32 v0, v32;
	_ =	sdelay $0x4  }
0x310: {  	v33 =	vld.idx.msk [tilespmem:v47+s10+$0x0], $0xffff  }
0x311: {  	v48 =	vor.u32 v2, v32;
	_ =	sdelay $0x3  }
0x312: {  	[tilespmem:v1+s18+$0xFFFFFE00] =	vst.idx.msk $0xffff, v33  }
0x313: {  	v33 =	vld.idx.msk [tilespmem:v48+s10+$0x0], $0xffff  }
0x314: {  	v49 =	vor.u32 v5, v32;
	_ =	sdelay $0x3  }
0x315: {  	[tilespmem:v3+s18+$0xFFFFFE00] =	vst.idx.msk $0xffff, v33  }
0x316: {  	v33 =	vld.idx.msk [tilespmem:v49+s10+$0x0], $0xffff  }
0x317: {  	v50 =	vor.u32 v7, v32;
	_ =	sdelay $0x3  }
0x318: {  	[tilespmem:v6+s18+$0xFFFFFE00] =	vst.idx.msk $0xffff, v33  }
0x319: {  	v33 =	vld.idx.msk [tilespmem:v50+s10+$0x0], $0xffff  }
0x31a: {  	v51 =	vor.u32 v9, v32;
	_ =	sdelay $0x3  }
0x31b: {  	[tilespmem:v8+s18+$0xFFFFFE00] =	vst.idx.msk $0xffff, v33  }
0x31c: {  	v33 =	vld.idx.msk [tilespmem:v51+s10+$0x0], $0xffff  }
0x31d: {  	v52 =	vor.u32 v11, v32;
	_ =	sdelay $0x3  }
0x31e: {  	[tilespmem:v10+s18+$0xFFFFFE00] =	vst.idx.msk $0xffff, v33  }
0x31f: {  	v33 =	vld.idx.msk [tilespmem:v52+s10+$0x0], $0xffff  }
0x320: {  	v53 =	vor.u32 v13, v32;
	_ =	sdelay $0x3  }
0x321: {  	[tilespmem:v12+s18+$0xFFFFFE00] =	vst.idx.msk $0xffff, v33  }
0x322: {  	v33 =	vld.idx.msk [tilespmem:v53+s10+$0x0], $0xffff  }
0x323: {  	v54 =	vor.u32 v15, v32;
	_ =	sdelay $0x3  }
0x324: {  	[tilespmem:v14+s18+$0xFFFFFE00] =	vst.idx.msk $0xffff, v33  }
0x325: {  	v33 =	vld.idx.msk [tilespmem:v54+s10+$0x0], $0xffff  }
0x326: {  	v55 =	vor.u32 v4, v32;
	_ =	sdelay $0x3  }
0x327: {  	[tilespmem:v16+s18+$0xFFFFFE00] =	vst.idx.msk $0xffff, v33  }
0x328: {  	v33 =	vld.idx.msk [tilespmem:v55+s10+$0x0], $0xffff  }
0x329: {  	v56 =	vor.u32 v18, v32;
	_ =	sdelay $0x3  }
0x32a: {  	[tilespmem:v17+s18+$0xFFFFFE00] =	vst.idx.msk $0xffff, v33  }
0x32b: {  	v33 =	vld.idx.msk [tilespmem:v56+s10+$0x0], $0xffff  }
0x32c: {  	v57 =	vor.u32 v20, v32;
	_ =	sdelay $0x3  }
0x32d: {  	[tilespmem:v19+s18+$0xFFFFFE00] =	vst.idx.msk $0xffff, v33  }
0x32e: {  	v33 =	vld.idx.msk [tilespmem:v57+s10+$0x0], $0xffff  }
0x32f: {  	v58 =	vor.u32 v22, v32;
	_ =	sdelay $0x3  }
0x330: {  	[tilespmem:v21+s18+$0xFFFFFE00] =	vst.idx.msk $0xffff, v33  }
0x331: {  	v33 =	vld.idx.msk [tilespmem:v58+s10+$0x0], $0xffff  }
0x332: {  	v59 =	vor.u32 v24, v32;
	_ =	sdelay $0x3  }
0x333: {  	[tilespmem:v23+s18+$0xFFFFFE00] =	vst.idx.msk $0xffff, v33  }
0x334: {  	v33 =	vld.idx.msk [tilespmem:v59+s10+$0x0], $0xffff  }
0x335: {  	v60 =	vor.u32 v26, v32;
	_ =	sdelay $0x3  }
0x336: {  	[tilespmem:v25+s18+$0xFFFFFE00] =	vst.idx.msk $0xffff, v33  }
0x337: {  	v33 =	vld.idx.msk [tilespmem:v60+s10+$0x0], $0xffff  }
0x338: {  	v61 =	vor.u32 v28, v32;
	_ =	sdelay $0x3  }
0x339: {  	[tilespmem:v27+s18+$0xFFFFFE00] =	vst.idx.msk $0xffff, v33  }
0x33a: {  	v33 =	vld.idx.msk [tilespmem:v61+s10+$0x0], $0xffff  }
0x33b: {  	v32 =	vor.u32 v30, v32;
	_ =	sdelay $0x3  }
0x33c: {  	[tilespmem:v29+s18+$0xFFFFFE00] =	vst.idx.msk $0xffff, v33  }
0x33d: {  	v32 =	vld.idx.msk [tilespmem:v32+s10+$0x0], $0xffff;
	_ =	sdelay $0x4  }
0x33e: {  	[tilespmem:v31+s18+$0xFFFFFE00] =	vst.idx.msk $0xffff, v32  }
0x33f: {  	v32 =	vld [tilespmem:s19+$0x1A0];
	_ =	sdelay $0x4  }
0x340: {  	v32 =	vshll.u32 v32, $0x4  }
0x341: {  	v62 =	vor.u32 v0, v32;
	_ =	sdelay $0x4  }
0x342: {  	v33 =	vld.idx.msk [tilespmem:v62+s10+$0x0], $0xffff  }
0x343: {  	v63 =	vor.u32 v2, v32;
	_ =	sdelay $0x3  }
0x344: {  	[tilespmem:v1+s18+$0xFFFFFF00] =	vst.idx.msk $0xffff, v33  }
0x345: {  	v33 =	vld.idx.msk [tilespmem:v63+s10+$0x0], $0xffff  }
0x346: {  	v36 =	vor.u32 v5, v32;
	_ =	sdelay $0x3  }
0x347: {  	[tilespmem:v3+s18+$0xFFFFFF00] =	vst.idx.msk $0xffff, v33  }
0x348: {  	v33 =	vld.idx.msk [tilespmem:v36+s10+$0x0], $0xffff  }
0x349: {  	v37 =	vor.u32 v7, v32;
	_ =	sdelay $0x3  }
0x34a: {  	[tilespmem:v6+s18+$0xFFFFFF00] =	vst.idx.msk $0xffff, v33  }
0x34b: {  	v33 =	vld.idx.msk [tilespmem:v37+s10+$0x0], $0xffff  }
0x34c: {  	v38 =	vor.u32 v9, v32;
	_ =	sdelay $0x3  }
0x34d: {  	[tilespmem:v8+s18+$0xFFFFFF00] =	vst.idx.msk $0xffff, v33  }
0x34e: {  	v33 =	vld.idx.msk [tilespmem:v38+s10+$0x0], $0xffff  }
0x34f: {  	v39 =	vor.u32 v11, v32;
	_ =	sdelay $0x3  }
0x350: {  	[tilespmem:v10+s18+$0xFFFFFF00] =	vst.idx.msk $0xffff, v33  }
0x351: {  	v33 =	vld.idx.msk [tilespmem:v39+s10+$0x0], $0xffff  }
0x352: {  	v40 =	vor.u32 v13, v32;
	_ =	sdelay $0x3  }
0x353: {  	[tilespmem:v12+s18+$0xFFFFFF00] =	vst.idx.msk $0xffff, v33  }
0x354: {  	v33 =	vld.idx.msk [tilespmem:v40+s10+$0x0], $0xffff  }
0x355: {  	v41 =	vor.u32 v15, v32;
	_ =	sdelay $0x3  }
0x356: {  	[tilespmem:v14+s18+$0xFFFFFF00] =	vst.idx.msk $0xffff, v33  }
0x357: {  	v33 =	vld.idx.msk [tilespmem:v41+s10+$0x0], $0xffff  }
0x358: {  	v42 =	vor.u32 v4, v32;
	_ =	sdelay $0x3  }
0x359: {  	[tilespmem:v16+s18+$0xFFFFFF00] =	vst.idx.msk $0xffff, v33  }
0x35a: {  	v33 =	vld.idx.msk [tilespmem:v42+s10+$0x0], $0xffff  }
0x35b: {  	v43 =	vor.u32 v18, v32;
	_ =	sdelay $0x3  }
0x35c: {  	[tilespmem:v17+s18+$0xFFFFFF00] =	vst.idx.msk $0xffff, v33  }
0x35d: {  	v33 =	vld.idx.msk [tilespmem:v43+s10+$0x0], $0xffff  }
0x35e: {  	v44 =	vor.u32 v20, v32;
	_ =	sdelay $0x3  }
0x35f: {  	[tilespmem:v19+s18+$0xFFFFFF00] =	vst.idx.msk $0xffff, v33  }
0x360: {  	v33 =	vld.idx.msk [tilespmem:v44+s10+$0x0], $0xffff  }
0x361: {  	v45 =	vor.u32 v22, v32;
	_ =	sdelay $0x3  }
0x362: {  	[tilespmem:v21+s18+$0xFFFFFF00] =	vst.idx.msk $0xffff, v33  }
0x363: {  	v33 =	vld.idx.msk [tilespmem:v45+s10+$0x0], $0xffff  }
0x364: {  	v46 =	vor.u32 v24, v32;
	_ =	sdelay $0x3  }
0x365: {  	[tilespmem:v23+s18+$0xFFFFFF00] =	vst.idx.msk $0xffff, v33  }
0x366: {  	v33 =	vld.idx.msk [tilespmem:v46+s10+$0x0], $0xffff  }
0x367: {  	v47 =	vor.u32 v26, v32;
	_ =	sdelay $0x3  }
0x368: {  	[tilespmem:v25+s18+$0xFFFFFF00] =	vst.idx.msk $0xffff, v33  }
0x369: {  	v33 =	vld.idx.msk [tilespmem:v47+s10+$0x0], $0xffff  }
0x36a: {  	v48 =	vor.u32 v28, v32;
	_ =	sdelay $0x3  }
0x36b: {  	[tilespmem:v27+s18+$0xFFFFFF00] =	vst.idx.msk $0xffff, v33  }
0x36c: {  	v33 =	vld.idx.msk [tilespmem:v48+s10+$0x0], $0xffff  }
0x36d: {  	v32 =	vor.u32 v30, v32;
	_ =	sdelay $0x3  }
0x36e: {  	[tilespmem:v29+s18+$0xFFFFFF00] =	vst.idx.msk $0xffff, v33  }
0x36f: {  	v32 =	vld.idx.msk [tilespmem:v32+s10+$0x0], $0xffff;
	_ =	sdelay $0x4  }
0x370: {  	[tilespmem:v31+s18+$0xFFFFFF00] =	vst.idx.msk $0xffff, v32  }
0x371: {  	v32 =	vld [tilespmem:s19+$0x1B0];
	_ =	sdelay $0x4  }
0x372: {  	v32 =	vshll.u32 v32, $0x4  }
0x373: {  	v49 =	vor.u32 v0, v32;
	_ =	sdelay $0x4  }
0x374: {  	v33 =	vld.idx.msk [tilespmem:v49+s10+$0x0], $0xffff  }
0x375: {  	v50 =	vor.u32 v2, v32;
	_ =	sdelay $0x3  }
0x376: {  	[tilespmem:v1+s18+$0x0] =	vst.idx.msk $0xffff, v33  }
0x377: {  	v33 =	vld.idx.msk [tilespmem:v50+s10+$0x0], $0xffff  }
0x378: {  	v51 =	vor.u32 v5, v32;
	_ =	sdelay $0x3  }
0x379: {  	[tilespmem:v3+s18+$0x0] =	vst.idx.msk $0xffff, v33  }
0x37a: {  	v33 =	vld.idx.msk [tilespmem:v51+s10+$0x0], $0xffff  }
0x37b: {  	v52 =	vor.u32 v7, v32;
	_ =	sdelay $0x3  }
0x37c: {  	[tilespmem:v6+s18+$0x0] =	vst.idx.msk $0xffff, v33  }
0x37d: {  	v33 =	vld.idx.msk [tilespmem:v52+s10+$0x0], $0xffff  }
0x37e: {  	v53 =	vor.u32 v9, v32;
	_ =	sdelay $0x3  }
0x37f: {  	[tilespmem:v8+s18+$0x0] =	vst.idx.msk $0xffff, v33  }
0x380: {  	v33 =	vld.idx.msk [tilespmem:v53+s10+$0x0], $0xffff  }
0x381: {  	v54 =	vor.u32 v11, v32;
	_ =	sdelay $0x3  }
0x382: {  	[tilespmem:v10+s18+$0x0] =	vst.idx.msk $0xffff, v33  }
0x383: {  	v33 =	vld.idx.msk [tilespmem:v54+s10+$0x0], $0xffff  }
0x384: {  	v55 =	vor.u32 v13, v32;
	_ =	sdelay $0x3  }
0x385: {  	[tilespmem:v12+s18+$0x0] =	vst.idx.msk $0xffff, v33  }
0x386: {  	v33 =	vld.idx.msk [tilespmem:v55+s10+$0x0], $0xffff  }
0x387: {  	v56 =	vor.u32 v15, v32;
	_ =	sdelay $0x3  }
0x388: {  	[tilespmem:v14+s18+$0x0] =	vst.idx.msk $0xffff, v33  }
0x389: {  	v33 =	vld.idx.msk [tilespmem:v56+s10+$0x0], $0xffff  }
0x38a: {  	v57 =	vor.u32 v4, v32;
	_ =	sdelay $0x3  }
0x38b: {  	[tilespmem:v16+s18+$0x0] =	vst.idx.msk $0xffff, v33  }
0x38c: {  	v33 =	vld.idx.msk [tilespmem:v57+s10+$0x0], $0xffff  }
0x38d: {  	v58 =	vor.u32 v18, v32;
	_ =	sdelay $0x3  }
0x38e: {  	[tilespmem:v17+s18+$0x0] =	vst.idx.msk $0xffff, v33  }
0x38f: {  	v33 =	vld.idx.msk [tilespmem:v58+s10+$0x0], $0xffff  }
0x390: {  	v59 =	vor.u32 v20, v32;
	_ =	sdelay $0x3  }
0x391: {  	[tilespmem:v19+s18+$0x0] =	vst.idx.msk $0xffff, v33  }
0x392: {  	v33 =	vld.idx.msk [tilespmem:v59+s10+$0x0], $0xffff  }
0x393: {  	v60 =	vor.u32 v22, v32;
	_ =	sdelay $0x3  }
0x394: {  	[tilespmem:v21+s18+$0x0] =	vst.idx.msk $0xffff, v33  }
0x395: {  	v33 =	vld.idx.msk [tilespmem:v60+s10+$0x0], $0xffff  }
0x396: {  	v61 =	vor.u32 v24, v32;
	_ =	sdelay $0x3  }
0x397: {  	[tilespmem:v23+s18+$0x0] =	vst.idx.msk $0xffff, v33  }
0x398: {  	v33 =	vld.idx.msk [tilespmem:v61+s10+$0x0], $0xffff  }
0x399: {  	v62 =	vor.u32 v26, v32;
	_ =	sdelay $0x3  }
0x39a: {  	[tilespmem:v25+s18+$0x0] =	vst.idx.msk $0xffff, v33  }
0x39b: {  	v33 =	vld.idx.msk [tilespmem:v62+s10+$0x0], $0xffff  }
0x39c: {  	v63 =	vor.u32 v28, v32;
	_ =	sdelay $0x3  }
0x39d: {  	[tilespmem:v27+s18+$0x0] =	vst.idx.msk $0xffff, v33  }
0x39e: {  	v33 =	vld.idx.msk [tilespmem:v63+s10+$0x0], $0xffff  }
0x39f: {  	v32 =	vor.u32 v30, v32;
	_ =	sdelay $0x3  }
0x3a0: {  	[tilespmem:v29+s18+$0x0] =	vst.idx.msk $0xffff, v33  }
0x3a1: {  	p0 =	sne.s32 s17, $0x100;
	v32 =	vld.idx.msk [tilespmem:v32+s10+$0x0], $0xffff  }
.Ltmp3:
0x3a2: {  	_ = 	snop;
	(pc) =	sbr.rel @p0 .LBB2_8-.Ltmp3, $2  }
0x3a3: {  	_ =	sdelay $0x2  }
0x3a4: {  	s17 =	sadd.s32 $0x100, s17;
	[tilespmem:v31+s18+$0x0] =	vst.idx.msk $0xffff, v32;
	s18 =	sadd.s32 $0x400, s18  }
0x3a5: {  	[hbm4b:s8+s2] =	stream.linear.scatter [tilespmem:s15], [sflag:$0x1], $0x800, $0x38;
	[tilespmem:$0x2280] =	vst v63  }
0x3a6: {  	_ =	swait.ge [sflag:s11], $0x800  }
0x3a7: {  	[sflag:s11] =	ssyncset.done $0x0  }
0x3a8: {  	[sflag:s11] =	ssyncadd.s32 $0xFFFFF800  }
0x3a9: {  	_ =	swait.ge [sflag:s11], $0x800  }
0x3aa: {  	[sflag:s11] =	ssyncset.done $0x0  }
0x3ab: {  	s16 =	sadd.s32 $0x1, s16;
	[sflag:s11] =	ssyncadd.s32 $0xFFFFF800  }
0x3ac: {  	p0 =	sne.s32 s16, s9;
	_ =	swait.ge [sflag:s11], $0x800  }
.Ltmp4:
0x3ad: {  	[sflag:s11] =	ssyncset.done $0x0;
	(pc) =	sbr.rel @p0 .LBB2_1-.Ltmp4, $4  }
0x3ae: {  	[sflag:s11] =	ssyncadd.s32 $0xFFFFF800  }
0x3af: {  	_ =	swait.ge [sflag:s11], $0x800  }
0x3b0: {  	[sflag:s11] =	ssyncset.done $0x0  }
0x3b1: {  	[sflag:s11] =	ssyncadd.s32 $0xFFFFF800  }
0x3b2: {  	_ =	sfence.sel $0x180000  }
0x3b3: {  	[bflag:$0x0] =	sbarrier.arrive $0xFFFF  }
0x3b4: {  	p0 =	sne.s32 s1, $0x0;
	_ =	strace $0x90000047  }
0x3b5: {  	s0 =	sadd.s32 @!p0 $0x100000, s0;
	[bflag:$0x2] =	sbarrier.arrive $0xFFFF  }
0x3b6: {  	[sflag:s0] =	ssyncadd.tile.s32 @!p0 $0x1;
	_ =	shalt  }
.Lfunc_end2:
_tile_overlayer_lowered:
.L_overlay_start_2:
0x3b7: {  	(tag) =	ssettag $0x2  }
0x3b8: {  	s0 =	rddreg [dreg:$0x0];
	s2 =	stileid.u32  }
0x3b9: {  	s1 =	rddreg [dreg:$0x1];
	p0 =	sne.s32 s2, $0x0  }
0x3ba: {  	s3 =	rddreg [dreg:$0x2];
	[bflag:$0x3] =	sbarrier.arrive $0xFFFF;
	s2 =	simm.s32 @!p0 $0x1C02  }
0x3bb: {  	[timem:s3], [sflag:s2] =	dma.local @!p0 [hbm:s0], s1  }
0x3bc: {  	s0 =	simm.s32 @!p0 $0x2  }
0x3bd: {  	_ =	swait.ge @!p0 [sflag:s0], s1  }
0x3be: {  	s1 =	ssub.s32 @!p0 $0x0, s1;
	[sflag:s0] =	ssyncset.done @!p0 $0x0  }
0x3bf: {  	[sflag:s0] =	ssyncadd.s32 @!p0 s1  }
0x3c0: {  	[bflag:$0x3] =	sbarrier.arrive $0xFFFF  }
0x3c1: {  	_ =	shalt  }

</sc_bundles>
